<compile_context>
chip_gen: v7x
topology: tpu7x:2x2x1
jax: 0.10.2.dev20260603
libtpu: 0.0.44.dev20260713+nightly
codegen_flags: <defaults>
</compile_context>

<pallas_src>
import functools

import jax
import jax.numpy as jnp
from jax import lax
from jax.experimental import pallas as pl
from jax.experimental.pallas import tpu as pltpu
from jax.experimental.pallas import tpu_sc as plsc

N, E, D, H = 10000, 160000, 256, 256
NPAD = 10240
EPAD = 163840
CHUNK = 64
SCH = 64
NSC = 2
NSUB = 16
HHALF = 128
SLAB = NPAD // NSUB
RB = 2000
GRID = N // RB


def _fill_f32(ref, value, nrows):
    ncol = ref.shape[1] // 16

    def body(i, _):
        for k in range(ncol):
            ref[i, pl.ds(k * 16, 16)] = jnp.full((16,), value, jnp.float32)
        return 0

    lax.fori_loop(0, nrows, body, 0)


NQ = NPAD // 128


def _sc_degree(eye, dst3):
    mesh = plsc.VectorSubcoreMesh(
        core_axis_name="c", subcore_axis_name="s", num_cores=NSC,
        num_subcores=NSUB)
    nchunk = EPAD // (NSC * NSUB) // CHUNK

    @functools.partial(
        pl.kernel,
        out_type=jax.ShapeDtypeStruct((NSC, NQ, 128), jnp.float32),
        mesh=mesh,
        scratch_types=[
            pltpu.VMEM((nchunk, CHUNK), jnp.int32),
            pltpu.VMEM((nchunk, CHUNK), jnp.int32),
            pltpu.VMEM((CHUNK, 128), jnp.float32),
            pltpu.VMEM((CHUNK, 128), jnp.float32),
            pltpu.VMEM_SHARED((128, 128), jnp.float32),
            pltpu.VMEM_SHARED((NQ, 128), jnp.float32),
            pltpu.SemaphoreType.DMA,
            pltpu.SemaphoreType.DMA,
        ],
    )
    def deg_kernel(eye_hbm, dst_hbm, out_hbm, idq_v, idm_v, buf0, buf1,
                   eye_sp, acc, sem0, sem1):
        c = lax.axis_index("c")
        s = lax.axis_index("s")
        w = c * NSUB + s

        @pl.when(s == 0)
        def _():
            pltpu.sync_copy(eye_hbm, eye_sp)
            _fill_f32(buf0, 0.0, 16)
            for t in range(NQ // 16):
                pltpu.sync_copy(buf0.at[pl.ds(0, 16)],
                                acc.at[pl.ds(t * 16, 16)])

        plsc.subcore_barrier()
        pltpu.sync_copy(dst_hbm.at[w], idq_v)
        pltpu.sync_copy(dst_hbm.at[w], idm_v)

        def prep(j, _):
            for k in range(CHUNK // 16):
                sl = pl.ds(k * 16, 16)
                idm_v[j, sl] = jnp.bitwise_and(idm_v[j, sl], 127)
                idq_v[j, sl] = lax.shift_right_logical(idq_v[j, sl], 7)
            return 0

        lax.fori_loop(0, nchunk, prep, 0)
        bufs = ((buf0, sem0), (buf1, sem1))
        for b in range(2):
            pltpu.async_copy(eye_sp.at[idm_v.at[b]], bufs[b][0], bufs[b][1])

        def body(i, _):
            for b in range(2):
                buf, sem = bufs[b]
                j = 2 * i + b
                pltpu.make_async_copy(eye_sp.at[idm_v.at[j]], buf, sem).wait()
                pltpu.sync_copy(buf, acc.at[idq_v.at[j]], add=True)

                @pl.when(j + 2 < nchunk)
                def _():
                    pltpu.async_copy(eye_sp.at[idm_v.at[j + 2]], buf, sem)

            return 0

        lax.fori_loop(0, nchunk // 2, body, 0)
        plsc.subcore_barrier()

        @pl.when(s == 0)
        def _():
            pltpu.sync_copy(acc, out_hbm.at[c])

    return deg_kernel(eye, dst3)


def _tc_prep_body(x_r, w1_r, w2_r, deg_r, h_r, whh_r, bhh_r, y_r, gh_r):
    wsum = w1_r[...] + w2_r[...]
    xw = lax.dot_general(x_r[...], wsum, (((1,), (1,)), ((), ())),
                         preferred_element_type=jnp.float32)
    dinv = lax.rsqrt(deg_r[...] + 1.0)
    y = xw * dinv
    y_r[0] = y[:, :HHALF]
    y_r[1] = y[:, HHALF:]
    gh_r[...] = lax.dot_general(h_r[...], whh_r[...], (((1,), (1,)), ((), ())),
                                preferred_element_type=jnp.float32) + bhh_r[...]


def _tc_prep(x, W1, W2, degf, h2, W_hh, b_hh2):
    return pl.pallas_call(
        _tc_prep_body,
        grid=(GRID,),
        in_specs=[
            pl.BlockSpec((RB, D), lambda i: (i, 0)),
            pl.BlockSpec((H, D), lambda i: (0, 0)),
            pl.BlockSpec((H, D), lambda i: (0, 0)),
            pl.BlockSpec((RB, 1), lambda i: (i, 0)),
            pl.BlockSpec((1, H), lambda i: (0, 0)),
            pl.BlockSpec((3 * H, H), lambda i: (0, 0)),
            pl.BlockSpec((1, 3 * H), lambda i: (0, 0)),
        ],
        out_specs=[
            pl.BlockSpec((NSC, RB, HHALF), lambda i: (0, i, 0)),
            pl.BlockSpec((1, 3 * H), lambda i: (0, 0)),
        ],
        out_shape=[
            jax.ShapeDtypeStruct((NSC, NPAD, HHALF), jnp.float32),
            jax.ShapeDtypeStruct((1, 3 * H), jnp.float32),
        ],
    )(x, W1, W2, degf, h2, W_hh, b_hh2)


def _sc_scatter(yflat, srcT, dstT):
    mesh = plsc.VectorSubcoreMesh(
        core_axis_name="c", subcore_axis_name="s", num_cores=NSC,
        num_subcores=NSUB)
    nchunk = EPAD // NSUB // SCH
    nstage = nchunk // 2

    @functools.partial(
        pl.kernel,
        out_type=jax.ShapeDtypeStruct((NSC, NPAD, HHALF), jnp.float32),
        mesh=mesh,
        scratch_types=[
            pltpu.VMEM((nstage, SCH), jnp.int32),
            pltpu.VMEM((nstage, SCH), jnp.int32),
            pltpu.VMEM((SCH, HHALF), jnp.float32),
            pltpu.VMEM((SCH, HHALF), jnp.float32),
            pltpu.VMEM_SHARED((NPAD, HHALF), jnp.float32),
            pltpu.SemaphoreType.DMA,
            pltpu.SemaphoreType.DMA,
        ],
    )
    def scat_kernel(y_hbm, src_hbm, dst_hbm, out_hbm,
                    isrc, idst, rows0, rows1, acc, sem0, sem1):
        c = lax.axis_index("c")
        s = lax.axis_index("s")
        _fill_f32(rows0, 0.0, SCH)
        for t in range(SLAB // SCH):
            pltpu.sync_copy(rows0, acc.at[pl.ds(s * SLAB + t * SCH, SCH)])
        plsc.subcore_barrier()
        off = c * NPAD
        bufs = ((rows0, sem0), (rows1, sem1))

        for m in range(2):
            pltpu.sync_copy(src_hbm.at[s, m], isrc)
            pltpu.sync_copy(dst_hbm.at[s, m], idst)

            def add_off(j, _):
                for k in range(SCH // 16):
                    sl = pl.ds(k * 16, 16)
                    isrc[j, sl] = isrc[j, sl] + off
                return 0

            lax.fori_loop(0, nstage, add_off, 0)

            for b in range(2):
                rows, sem = bufs[b]
                pltpu.async_copy(y_hbm.at[isrc.at[b]], rows, sem)

            def body(i, _):
                for b in range(2):
                    rows, sem = bufs[b]
                    j = 2 * i + b
                    pltpu.make_async_copy(y_hbm.at[isrc.at[j]], rows,
                                          sem).wait()
                    pltpu.sync_copy(rows, acc.at[idst.at[j]], add=True)

                    @pl.when(j + 2 < nstage)
                    def _():
                        pltpu.async_copy(y_hbm.at[isrc.at[j + 2]], rows, sem)

                return 0

            lax.fori_loop(0, nstage // 2, body, 0)
        plsc.subcore_barrier()
        pltpu.sync_copy(acc.at[pl.ds(s * SLAB, SLAB)],
                        out_hbm.at[c, pl.ds(s * SLAB, SLAB)])

    return scat_kernel(yflat, srcT, dstT)


def _tc_final_body(S_r, y_r, deg_r, b1_r, b2_r, wih_r, bih_r, gh_r, h_r,
                   hn_r, psum_r, psq_r):
    dinv = lax.rsqrt(deg_r[...] + 1.0)
    g = jnp.concatenate([S_r[0] + y_r[0], S_r[1] + y_r[1]], axis=1)
    g = jax.nn.relu(g * dinv + (b1_r[...] + b2_r[...]))
    gi = lax.dot_general(g, wih_r[...], (((1,), (1,)), ((), ())),
                         preferred_element_type=jnp.float32) + bih_r[...]
    gh = gh_r[...]
    r = jax.nn.sigmoid(gi[:, :H] + gh[:, :H])
    z = jax.nn.sigmoid(gi[:, H:2 * H] + gh[:, H:2 * H])
    n = jnp.tanh(gi[:, 2 * H:] + r * gh[:, 2 * H:])
    h_new = (1.0 - z) * n + z * h_r[...]
    hn_r[...] = h_new
    psum_r[...] = jnp.sum(h_new, axis=0, keepdims=True)[None]
    psq_r[...] = jnp.sum(h_new * h_new, axis=0, keepdims=True)[None]


def _tc_final(S, y, degf, b1_2, b2_2, W_ih, b_ih2, gh, h2):
    return pl.pallas_call(
        _tc_final_body,
        grid=(GRID,),
        in_specs=[
            pl.BlockSpec((NSC, RB, HHALF), lambda i: (0, i, 0)),
            pl.BlockSpec((NSC, RB, HHALF), lambda i: (0, i, 0)),
            pl.BlockSpec((RB, 1), lambda i: (i, 0)),
            pl.BlockSpec((1, H), lambda i: (0, 0)),
            pl.BlockSpec((1, H), lambda i: (0, 0)),
            pl.BlockSpec((3 * H, H), lambda i: (0, 0)),
            pl.BlockSpec((1, 3 * H), lambda i: (0, 0)),
            pl.BlockSpec((1, 3 * H), lambda i: (0, 0)),
            pl.BlockSpec((1, H), lambda i: (0, 0)),
        ],
        out_specs=[
            pl.BlockSpec((RB, H), lambda i: (i, 0)),
            pl.BlockSpec((1, 1, H), lambda i: (i, 0, 0)),
            pl.BlockSpec((1, 1, H), lambda i: (i, 0, 0)),
        ],
        out_shape=[
            jax.ShapeDtypeStruct((N, H), jnp.float32),
            jax.ShapeDtypeStruct((GRID, 1, H), jnp.float32),
            jax.ShapeDtypeStruct((GRID, 1, H), jnp.float32),
        ],
    )(S, y, degf, b1_2, b2_2, W_ih, b_ih2, gh, h2)


def _tc_norm_body(hn_r, psum_r, psq_r, gamma_r, beta_r, out_r):
    tot = jnp.sum(psum_r[...], axis=0)
    tot2 = jnp.sum(psq_r[...], axis=0)
    mean = tot * (1.0 / N)
    var = tot2 * (1.0 / N) - mean * mean
    inv = gamma_r[...] * lax.rsqrt(var + 1e-5)
    out_r[...] = (hn_r[...] - mean) * inv + beta_r[...]


def _tc_norm(hn, psum, psq, gamma2, beta2):
    return pl.pallas_call(
        _tc_norm_body,
        grid=(GRID,),
        in_specs=[
            pl.BlockSpec((RB, H), lambda i: (i, 0)),
            pl.BlockSpec((GRID, 1, H), lambda i: (0, 0, 0)),
            pl.BlockSpec((GRID, 1, H), lambda i: (0, 0, 0)),
            pl.BlockSpec((1, H), lambda i: (0, 0)),
            pl.BlockSpec((1, H), lambda i: (0, 0)),
        ],
        out_specs=pl.BlockSpec((RB, H), lambda i: (i, 0)),
        out_shape=jax.ShapeDtypeStruct((N, H), jnp.float32),
    )(hn, psum, psq, gamma2, beta2)


def kernel(x, edge_index, h, W1, b1, W2, b2, W_ih, b_ih, W_hh, b_hh,
           gamma, beta):
    src = edge_index[0]
    dst = edge_index[1]
    pad = jnp.full((EPAD - E,), N, jnp.int32)
    srcp = jnp.concatenate([src, pad])
    dstp = jnp.concatenate([dst, pad])

    eye = jnp.eye(128, dtype=jnp.float32)
    degH = _sc_degree(eye, dstp.reshape(NSC * NSUB, -1, CHUNK))
    degf = (degH[0] + degH[1]).reshape(NPAD, 1)

    h2 = h.reshape(1, H)
    y, gh = _tc_prep(x, W1, W2, degf, h2, W_hh, b_hh.reshape(1, 3 * H))

    S = _sc_scatter(y.reshape(NSC * NPAD, HHALF),
                    srcp.reshape(NSUB, 2, -1, SCH),
                    dstp.reshape(NSUB, 2, -1, SCH))

    hn, psum, psq = _tc_final(S, y, degf, b1.reshape(1, H), b2.reshape(1, H),
                              W_ih, b_ih.reshape(1, 3 * H), gh, h2)
    return _tc_norm(hn, psum, psq, gamma.reshape(1, H), beta.reshape(1, H))

# --- scband reference (transcript-rebuilt; emitter-appended) ---
"""Pipeline reference for scband-dcrnncell-89936615178297 (READ-ONLY COPY).

The authoritative reference and input builder live on the scoring server;
editing this copy changes nothing except your own understanding.
"""

import jax, jax.numpy as jnp
import numpy as np

N, E, D, H = 10000, 160000, 256, 256


def setup_inputs(seed: int = 0):
    key = jax.random.key(seed)
    ks = jax.random.split(key, 9)
    x = jax.random.normal(ks[0], (N, D), dtype=jnp.float32)
    edge_index = jax.random.randint(ks[1], (2, E), 0, N, dtype=jnp.int32)
    h = jax.random.normal(ks[2], (H,), dtype=jnp.float32)
    s = 1.0 / np.sqrt(D)
    W1 = jax.random.normal(ks[3], (H, D), dtype=jnp.float32) * s
    b1 = jnp.zeros((H,), dtype=jnp.float32)
    W2 = jax.random.normal(ks[4], (H, D), dtype=jnp.float32) * s
    b2 = jnp.zeros((H,), dtype=jnp.float32)
    sh = 1.0 / np.sqrt(H)
    W_ih = jax.random.normal(ks[5], (3 * H, H), dtype=jnp.float32) * sh
    b_ih = jax.random.normal(ks[6], (3 * H,), dtype=jnp.float32) * sh
    W_hh = jax.random.normal(ks[7], (3 * H, H), dtype=jnp.float32) * sh
    b_hh = jax.random.normal(ks[8], (3 * H,), dtype=jnp.float32) * sh
    gamma = jnp.ones((H,), dtype=jnp.float32)
    beta = jnp.zeros((H,), dtype=jnp.float32)
    return {"x": x, "edge_index": edge_index, "h": h, "W1": W1, "b1": b1, "W2": W2, "b2": b2, "W_ih": W_ih, "b_ih": b_ih, "W_hh": W_hh, "b_hh": b_hh, "gamma": gamma, "beta": beta}


def _gcn_conv(x, src, dst, W, b):
    n = x.shape[0]
    loop = jnp.arange(n, dtype=src.dtype)
    s = jnp.concatenate([src, loop])
    d = jnp.concatenate([dst, loop])
    deg = jax.ops.segment_sum(jnp.ones_like(s, dtype=x.dtype), d, num_segments=n)
    dinv = jnp.where(deg > 0, 1.0 / jnp.sqrt(deg), 0.0)
    norm = dinv[s] * dinv[d]
    xw = x @ W.T
    msg = xw[s] * norm[:, None]
    out = jax.ops.segment_sum(msg, d, num_segments=n)
    return out + b


def reference(x, edge_index, h, W1, b1, W2, b2, W_ih, b_ih, W_hh, b_hh, gamma, beta):
    src, dst = edge_index[0], edge_index[1]
    # DiffusionGraphConv: sum of two GCNConvs + ReLU
    g = _gcn_conv(x, src, dst, W1, b1) + _gcn_conv(x, src, dst, W2, b2)
    g = jax.nn.relu(g)
    # GRUCell applied per-row with the SAME shared h (the torch loop never updates h),
    # so it vectorizes exactly over dim 0.
    gi = g @ W_ih.T + b_ih
    gh = h @ W_hh.T + b_hh
    i_r, i_z, i_n = jnp.split(gi, 3, axis=-1)
    h_r, h_z, h_n = jnp.split(gh, 3, axis=-1)
    r = jax.nn.sigmoid(i_r + h_r)
    z = jax.nn.sigmoid(i_z + h_z)
    n = jnp.tanh(i_n + r * h_n)
    h_new = (1.0 - z) * n + z * h
    # BatchNorm1d (training-mode batch statistics over the node dimension)
    mean = jnp.mean(h_new, axis=0)
    var = jnp.var(h_new, axis=0)
    out = gamma * (h_new - mean) / jnp.sqrt(var + 1e-5) + beta
    return out

if __name__ == "__main__":
    import jax
    _d = setup_inputs()
    print(jax.jit(kernel)(*tuple(_d.values())))

</pallas_src>

<mosaic_0001>
#map = affine_map<(d0, d1) -> (0, 0)>
#map1 = affine_map<(d0, d1) -> (0, 0, 0, 0)>
#map2 = affine_map<(d0, d1) -> (0, 0, 0)>
module attributes {stable_mosaic.version = 14 : i64} {
  func.func @scat_kernel(%arg0: i32, %arg1: i32, %arg2: memref<20480x128xf32, #tpu.memory_space<hbm>>, %arg3: memref<16x2x80x64xi32, #tpu.memory_space<hbm>>, %arg4: memref<16x2x80x64xi32, #tpu.memory_space<hbm>>, %arg5: memref<2x10240x128xf32, #tpu.memory_space<hbm>>, %arg6: memref<80x64xi32, #tpu.memory_space<vmem>>, %arg7: memref<80x64xi32, #tpu.memory_space<vmem>>, %arg8: memref<64x128xf32, #tpu.memory_space<vmem>>, %arg9: memref<64x128xf32, #tpu.memory_space<vmem>>, %arg10: memref<10240x128xf32, #tpu.memory_space<vmem_shared>>, %arg11: memref<!tpu.dma_semaphore, #tpu.memory_space<semaphore_mem>>, %arg12: memref<!tpu.dma_semaphore, #tpu.memory_space<semaphore_mem>>) attributes {dimension_semantics = [#tpu.dimension_semantics<core_parallel>, #tpu.dimension_semantics<subcore_parallel>], iteration_bounds = array<i64: 2, 16>, scalar_prefetch = 0 : i64, scratch_operands = 7 : i64, tpu.core_type = #tpu.core_type<sc_vector_subcore>, window_params = [{transform_indices = #map}, {transform_indices = #map1}, {transform_indices = #map1}, {transform_indices = #map2}]} {
    %scan3A = arith.constant 0 : i32
    %scan3A_0 = arith.constant 0 : i32
    %scan3A_1 = arith.constant 64 : i32
    %scan3A_2 = arith.addi %scan3A_0, %scan3A_1 : i32
    %scan3A_3 = arith.constant 1 : i32
    %scan3A_4 = scf.for %scan3A_109 = %scan3A_0 to %scan3A_2 step %scan3A_3 iter_args(%scan3A_110 = %scan3A) -> (i32)  : i32 {
      %broadcast_in_dim3A = arith.constant 0.000000e+00 : f32
      %broadcast_in_dim3A_111 = vector.broadcast %broadcast_in_dim3A : f32 to vector<16xf32>
      %swap3A = arith.index_cast %scan3A_109 : i32 to index
      %swap3A_112 = arith.constant 0 : index
      %swap3A_113 = tpu.vector_load %arg8[%swap3A, %swap3A_112] {strides = array<i32>} : memref<64x128xf32, #tpu.memory_space<vmem>>, vector<1x16xf32>,
      %swap3A_114 = vector.shape_cast %swap3A_113 : vector<1x16xf32> to vector<16xf32>
      %swap3A_115 = vector.shape_cast %broadcast_in_dim3A_111 : vector<16xf32> to vector<1x16xf32>
      tpu.vector_store %arg8[%swap3A, %swap3A_112], %swap3A_115 {strides = array<i32>} : memref<64x128xf32, #tpu.memory_space<vmem>>, vector<1x16xf32>,
      %broadcast_in_dim3A_116 = arith.constant 0.000000e+00 : f32
      %broadcast_in_dim3A_117 = vector.broadcast %broadcast_in_dim3A_116 : f32 to vector<16xf32>
      %swap3A_118 = arith.index_cast %scan3A_109 : i32 to index
      %swap3A_119 = arith.constant 16 : index
      %swap3A_120 = tpu.vector_load %arg8[%swap3A_118, %swap3A_119] {strides = array<i32>} : memref<64x128xf32, #tpu.memory_space<vmem>>, vector<1x16xf32>,
      %swap3A_121 = vector.shape_cast %swap3A_120 : vector<1x16xf32> to vector<16xf32>
      %swap3A_122 = vector.shape_cast %broadcast_in_dim3A_117 : vector<16xf32> to vector<1x16xf32>
      tpu.vector_store %arg8[%swap3A_118, %swap3A_119], %swap3A_122 {strides = array<i32>} : memref<64x128xf32, #tpu.memory_space<vmem>>, vector<1x16xf32>,
      %broadcast_in_dim3A_123 = arith.constant 0.000000e+00 : f32
      %broadcast_in_dim3A_124 = vector.broadcast %broadcast_in_dim3A_123 : f32 to vector<16xf32>
      %swap3A_125 = arith.index_cast %scan3A_109 : i32 to index
      %swap3A_126 = arith.constant 32 : index
      %swap3A_127 = tpu.vector_load %arg8[%swap3A_125, %swap3A_126] {strides = array<i32>} : memref<64x128xf32, #tpu.memory_space<vmem>>, vector<1x16xf32>,
      %swap3A_128 = vector.shape_cast %swap3A_127 : vector<1x16xf32> to vector<16xf32>
      %swap3A_129 = vector.shape_cast %broadcast_in_dim3A_124 : vector<16xf32> to vector<1x16xf32>
      tpu.vector_store %arg8[%swap3A_125, %swap3A_126], %swap3A_129 {strides = array<i32>} : memref<64x128xf32, #tpu.memory_space<vmem>>, vector<1x16xf32>,
      %broadcast_in_dim3A_130 = arith.constant 0.000000e+00 : f32
      %broadcast_in_dim3A_131 = vector.broadcast %broadcast_in_dim3A_130 : f32 to vector<16xf32>
      %swap3A_132 = arith.index_cast %scan3A_109 : i32 to index
      %swap3A_133 = arith.constant 48 : index
      %swap3A_134 = tpu.vector_load %arg8[%swap3A_132, %swap3A_133] {strides = array<i32>} : memref<64x128xf32, #tpu.memory_space<vmem>>, vector<1x16xf32>,
      %swap3A_135 = vector.shape_cast %swap3A_134 : vector<1x16xf32> to vector<16xf32>
      %swap3A_136 = vector.shape_cast %broadcast_in_dim3A_131 : vector<16xf32> to vector<1x16xf32>
      tpu.vector_store %arg8[%swap3A_132, %swap3A_133], %swap3A_136 {strides = array<i32>} : memref<64x128xf32, #tpu.memory_space<vmem>>, vector<1x16xf32>,
      %broadcast_in_dim3A_137 = arith.constant 0.000000e+00 : f32
      %broadcast_in_dim3A_138 = vector.broadcast %broadcast_in_dim3A_137 : f32 to vector<16xf32>
      %swap3A_139 = arith.index_cast %scan3A_109 : i32 to index
      %swap3A_140 = arith.constant 64 : index
      %swap3A_141 = tpu.vector_load %arg8[%swap3A_139, %swap3A_140] {strides = array<i32>} : memref<64x128xf32, #tpu.memory_space<vmem>>, vector<1x16xf32>,
      %swap3A_142 = vector.shape_cast %swap3A_141 : vector<1x16xf32> to vector<16xf32>
      %swap3A_143 = vector.shape_cast %broadcast_in_dim3A_138 : vector<16xf32> to vector<1x16xf32>
      tpu.vector_store %arg8[%swap3A_139, %swap3A_140], %swap3A_143 {strides = array<i32>} : memref<64x128xf32, #tpu.memory_space<vmem>>, vector<1x16xf32>,
      %broadcast_in_dim3A_144 = arith.constant 0.000000e+00 : f32
      %broadcast_in_dim3A_145 = vector.broadcast %broadcast_in_dim3A_144 : f32 to vector<16xf32>
      %swap3A_146 = arith.index_cast %scan3A_109 : i32 to index
      %swap3A_147 = arith.constant 80 : index
      %swap3A_148 = tpu.vector_load %arg8[%swap3A_146, %swap3A_147] {strides = array<i32>} : memref<64x128xf32, #tpu.memory_space<vmem>>, vector<1x16xf32>,
      %swap3A_149 = vector.shape_cast %swap3A_148 : vector<1x16xf32> to vector<16xf32>
      %swap3A_150 = vector.shape_cast %broadcast_in_dim3A_145 : vector<16xf32> to vector<1x16xf32>
      tpu.vector_store %arg8[%swap3A_146, %swap3A_147], %swap3A_150 {strides = array<i32>} : memref<64x128xf32, #tpu.memory_space<vmem>>, vector<1x16xf32>,
      %broadcast_in_dim3A_151 = arith.constant 0.000000e+00 : f32
      %broadcast_in_dim3A_152 = vector.broadcast %broadcast_in_dim3A_151 : f32 to vector<16xf32>
      %swap3A_153 = arith.index_cast %scan3A_109 : i32 to index
      %swap3A_154 = arith.constant 96 : index
      %swap3A_155 = tpu.vector_load %arg8[%swap3A_153, %swap3A_154] {strides = array<i32>} : memref<64x128xf32, #tpu.memory_space<vmem>>, vector<1x16xf32>,
      %swap3A_156 = vector.shape_cast %swap3A_155 : vector<1x16xf32> to vector<16xf32>
      %swap3A_157 = vector.shape_cast %broadcast_in_dim3A_152 : vector<16xf32> to vector<1x16xf32>
      tpu.vector_store %arg8[%swap3A_153, %swap3A_154], %swap3A_157 {strides = array<i32>} : memref<64x128xf32, #tpu.memory_space<vmem>>, vector<1x16xf32>,
      %broadcast_in_dim3A_158 = arith.constant 0.000000e+00 : f32
      %broadcast_in_dim3A_159 = vector.broadcast %broadcast_in_dim3A_158 : f32 to vector<16xf32>
      %swap3A_160 = arith.index_cast %scan3A_109 : i32 to index
      %swap3A_161 = arith.constant 112 : index
      %swap3A_162 = tpu.vector_load %arg8[%swap3A_160, %swap3A_161] {strides = array<i32>} : memref<64x128xf32, #tpu.memory_space<vmem>>, vector<1x16xf32>,
      %swap3A_163 = vector.shape_cast %swap3A_162 : vector<1x16xf32> to vector<16xf32>
      %swap3A_164 = vector.shape_cast %broadcast_in_dim3A_159 : vector<16xf32> to vector<1x16xf32>
      tpu.vector_store %arg8[%swap3A_160, %swap3A_161], %swap3A_164 {strides = array<i32>} : memref<64x128xf32, #tpu.memory_space<vmem>>, vector<1x16xf32>,
      %scan3A_165 = arith.constant 0 : i32
      scf.yield %scan3A_165 : i32
    }
    %scan3A_5 = arith.constant 64 : i32
    %mul3A = arith.constant 640 : i32
    %mul3A_6 = arith.muli %arg1, %mul3A : i32
    %add3A = arith.constant 0 : i32
    %add3A_7 = arith.addi %mul3A_6, %add3A : i32
    "tpu.region"() ({
      %run_scoped3A_109 = tpu.sem_alloc : memref<!tpu.dma_semaphore, #tpu.memory_space<semaphore_mem>>
      %dma_start3A_110 = arith.constant 0 : i32
      %dma_start3A_111 = tpu.memref_slice %arg10[%add3A_7, %dma_start3A_110] : memref<10240x128xf32, #tpu.memory_space<vmem_shared>> -> memref<64x128xf32, #tpu.memory_space<vmem_shared>>
      %dma_start3A_112 = arith.constant 0 : i32
      %dma_start3A_113 = tpu.memref_slice %arg10[%add3A_7, %dma_start3A_112] : memref<10240x128xf32, #tpu.memory_space<vmem_shared>> -> memref<64x128xf32, #tpu.memory_space<vmem_shared>>
      tpu.enqueue_dma source(%arg8 : memref<64x128xf32, #tpu.memory_space<vmem>>) target(%dma_start3A_113 : memref<64x128xf32, #tpu.memory_space<vmem_shared>>) target_semaphore(%run_scoped3A_109 : memref<!tpu.dma_semaphore, #tpu.memory_space<semaphore_mem>>)
      %dma_wait3A = arith.constant 0 : i32
      %dma_wait3A_114 = tpu.memref_slice %arg10[%add3A_7, %dma_wait3A] : memref<10240x128xf32, #tpu.memory_space<vmem_shared>> -> memref<64x128xf32, #tpu.memory_space<vmem_shared>>
      %dma_wait3A_115 = arith.constant 0 : i32
      %dma_wait3A_116 = tpu.memref_slice %arg10[%add3A_7, %dma_wait3A_115] : memref<10240x128xf32, #tpu.memory_space<vmem_shared>> -> memref<64x128xf32, #tpu.memory_space<vmem_shared>>
      tpu.wait_dma2 semaphore(%run_scoped3A_109 : memref<!tpu.dma_semaphore, #tpu.memory_space<semaphore_mem>>) src(%arg8 : memref<64x128xf32, #tpu.memory_space<vmem>>) dst(%dma_wait3A_116 : memref<64x128xf32, #tpu.memory_space<vmem_shared>>)
      tpu.yield
    }) : () -> ()
    %mul3A_8 = arith.constant 640 : i32
    %mul3A_9 = arith.muli %arg1, %mul3A_8 : i32
    %add3A_10 = arith.constant 64 : i32
    %add3A_11 = arith.addi %mul3A_9, %add3A_10 : i32
    "tpu.region"() ({
      %run_scoped3A_109 = tpu.sem_alloc : memref<!tpu.dma_semaphore, #tpu.memory_space<semaphore_mem>>
      %dma_start3A_110 = arith.constant 0 : i32
      %dma_start3A_111 = tpu.memref_slice %arg10[%add3A_11, %dma_start3A_110] : memref<10240x128xf32, #tpu.memory_space<vmem_shared>> -> memref<64x128xf32, #tpu.memory_space<vmem_shared>>
      %dma_start3A_112 = arith.constant 0 : i32
      %dma_start3A_113 = tpu.memref_slice %arg10[%add3A_11, %dma_start3A_112] : memref<10240x128xf32, #tpu.memory_space<vmem_shared>> -> memref<64x128xf32, #tpu.memory_space<vmem_shared>>
      tpu.enqueue_dma source(%arg8 : memref<64x128xf32, #tpu.memory_space<vmem>>) target(%dma_start3A_113 : memref<64x128xf32, #tpu.memory_space<vmem_shared>>) target_semaphore(%run_scoped3A_109 : memref<!tpu.dma_semaphore, #tpu.memory_space<semaphore_mem>>)
      %dma_wait3A = arith.constant 0 : i32
      %dma_wait3A_114 = tpu.memref_slice %arg10[%add3A_11, %dma_wait3A] : memref<10240x128xf32, #tpu.memory_space<vmem_shared>> -> memref<64x128xf32, #tpu.memory_space<vmem_shared>>
      %dma_wait3A_115 = arith.constant 0 : i32
      %dma_wait3A_116 = tpu.memref_slice %arg10[%add3A_11, %dma_wait3A_115] : memref<10240x128xf32, #tpu.memory_space<vmem_shared>> -> memref<64x128xf32, #tpu.memory_space<vmem_shared>>
      tpu.wait_dma2 semaphore(%run_scoped3A_109 : memref<!tpu.dma_semaphore, #tpu.memory_space<semaphore_mem>>) src(%arg8 : memref<64x128xf32, #tpu.memory_space<vmem>>) dst(%dma_wait3A_116 : memref<64x128xf32, #tpu.memory_space<vmem_shared>>)
      tpu.yield
    }) : () -> ()
    %mul3A_12 = arith.constant 640 : i32
    %mul3A_13 = arith.muli %arg1, %mul3A_12 : i32
    %add3A_14 = arith.constant 128 : i32
    %add3A_15 = arith.addi %mul3A_13, %add3A_14 : i32
    "tpu.region"() ({
      %run_scoped3A_109 = tpu.sem_alloc : memref<!tpu.dma_semaphore, #tpu.memory_space<semaphore_mem>>
      %dma_start3A_110 = arith.constant 0 : i32
      %dma_start3A_111 = tpu.memref_slice %arg10[%add3A_15, %dma_start3A_110] : memref<10240x128xf32, #tpu.memory_space<vmem_shared>> -> memref<64x128xf32, #tpu.memory_space<vmem_shared>>
      %dma_start3A_112 = arith.constant 0 : i32
      %dma_start3A_113 = tpu.memref_slice %arg10[%add3A_15, %dma_start3A_112] : memref<10240x128xf32, #tpu.memory_space<vmem_shared>> -> memref<64x128xf32, #tpu.memory_space<vmem_shared>>
      tpu.enqueue_dma source(%arg8 : memref<64x128xf32, #tpu.memory_space<vmem>>) target(%dma_start3A_113 : memref<64x128xf32, #tpu.memory_space<vmem_shared>>) target_semaphore(%run_scoped3A_109 : memref<!tpu.dma_semaphore, #tpu.memory_space<semaphore_mem>>)
      %dma_wait3A = arith.constant 0 : i32
      %dma_wait3A_114 = tpu.memref_slice %arg10[%add3A_15, %dma_wait3A] : memref<10240x128xf32, #tpu.memory_space<vmem_shared>> -> memref<64x128xf32, #tpu.memory_space<vmem_shared>>
      %dma_wait3A_115 = arith.constant 0 : i32
      %dma_wait3A_116 = tpu.memref_slice %arg10[%add3A_15, %dma_wait3A_115] : memref<10240x128xf32, #tpu.memory_space<vmem_shared>> -> memref<64x128xf32, #tpu.memory_space<vmem_shared>>
      tpu.wait_dma2 semaphore(%run_scoped3A_109 : memref<!tpu.dma_semaphore, #tpu.memory_space<semaphore_mem>>) src(%arg8 : memref<64x128xf32, #tpu.memory_space<vmem>>) dst(%dma_wait3A_116 : memref<64x128xf32, #tpu.memory_space<vmem_shared>>)
      tpu.yield
    }) : () -> ()
    %mul3A_16 = arith.constant 640 : i32
    %mul3A_17 = arith.muli %arg1, %mul3A_16 : i32
    %add3A_18 = arith.constant 192 : i32
    %add3A_19 = arith.addi %mul3A_17, %add3A_18 : i32
    "tpu.region"() ({
      %run_scoped3A_109 = tpu.sem_alloc : memref<!tpu.dma_semaphore, #tpu.memory_space<semaphore_mem>>
      %dma_start3A_110 = arith.constant 0 : i32
      %dma_start3A_111 = tpu.memref_slice %arg10[%add3A_19, %dma_start3A_110] : memref<10240x128xf32, #tpu.memory_space<vmem_shared>> -> memref<64x128xf32, #tpu.memory_space<vmem_shared>>
      %dma_start3A_112 = arith.constant 0 : i32
      %dma_start3A_113 = tpu.memref_slice %arg10[%add3A_19, %dma_start3A_112] : memref<10240x128xf32, #tpu.memory_space<vmem_shared>> -> memref<64x128xf32, #tpu.memory_space<vmem_shared>>
      tpu.enqueue_dma source(%arg8 : memref<64x128xf32, #tpu.memory_space<vmem>>) target(%dma_start3A_113 : memref<64x128xf32, #tpu.memory_space<vmem_shared>>) target_semaphore(%run_scoped3A_109 : memref<!tpu.dma_semaphore, #tpu.memory_space<semaphore_mem>>)
      %dma_wait3A = arith.constant 0 : i32
      %dma_wait3A_114 = tpu.memref_slice %arg10[%add3A_19, %dma_wait3A] : memref<10240x128xf32, #tpu.memory_space<vmem_shared>> -> memref<64x128xf32, #tpu.memory_space<vmem_shared>>
      %dma_wait3A_115 = arith.constant 0 : i32
      %dma_wait3A_116 = tpu.memref_slice %arg10[%add3A_19, %dma_wait3A_115] : memref<10240x128xf32, #tpu.memory_space<vmem_shared>> -> memref<64x128xf32, #tpu.memory_space<vmem_shared>>
      tpu.wait_dma2 semaphore(%run_scoped3A_109 : memref<!tpu.dma_semaphore, #tpu.memory_space<semaphore_mem>>) src(%arg8 : memref<64x128xf32, #tpu.memory_space<vmem>>) dst(%dma_wait3A_116 : memref<64x128xf32, #tpu.memory_space<vmem_shared>>)
      tpu.yield
    }) : () -> ()
    %mul3A_20 = arith.constant 640 : i32
    %mul3A_21 = arith.muli %arg1, %mul3A_20 : i32
    %add3A_22 = arith.constant 256 : i32
    %add3A_23 = arith.addi %mul3A_21, %add3A_22 : i32
    "tpu.region"() ({
      %run_scoped3A_109 = tpu.sem_alloc : memref<!tpu.dma_semaphore, #tpu.memory_space<semaphore_mem>>
      %dma_start3A_110 = arith.constant 0 : i32
      %dma_start3A_111 = tpu.memref_slice %arg10[%add3A_23, %dma_start3A_110] : memref<10240x128xf32, #tpu.memory_space<vmem_shared>> -> memref<64x128xf32, #tpu.memory_space<vmem_shared>>
      %dma_start3A_112 = arith.constant 0 : i32
      %dma_start3A_113 = tpu.memref_slice %arg10[%add3A_23, %dma_start3A_112] : memref<10240x128xf32, #tpu.memory_space<vmem_shared>> -> memref<64x128xf32, #tpu.memory_space<vmem_shared>>
      tpu.enqueue_dma source(%arg8 : memref<64x128xf32, #tpu.memory_space<vmem>>) target(%dma_start3A_113 : memref<64x128xf32, #tpu.memory_space<vmem_shared>>) target_semaphore(%run_scoped3A_109 : memref<!tpu.dma_semaphore, #tpu.memory_space<semaphore_mem>>)
      %dma_wait3A = arith.constant 0 : i32
      %dma_wait3A_114 = tpu.memref_slice %arg10[%add3A_23, %dma_wait3A] : memref<10240x128xf32, #tpu.memory_space<vmem_shared>> -> memref<64x128xf32, #tpu.memory_space<vmem_shared>>
      %dma_wait3A_115 = arith.constant 0 : i32
      %dma_wait3A_116 = tpu.memref_slice %arg10[%add3A_23, %dma_wait3A_115] : memref<10240x128xf32, #tpu.memory_space<vmem_shared>> -> memref<64x128xf32, #tpu.memory_space<vmem_shared>>
      tpu.wait_dma2 semaphore(%run_scoped3A_109 : memref<!tpu.dma_semaphore, #tpu.memory_space<semaphore_mem>>) src(%arg8 : memref<64x128xf32, #tpu.memory_space<vmem>>) dst(%dma_wait3A_116 : memref<64x128xf32, #tpu.memory_space<vmem_shared>>)
      tpu.yield
    }) : () -> ()
    %mul3A_24 = arith.constant 640 : i32
    %mul3A_25 = arith.muli %arg1, %mul3A_24 : i32
    %add3A_26 = arith.constant 320 : i32
    %add3A_27 = arith.addi %mul3A_25, %add3A_26 : i32
    "tpu.region"() ({
      %run_scoped3A_109 = tpu.sem_alloc : memref<!tpu.dma_semaphore, #tpu.memory_space<semaphore_mem>>
      %dma_start3A_110 = arith.constant 0 : i32
      %dma_start3A_111 = tpu.memref_slice %arg10[%add3A_27, %dma_start3A_110] : memref<10240x128xf32, #tpu.memory_space<vmem_shared>> -> memref<64x128xf32, #tpu.memory_space<vmem_shared>>
      %dma_start3A_112 = arith.constant 0 : i32
      %dma_start3A_113 = tpu.memref_slice %arg10[%add3A_27, %dma_start3A_112] : memref<10240x128xf32, #tpu.memory_space<vmem_shared>> -> memref<64x128xf32, #tpu.memory_space<vmem_shared>>
      tpu.enqueue_dma source(%arg8 : memref<64x128xf32, #tpu.memory_space<vmem>>) target(%dma_start3A_113 : memref<64x128xf32, #tpu.memory_space<vmem_shared>>) target_semaphore(%run_scoped3A_109 : memref<!tpu.dma_semaphore, #tpu.memory_space<semaphore_mem>>)
      %dma_wait3A = arith.constant 0 : i32
      %dma_wait3A_114 = tpu.memref_slice %arg10[%add3A_27, %dma_wait3A] : memref<10240x128xf32, #tpu.memory_space<vmem_shared>> -> memref<64x128xf32, #tpu.memory_space<vmem_shared>>
      %dma_wait3A_115 = arith.constant 0 : i32
      %dma_wait3A_116 = tpu.memref_slice %arg10[%add3A_27, %dma_wait3A_115] : memref<10240x128xf32, #tpu.memory_space<vmem_shared>> -> memref<64x128xf32, #tpu.memory_space<vmem_shared>>
      tpu.wait_dma2 semaphore(%run_scoped3A_109 : memref<!tpu.dma_semaphore, #tpu.memory_space<semaphore_mem>>) src(%arg8 : memref<64x128xf32, #tpu.memory_space<vmem>>) dst(%dma_wait3A_116 : memref<64x128xf32, #tpu.memory_space<vmem_shared>>)
      tpu.yield
    }) : () -> ()
    %mul3A_28 = arith.constant 640 : i32
    %mul3A_29 = arith.muli %arg1, %mul3A_28 : i32
    %add3A_30 = arith.constant 384 : i32
    %add3A_31 = arith.addi %mul3A_29, %add3A_30 : i32
    "tpu.region"() ({
      %run_scoped3A_109 = tpu.sem_alloc : memref<!tpu.dma_semaphore, #tpu.memory_space<semaphore_mem>>
      %dma_start3A_110 = arith.constant 0 : i32
      %dma_start3A_111 = tpu.memref_slice %arg10[%add3A_31, %dma_start3A_110] : memref<10240x128xf32, #tpu.memory_space<vmem_shared>> -> memref<64x128xf32, #tpu.memory_space<vmem_shared>>
      %dma_start3A_112 = arith.constant 0 : i32
      %dma_start3A_113 = tpu.memref_slice %arg10[%add3A_31, %dma_start3A_112] : memref<10240x128xf32, #tpu.memory_space<vmem_shared>> -> memref<64x128xf32, #tpu.memory_space<vmem_shared>>
      tpu.enqueue_dma source(%arg8 : memref<64x128xf32, #tpu.memory_space<vmem>>) target(%dma_start3A_113 : memref<64x128xf32, #tpu.memory_space<vmem_shared>>) target_semaphore(%run_scoped3A_109 : memref<!tpu.dma_semaphore, #tpu.memory_space<semaphore_mem>>)
      %dma_wait3A = arith.constant 0 : i32
      %dma_wait3A_114 = tpu.memref_slice %arg10[%add3A_31, %dma_wait3A] : memref<10240x128xf32, #tpu.memory_space<vmem_shared>> -> memref<64x128xf32, #tpu.memory_space<vmem_shared>>
      %dma_wait3A_115 = arith.constant 0 : i32
      %dma_wait3A_116 = tpu.memref_slice %arg10[%add3A_31, %dma_wait3A_115] : memref<10240x128xf32, #tpu.memory_space<vmem_shared>> -> memref<64x128xf32, #tpu.memory_space<vmem_shared>>
      tpu.wait_dma2 semaphore(%run_scoped3A_109 : memref<!tpu.dma_semaphore, #tpu.memory_space<semaphore_mem>>) src(%arg8 : memref<64x128xf32, #tpu.memory_space<vmem>>) dst(%dma_wait3A_116 : memref<64x128xf32, #tpu.memory_space<vmem_shared>>)
      tpu.yield
    }) : () -> ()
    %mul3A_32 = arith.constant 640 : i32
    %mul3A_33 = arith.muli %arg1, %mul3A_32 : i32
    %add3A_34 = arith.constant 448 : i32
    %add3A_35 = arith.addi %mul3A_33, %add3A_34 : i32
    "tpu.region"() ({
      %run_scoped3A_109 = tpu.sem_alloc : memref<!tpu.dma_semaphore, #tpu.memory_space<semaphore_mem>>
      %dma_start3A_110 = arith.constant 0 : i32
      %dma_start3A_111 = tpu.memref_slice %arg10[%add3A_35, %dma_start3A_110] : memref<10240x128xf32, #tpu.memory_space<vmem_shared>> -> memref<64x128xf32, #tpu.memory_space<vmem_shared>>
      %dma_start3A_112 = arith.constant 0 : i32
      %dma_start3A_113 = tpu.memref_slice %arg10[%add3A_35, %dma_start3A_112] : memref<10240x128xf32, #tpu.memory_space<vmem_shared>> -> memref<64x128xf32, #tpu.memory_space<vmem_shared>>
      tpu.enqueue_dma source(%arg8 : memref<64x128xf32, #tpu.memory_space<vmem>>) target(%dma_start3A_113 : memref<64x128xf32, #tpu.memory_space<vmem_shared>>) target_semaphore(%run_scoped3A_109 : memref<!tpu.dma_semaphore, #tpu.memory_space<semaphore_mem>>)
      %dma_wait3A = arith.constant 0 : i32
      %dma_wait3A_114 = tpu.memref_slice %arg10[%add3A_35, %dma_wait3A] : memref<10240x128xf32, #tpu.memory_space<vmem_shared>> -> memref<64x128xf32, #tpu.memory_space<vmem_shared>>
      %dma_wait3A_115 = arith.constant 0 : i32
      %dma_wait3A_116 = tpu.memref_slice %arg10[%add3A_35, %dma_wait3A_115] : memref<10240x128xf32, #tpu.memory_space<vmem_shared>> -> memref<64x128xf32, #tpu.memory_space<vmem_shared>>
      tpu.wait_dma2 semaphore(%run_scoped3A_109 : memref<!tpu.dma_semaphore, #tpu.memory_space<semaphore_mem>>) src(%arg8 : memref<64x128xf32, #tpu.memory_space<vmem>>) dst(%dma_wait3A_116 : memref<64x128xf32, #tpu.memory_space<vmem_shared>>)
      tpu.yield
    }) : () -> ()
    %mul3A_36 = arith.constant 640 : i32
    %mul3A_37 = arith.muli %arg1, %mul3A_36 : i32
    %add3A_38 = arith.constant 512 : i32
    %add3A_39 = arith.addi %mul3A_37, %add3A_38 : i32
    "tpu.region"() ({
      %run_scoped3A_109 = tpu.sem_alloc : memref<!tpu.dma_semaphore, #tpu.memory_space<semaphore_mem>>
      %dma_start3A_110 = arith.constant 0 : i32
      %dma_start3A_111 = tpu.memref_slice %arg10[%add3A_39, %dma_start3A_110] : memref<10240x128xf32, #tpu.memory_space<vmem_shared>> -> memref<64x128xf32, #tpu.memory_space<vmem_shared>>
      %dma_start3A_112 = arith.constant 0 : i32
      %dma_start3A_113 = tpu.memref_slice %arg10[%add3A_39, %dma_start3A_112] : memref<10240x128xf32, #tpu.memory_space<vmem_shared>> -> memref<64x128xf32, #tpu.memory_space<vmem_shared>>
      tpu.enqueue_dma source(%arg8 : memref<64x128xf32, #tpu.memory_space<vmem>>) target(%dma_start3A_113 : memref<64x128xf32, #tpu.memory_space<vmem_shared>>) target_semaphore(%run_scoped3A_109 : memref<!tpu.dma_semaphore, #tpu.memory_space<semaphore_mem>>)
      %dma_wait3A = arith.constant 0 : i32
      %dma_wait3A_114 = tpu.memref_slice %arg10[%add3A_39, %dma_wait3A] : memref<10240x128xf32, #tpu.memory_space<vmem_shared>> -> memref<64x128xf32, #tpu.memory_space<vmem_shared>>
      %dma_wait3A_115 = arith.constant 0 : i32
      %dma_wait3A_116 = tpu.memref_slice %arg10[%add3A_39, %dma_wait3A_115] : memref<10240x128xf32, #tpu.memory_space<vmem_shared>> -> memref<64x128xf32, #tpu.memory_space<vmem_shared>>
      tpu.wait_dma2 semaphore(%run_scoped3A_109 : memref<!tpu.dma_semaphore, #tpu.memory_space<semaphore_mem>>) src(%arg8 : memref<64x128xf32, #tpu.memory_space<vmem>>) dst(%dma_wait3A_116 : memref<64x128xf32, #tpu.memory_space<vmem_shared>>)
      tpu.yield
    }) : () -> ()
    %mul3A_40 = arith.constant 640 : i32
    %mul3A_41 = arith.muli %arg1, %mul3A_40 : i32
    %add3A_42 = arith.constant 576 : i32
    %add3A_43 = arith.addi %mul3A_41, %add3A_42 : i32
    "tpu.region"() ({
      %run_scoped3A_109 = tpu.sem_alloc : memref<!tpu.dma_semaphore, #tpu.memory_space<semaphore_mem>>
      %dma_start3A_110 = arith.constant 0 : i32
      %dma_start3A_111 = tpu.memref_slice %arg10[%add3A_43, %dma_start3A_110] : memref<10240x128xf32, #tpu.memory_space<vmem_shared>> -> memref<64x128xf32, #tpu.memory_space<vmem_shared>>
      %dma_start3A_112 = arith.constant 0 : i32
      %dma_start3A_113 = tpu.memref_slice %arg10[%add3A_43, %dma_start3A_112] : memref<10240x128xf32, #tpu.memory_space<vmem_shared>> -> memref<64x128xf32, #tpu.memory_space<vmem_shared>>
      tpu.enqueue_dma source(%arg8 : memref<64x128xf32, #tpu.memory_space<vmem>>) target(%dma_start3A_113 : memref<64x128xf32, #tpu.memory_space<vmem_shared>>) target_semaphore(%run_scoped3A_109 : memref<!tpu.dma_semaphore, #tpu.memory_space<semaphore_mem>>)
      %dma_wait3A = arith.constant 0 : i32
      %dma_wait3A_114 = tpu.memref_slice %arg10[%add3A_43, %dma_wait3A] : memref<10240x128xf32, #tpu.memory_space<vmem_shared>> -> memref<64x128xf32, #tpu.memory_space<vmem_shared>>
      %dma_wait3A_115 = arith.constant 0 : i32
      %dma_wait3A_116 = tpu.memref_slice %arg10[%add3A_43, %dma_wait3A_115] : memref<10240x128xf32, #tpu.memory_space<vmem_shared>> -> memref<64x128xf32, #tpu.memory_space<vmem_shared>>
      tpu.wait_dma2 semaphore(%run_scoped3A_109 : memref<!tpu.dma_semaphore, #tpu.memory_space<semaphore_mem>>) src(%arg8 : memref<64x128xf32, #tpu.memory_space<vmem>>) dst(%dma_wait3A_116 : memref<64x128xf32, #tpu.memory_space<vmem_shared>>)
      tpu.yield
    }) : () -> ()
    %barrier3A = arith.constant 0 : index
    tpu.barrier barrier_id(%barrier3A)
    %mul3A_44 = arith.constant 10240 : i32
    %mul3A_45 = arith.muli %arg0, %mul3A_44 : i32
    %run_scoped3A = arith.constant 0 : i32
    "tpu.region"() ({
      %run_scoped3A_109 = tpu.sem_alloc : memref<!tpu.dma_semaphore, #tpu.memory_space<semaphore_mem>>
      %dma_start3A_110 = arith.constant 0 : i32
      %dma_start3A_111 = arith.constant 0 : i32
      %dma_start3A_112 = tpu.memref_slice %arg3[%arg1, %run_scoped3A, %dma_start3A_110, %dma_start3A_111] : memref<16x2x80x64xi32, #tpu.memory_space<hbm>> -> memref<1x1x80x64xi32, #tpu.memory_space<hbm>>
      %dma_start3A_113 = tpu.memref_squeeze %dma_start3A_112 : memref<1x1x80x64xi32, #tpu.memory_space<hbm>> -> memref<80x64xi32, #tpu.memory_space<hbm>>
      %dma_start3A_114 = arith.constant 0 : i32
      %dma_start3A_115 = arith.constant 0 : i32
      %dma_start3A_116 = tpu.memref_slice %arg3[%arg1, %run_scoped3A, %dma_start3A_114, %dma_start3A_115] : memref<16x2x80x64xi32, #tpu.memory_space<hbm>> -> memref<1x1x80x64xi32, #tpu.memory_space<hbm>>
      %dma_start3A_117 = tpu.memref_squeeze %dma_start3A_116 : memref<1x1x80x64xi32, #tpu.memory_space<hbm>> -> memref<80x64xi32, #tpu.memory_space<hbm>>
      tpu.enqueue_dma source(%dma_start3A_117 : memref<80x64xi32, #tpu.memory_space<hbm>>) target(%arg6 : memref<80x64xi32, #tpu.memory_space<vmem>>) target_semaphore(%run_scoped3A_109 : memref<!tpu.dma_semaphore, #tpu.memory_space<semaphore_mem>>)
      %dma_wait3A = arith.constant 0 : i32
      %dma_wait3A_118 = arith.constant 0 : i32
      %dma_wait3A_119 = tpu.memref_slice %arg3[%arg1, %run_scoped3A, %dma_wait3A, %dma_wait3A_118] : memref<16x2x80x64xi32, #tpu.memory_space<hbm>> -> memref<1x1x80x64xi32, #tpu.memory_space<hbm>>
      %dma_wait3A_120 = tpu.memref_squeeze %dma_wait3A_119 : memref<1x1x80x64xi32, #tpu.memory_space<hbm>> -> memref<80x64xi32, #tpu.memory_space<hbm>>
      %dma_wait3A_121 = arith.constant 0 : i32
      %dma_wait3A_122 = arith.constant 0 : i32
      %dma_wait3A_123 = tpu.memref_slice %arg3[%arg1, %run_scoped3A, %dma_wait3A_121, %dma_wait3A_122] : memref<16x2x80x64xi32, #tpu.memory_space<hbm>> -> memref<1x1x80x64xi32, #tpu.memory_space<hbm>>
      %dma_wait3A_124 = tpu.memref_squeeze %dma_wait3A_123 : memref<1x1x80x64xi32, #tpu.memory_space<hbm>> -> memref<80x64xi32, #tpu.memory_space<hbm>>
      tpu.wait_dma2 semaphore(%run_scoped3A_109 : memref<!tpu.dma_semaphore, #tpu.memory_space<semaphore_mem>>) src(%dma_wait3A_124 : memref<80x64xi32, #tpu.memory_space<hbm>>) dst(%arg6 : memref<80x64xi32, #tpu.memory_space<vmem>>)
      tpu.yield
    }) : () -> ()
    %run_scoped3A_46 = arith.constant 0 : i32
    "tpu.region"() ({
      %run_scoped3A_109 = tpu.sem_alloc : memref<!tpu.dma_semaphore, #tpu.memory_space<semaphore_mem>>
      %dma_start3A_110 = arith.constant 0 : i32
      %dma_start3A_111 = arith.constant 0 : i32
      %dma_start3A_112 = tpu.memref_slice %arg4[%arg1, %run_scoped3A_46, %dma_start3A_110, %dma_start3A_111] : memref<16x2x80x64xi32, #tpu.memory_space<hbm>> -> memref<1x1x80x64xi32, #tpu.memory_space<hbm>>
      %dma_start3A_113 = tpu.memref_squeeze %dma_start3A_112 : memref<1x1x80x64xi32, #tpu.memory_space<hbm>> -> memref<80x64xi32, #tpu.memory_space<hbm>>
      %dma_start3A_114 = arith.constant 0 : i32
      %dma_start3A_115 = arith.constant 0 : i32
      %dma_start3A_116 = tpu.memref_slice %arg4[%arg1, %run_scoped3A_46, %dma_start3A_114, %dma_start3A_115] : memref<16x2x80x64xi32, #tpu.memory_space<hbm>> -> memref<1x1x80x64xi32, #tpu.memory_space<hbm>>
      %dma_start3A_117 = tpu.memref_squeeze %dma_start3A_116 : memref<1x1x80x64xi32, #tpu.memory_space<hbm>> -> memref<80x64xi32, #tpu.memory_space<hbm>>
      tpu.enqueue_dma source(%dma_start3A_117 : memref<80x64xi32, #tpu.memory_space<hbm>>) target(%arg7 : memref<80x64xi32, #tpu.memory_space<vmem>>) target_semaphore(%run_scoped3A_109 : memref<!tpu.dma_semaphore, #tpu.memory_space<semaphore_mem>>)
      %dma_wait3A = arith.constant 0 : i32
      %dma_wait3A_118 = arith.constant 0 : i32
      %dma_wait3A_119 = tpu.memref_slice %arg4[%arg1, %run_scoped3A_46, %dma_wait3A, %dma_wait3A_118] : memref<16x2x80x64xi32, #tpu.memory_space<hbm>> -> memref<1x1x80x64xi32, #tpu.memory_space<hbm>>
      %dma_wait3A_120 = tpu.memref_squeeze %dma_wait3A_119 : memref<1x1x80x64xi32, #tpu.memory_space<hbm>> -> memref<80x64xi32, #tpu.memory_space<hbm>>
      %dma_wait3A_121 = arith.constant 0 : i32
      %dma_wait3A_122 = arith.constant 0 : i32
      %dma_wait3A_123 = tpu.memref_slice %arg4[%arg1, %run_scoped3A_46, %dma_wait3A_121, %dma_wait3A_122] : memref<16x2x80x64xi32, #tpu.memory_space<hbm>> -> memref<1x1x80x64xi32, #tpu.memory_space<hbm>>
      %dma_wait3A_124 = tpu.memref_squeeze %dma_wait3A_123 : memref<1x1x80x64xi32, #tpu.memory_space<hbm>> -> memref<80x64xi32, #tpu.memory_space<hbm>>
      tpu.wait_dma2 semaphore(%run_scoped3A_109 : memref<!tpu.dma_semaphore, #tpu.memory_space<semaphore_mem>>) src(%dma_wait3A_124 : memref<80x64xi32, #tpu.memory_space<hbm>>) dst(%arg7 : memref<80x64xi32, #tpu.memory_space<vmem>>)
      tpu.yield
    }) : () -> ()
    %scan3A_47 = arith.constant 0 : i32
    %scan3A_48 = arith.constant 0 : i32
    %scan3A_49 = arith.constant 80 : i32
    %scan3A_50 = arith.addi %scan3A_48, %scan3A_49 : i32
    %scan3A_51 = arith.constant 1 : i32
    %scan3A_52 = scf.for %scan3A_109 = %scan3A_48 to %scan3A_50 step %scan3A_51 iter_args(%scan3A_110 = %scan3A_47) -> (i32)  : i32 {
      %get3A = arith.index_cast %scan3A_109 : i32 to index
      %get3A_111 = arith.constant 0 : index
      %get3A_112 = tpu.vector_load %arg6[%get3A, %get3A_111] {strides = array<i32>} : memref<80x64xi32, #tpu.memory_space<vmem>>, vector<1x16xi32>,
      %get3A_113 = vector.shape_cast %get3A_112 : vector<1x16xi32> to vector<16xi32>
      %add3A_114 = vector.broadcast %mul3A_45 : i32 to vector<16xi32>
      %add3A_115 = arith.addi %get3A_113, %add3A_114 : vector<16xi32>
      %swap3A = arith.index_cast %scan3A_109 : i32 to index
      %swap3A_116 = arith.constant 0 : index
      %swap3A_117 = tpu.vector_load %arg6[%swap3A, %swap3A_116] {strides = array<i32>} : memref<80x64xi32, #tpu.memory_space<vmem>>, vector<1x16xi32>,
      %swap3A_118 = vector.shape_cast %swap3A_117 : vector<1x16xi32> to vector<16xi32>
      %swap3A_119 = vector.shape_cast %add3A_115 : vector<16xi32> to vector<1x16xi32>
      tpu.vector_store %arg6[%swap3A, %swap3A_116], %swap3A_119 {strides = array<i32>} : memref<80x64xi32, #tpu.memory_space<vmem>>, vector<1x16xi32>,
      %get3A_120 = arith.index_cast %scan3A_109 : i32 to index
      %get3A_121 = arith.constant 16 : index
      %get3A_122 = tpu.vector_load %arg6[%get3A_120, %get3A_121] {strides = array<i32>} : memref<80x64xi32, #tpu.memory_space<vmem>>, vector<1x16xi32>,
      %get3A_123 = vector.shape_cast %get3A_122 : vector<1x16xi32> to vector<16xi32>
      %add3A_124 = vector.broadcast %mul3A_45 : i32 to vector<16xi32>
      %add3A_125 = arith.addi %get3A_123, %add3A_124 : vector<16xi32>
      %swap3A_126 = arith.index_cast %scan3A_109 : i32 to index
      %swap3A_127 = arith.constant 16 : index
      %swap3A_128 = tpu.vector_load %arg6[%swap3A_126, %swap3A_127] {strides = array<i32>} : memref<80x64xi32, #tpu.memory_space<vmem>>, vector<1x16xi32>,
      %swap3A_129 = vector.shape_cast %swap3A_128 : vector<1x16xi32> to vector<16xi32>
      %swap3A_130 = vector.shape_cast %add3A_125 : vector<16xi32> to vector<1x16xi32>
      tpu.vector_store %arg6[%swap3A_126, %swap3A_127], %swap3A_130 {strides = array<i32>} : memref<80x64xi32, #tpu.memory_space<vmem>>, vector<1x16xi32>,
      %get3A_131 = arith.index_cast %scan3A_109 : i32 to index
      %get3A_132 = arith.constant 32 : index
      %get3A_133 = tpu.vector_load %arg6[%get3A_131, %get3A_132] {strides = array<i32>} : memref<80x64xi32, #tpu.memory_space<vmem>>, vector<1x16xi32>,
      %get3A_134 = vector.shape_cast %get3A_133 : vector<1x16xi32> to vector<16xi32>
      %add3A_135 = vector.broadcast %mul3A_45 : i32 to vector<16xi32>
      %add3A_136 = arith.addi %get3A_134, %add3A_135 : vector<16xi32>
      %swap3A_137 = arith.index_cast %scan3A_109 : i32 to index
      %swap3A_138 = arith.constant 32 : index
      %swap3A_139 = tpu.vector_load %arg6[%swap3A_137, %swap3A_138] {strides = array<i32>} : memref<80x64xi32, #tpu.memory_space<vmem>>, vector<1x16xi32>,
      %swap3A_140 = vector.shape_cast %swap3A_139 : vector<1x16xi32> to vector<16xi32>
      %swap3A_141 = vector.shape_cast %add3A_136 : vector<16xi32> to vector<1x16xi32>
      tpu.vector_store %arg6[%swap3A_137, %swap3A_138], %swap3A_141 {strides = array<i32>} : memref<80x64xi32, #tpu.memory_space<vmem>>, vector<1x16xi32>,
      %get3A_142 = arith.index_cast %scan3A_109 : i32 to index
      %get3A_143 = arith.constant 48 : index
      %get3A_144 = tpu.vector_load %arg6[%get3A_142, %get3A_143] {strides = array<i32>} : memref<80x64xi32, #tpu.memory_space<vmem>>, vector<1x16xi32>,
      %get3A_145 = vector.shape_cast %get3A_144 : vector<1x16xi32> to vector<16xi32>
      %add3A_146 = vector.broadcast %mul3A_45 : i32 to vector<16xi32>
      %add3A_147 = arith.addi %get3A_145, %add3A_146 : vector<16xi32>
      %swap3A_148 = arith.index_cast %scan3A_109 : i32 to index
      %swap3A_149 = arith.constant 48 : index
      %swap3A_150 = tpu.vector_load %arg6[%swap3A_148, %swap3A_149] {strides = array<i32>} : memref<80x64xi32, #tpu.memory_space<vmem>>, vector<1x16xi32>,
      %swap3A_151 = vector.shape_cast %swap3A_150 : vector<1x16xi32> to vector<16xi32>
      %swap3A_152 = vector.shape_cast %add3A_147 : vector<16xi32> to vector<1x16xi32>
      tpu.vector_store %arg6[%swap3A_148, %swap3A_149], %swap3A_152 {strides = array<i32>} : memref<80x64xi32, #tpu.memory_space<vmem>>, vector<1x16xi32>,
      %scan3A_153 = arith.constant 0 : i32
      scf.yield %scan3A_153 : i32
    }
    %scan3A_53 = arith.constant 80 : i32
    %dma_start3A = arith.constant 0 : i32
    %dma_start3A_54 = arith.constant 0 : i32
    %dma_start3A_55 = tpu.memref_slice %arg6[%dma_start3A, %dma_start3A_54] : memref<80x64xi32, #tpu.memory_space<vmem>> -> memref<1x64xi32, #tpu.memory_space<vmem>>
    %dma_start3A_56 = tpu.memref_squeeze %dma_start3A_55 : memref<1x64xi32, #tpu.memory_space<vmem>> -> memref<64xi32, #tpu.memory_space<vmem>>
    %dma_start3A_57 = arith.constant 0 : i32
    %dma_start3A_58 = arith.constant 0 : i32
    %dma_start3A_59 = tpu.memref_slice %arg2[%dma_start3A_57, %dma_start3A_58] : memref<20480x128xf32, #tpu.memory_space<hbm>> -> memref<20480x128xf32, #tpu.memory_space<hbm>>
    tpu.enqueue_indirect_dma source(%dma_start3A_59 : memref<20480x128xf32, #tpu.memory_space<hbm>>) target(%arg8 : memref<64x128xf32, #tpu.memory_space<vmem>>) offsets(%dma_start3A_56 : memref<64xi32, #tpu.memory_space<vmem>>) semaphore(%arg11 : memref<!tpu.dma_semaphore, #tpu.memory_space<semaphore_mem>>)
    %dma_start3A_60 = arith.constant 1 : i32
    %dma_start3A_61 = arith.constant 0 : i32
    %dma_start3A_62 = tpu.memref_slice %arg6[%dma_start3A_60, %dma_start3A_61] : memref<80x64xi32, #tpu.memory_space<vmem>> -> memref<1x64xi32, #tpu.memory_space<vmem>>
    %dma_start3A_63 = tpu.memref_squeeze %dma_start3A_62 : memref<1x64xi32, #tpu.memory_space<vmem>> -> memref<64xi32, #tpu.memory_space<vmem>>
    %dma_start3A_64 = arith.constant 0 : i32
    %dma_start3A_65 = arith.constant 0 : i32
    %dma_start3A_66 = tpu.memref_slice %arg2[%dma_start3A_64, %dma_start3A_65] : memref<20480x128xf32, #tpu.memory_space<hbm>> -> memref<20480x128xf32, #tpu.memory_space<hbm>>
    tpu.enqueue_indirect_dma source(%dma_start3A_66 : memref<20480x128xf32, #tpu.memory_space<hbm>>) target(%arg9 : memref<64x128xf32, #tpu.memory_space<vmem>>) offsets(%dma_start3A_63 : memref<64xi32, #tpu.memory_space<vmem>>) semaphore(%arg12 : memref<!tpu.dma_semaphore, #tpu.memory_space<semaphore_mem>>)
    %scan3A_67 = arith.constant 0 : i32
    %scan3A_68 = arith.constant 0 : i32
    %scan3A_69 = arith.constant 40 : i32
    %scan3A_70 = arith.addi %scan3A_68, %scan3A_69 : i32
    %scan3A_71 = arith.constant 1 : i32
    %scan3A_72 = scf.for %scan3A_109 = %scan3A_68 to %scan3A_70 step %scan3A_71 iter_args(%scan3A_110 = %scan3A_67) -> (i32)  : i32 {
      %mul3A_111 = arith.constant 2 : i32
      %mul3A_112 = arith.muli %mul3A_111, %scan3A_109 : i32
      %add3A_113 = arith.constant 0 : i32
      %add3A_114 = arith.addi %mul3A_112, %add3A_113 : i32
      %dma_wait3A = arith.constant 0 : i32
      %dma_wait3A_115 = tpu.memref_slice %arg6[%add3A_114, %dma_wait3A] : memref<80x64xi32, #tpu.memory_space<vmem>> -> memref<1x64xi32, #tpu.memory_space<vmem>>
      %dma_wait3A_116 = tpu.memref_squeeze %dma_wait3A_115 : memref<1x64xi32, #tpu.memory_space<vmem>> -> memref<64xi32, #tpu.memory_space<vmem>>
      %dma_wait3A_117 = arith.constant 0 : i32
      %dma_wait3A_118 = arith.constant 0 : i32
      %dma_wait3A_119 = tpu.memref_slice %arg2[%dma_wait3A_117, %dma_wait3A_118] : memref<20480x128xf32, #tpu.memory_space<hbm>> -> memref<20480x128xf32, #tpu.memory_space<hbm>>
      tpu.wait_indirect_dma semaphore(%arg11 : memref<!tpu.dma_semaphore, #tpu.memory_space<semaphore_mem>>) src(%dma_wait3A_119 : memref<20480x128xf32, #tpu.memory_space<hbm>>) dst(%arg8 : memref<64x128xf32, #tpu.memory_space<vmem>>)
      "tpu.region"() ({
        %run_scoped3A_142 = tpu.sem_alloc : memref<!tpu.dma_semaphore, #tpu.memory_space<semaphore_mem>>
        %dma_start3A_143 = arith.constant 0 : i32
        %dma_start3A_144 = tpu.memref_slice %arg7[%add3A_114, %dma_start3A_143] : memref<80x64xi32, #tpu.memory_space<vmem>> -> memref<1x64xi32, #tpu.memory_space<vmem>>
        %dma_start3A_145 = tpu.memref_squeeze %dma_start3A_144 : memref<1x64xi32, #tpu.memory_space<vmem>> -> memref<64xi32, #tpu.memory_space<vmem>>
        %dma_start3A_146 = arith.constant 0 : i32
        %dma_start3A_147 = arith.constant 0 : i32
        %dma_start3A_148 = tpu.memref_slice %arg10[%dma_start3A_146, %dma_start3A_147] : memref<10240x128xf32, #tpu.memory_space<vmem_shared>> -> memref<10240x128xf32, #tpu.memory_space<vmem_shared>>
        tpu.enqueue_indirect_dma source(%arg8 : memref<64x128xf32, #tpu.memory_space<vmem>>) target(%dma_start3A_148 : memref<10240x128xf32, #tpu.memory_space<vmem_shared>>) offsets(%dma_start3A_145 : memref<64xi32, #tpu.memory_space<vmem>>) semaphore(%run_scoped3A_142 : memref<!tpu.dma_semaphore, #tpu.memory_space<semaphore_mem>>) {add = true}
        %dma_wait3A_149 = arith.constant 0 : i32
        %dma_wait3A_150 = tpu.memref_slice %arg7[%add3A_114, %dma_wait3A_149] : memref<80x64xi32, #tpu.memory_space<vmem>> -> memref<1x64xi32, #tpu.memory_space<vmem>>
        %dma_wait3A_151 = tpu.memref_squeeze %dma_wait3A_150 : memref<1x64xi32, #tpu.memory_space<vmem>> -> memref<64xi32, #tpu.memory_space<vmem>>
        %dma_wait3A_152 = arith.constant 0 : i32
        %dma_wait3A_153 = arith.constant 0 : i32
        %dma_wait3A_154 = tpu.memref_slice %arg10[%dma_wait3A_152, %dma_wait3A_153] : memref<10240x128xf32, #tpu.memory_space<vmem_shared>> -> memref<10240x128xf32, #tpu.memory_space<vmem_shared>>
        tpu.wait_indirect_dma semaphore(%run_scoped3A_142 : memref<!tpu.dma_semaphore, #tpu.memory_space<semaphore_mem>>) src(%arg8 : memref<64x128xf32, #tpu.memory_space<vmem>>) dst(%dma_wait3A_154 : memref<10240x128xf32, #tpu.memory_space<vmem_shared>>)
        tpu.yield
      }) : () -> ()
      %add3A_120 = arith.constant 2 : i32
      %add3A_121 = arith.addi %add3A_114, %add3A_120 : i32
      %lt3A = arith.constant 80 : i32
      %lt3A_122 = arith.cmpi slt, %add3A_121, %lt3A : i32
      %convert_element_type3A = arith.extui %lt3A_122 : i1 to i32
      %cond3A = arith.constant 0 : i32
      %cond3A_123 = arith.cmpi ne, %convert_element_type3A, %cond3A : i32
      scf.if %cond3A_123 {
        %add3A_142 = arith.constant 2 : i32
        %add3A_143 = arith.addi %add3A_114, %add3A_142 : i32
        %dma_start3A_144 = arith.constant 0 : i32
        %dma_start3A_145 = tpu.memref_slice %arg6[%add3A_143, %dma_start3A_144] : memref<80x64xi32, #tpu.memory_space<vmem>> -> memref<1x64xi32, #tpu.memory_space<vmem>>
        %dma_start3A_146 = tpu.memref_squeeze %dma_start3A_145 : memref<1x64xi32, #tpu.memory_space<vmem>> -> memref<64xi32, #tpu.memory_space<vmem>>
        %dma_start3A_147 = arith.constant 0 : i32
        %dma_start3A_148 = arith.constant 0 : i32
        %dma_start3A_149 = tpu.memref_slice %arg2[%dma_start3A_147, %dma_start3A_148] : memref<20480x128xf32, #tpu.memory_space<hbm>> -> memref<20480x128xf32, #tpu.memory_space<hbm>>
        tpu.enqueue_indirect_dma source(%dma_start3A_149 : memref<20480x128xf32, #tpu.memory_space<hbm>>) target(%arg8 : memref<64x128xf32, #tpu.memory_space<vmem>>) offsets(%dma_start3A_146 : memref<64xi32, #tpu.memory_space<vmem>>) semaphore(%arg11 : memref<!tpu.dma_semaphore, #tpu.memory_space<semaphore_mem>>)
      } else {
      }
      %mul3A_124 = arith.constant 2 : i32
      %mul3A_125 = arith.muli %mul3A_124, %scan3A_109 : i32
      %add3A_126 = arith.constant 1 : i32
      %add3A_127 = arith.addi %mul3A_125, %add3A_126 : i32
      %dma_wait3A_128 = arith.constant 0 : i32
      %dma_wait3A_129 = tpu.memref_slice %arg6[%add3A_127, %dma_wait3A_128] : memref<80x64xi32, #tpu.memory_space<vmem>> -> memref<1x64xi32, #tpu.memory_space<vmem>>
      %dma_wait3A_130 = tpu.memref_squeeze %dma_wait3A_129 : memref<1x64xi32, #tpu.memory_space<vmem>> -> memref<64xi32, #tpu.memory_space<vmem>>
      %dma_wait3A_131 = arith.constant 0 : i32
      %dma_wait3A_132 = arith.constant 0 : i32
      %dma_wait3A_133 = tpu.memref_slice %arg2[%dma_wait3A_131, %dma_wait3A_132] : memref<20480x128xf32, #tpu.memory_space<hbm>> -> memref<20480x128xf32, #tpu.memory_space<hbm>>
      tpu.wait_indirect_dma semaphore(%arg12 : memref<!tpu.dma_semaphore, #tpu.memory_space<semaphore_mem>>) src(%dma_wait3A_133 : memref<20480x128xf32, #tpu.memory_space<hbm>>) dst(%arg9 : memref<64x128xf32, #tpu.memory_space<vmem>>)
      "tpu.region"() ({
        %run_scoped3A_142 = tpu.sem_alloc : memref<!tpu.dma_semaphore, #tpu.memory_space<semaphore_mem>>
        %dma_start3A_143 = arith.constant 0 : i32
        %dma_start3A_144 = tpu.memref_slice %arg7[%add3A_127, %dma_start3A_143] : memref<80x64xi32, #tpu.memory_space<vmem>> -> memref<1x64xi32, #tpu.memory_space<vmem>>
        %dma_start3A_145 = tpu.memref_squeeze %dma_start3A_144 : memref<1x64xi32, #tpu.memory_space<vmem>> -> memref<64xi32, #tpu.memory_space<vmem>>
        %dma_start3A_146 = arith.constant 0 : i32
        %dma_start3A_147 = arith.constant 0 : i32
        %dma_start3A_148 = tpu.memref_slice %arg10[%dma_start3A_146, %dma_start3A_147] : memref<10240x128xf32, #tpu.memory_space<vmem_shared>> -> memref<10240x128xf32, #tpu.memory_space<vmem_shared>>
        tpu.enqueue_indirect_dma source(%arg9 : memref<64x128xf32, #tpu.memory_space<vmem>>) target(%dma_start3A_148 : memref<10240x128xf32, #tpu.memory_space<vmem_shared>>) offsets(%dma_start3A_145 : memref<64xi32, #tpu.memory_space<vmem>>) semaphore(%run_scoped3A_142 : memref<!tpu.dma_semaphore, #tpu.memory_space<semaphore_mem>>) {add = true}
        %dma_wait3A_149 = arith.constant 0 : i32
        %dma_wait3A_150 = tpu.memref_slice %arg7[%add3A_127, %dma_wait3A_149] : memref<80x64xi32, #tpu.memory_space<vmem>> -> memref<1x64xi32, #tpu.memory_space<vmem>>
        %dma_wait3A_151 = tpu.memref_squeeze %dma_wait3A_150 : memref<1x64xi32, #tpu.memory_space<vmem>> -> memref<64xi32, #tpu.memory_space<vmem>>
        %dma_wait3A_152 = arith.constant 0 : i32
        %dma_wait3A_153 = arith.constant 0 : i32
        %dma_wait3A_154 = tpu.memref_slice %arg10[%dma_wait3A_152, %dma_wait3A_153] : memref<10240x128xf32, #tpu.memory_space<vmem_shared>> -> memref<10240x128xf32, #tpu.memory_space<vmem_shared>>
        tpu.wait_indirect_dma semaphore(%run_scoped3A_142 : memref<!tpu.dma_semaphore, #tpu.memory_space<semaphore_mem>>) src(%arg9 : memref<64x128xf32, #tpu.memory_space<vmem>>) dst(%dma_wait3A_154 : memref<10240x128xf32, #tpu.memory_space<vmem_shared>>)
        tpu.yield
      }) : () -> ()
      %add3A_134 = arith.constant 2 : i32
      %add3A_135 = arith.addi %add3A_127, %add3A_134 : i32
      %lt3A_136 = arith.constant 80 : i32
      %lt3A_137 = arith.cmpi slt, %add3A_135, %lt3A_136 : i32
      %convert_element_type3A_138 = arith.extui %lt3A_137 : i1 to i32
      %cond3A_139 = arith.constant 0 : i32
      %cond3A_140 = arith.cmpi ne, %convert_element_type3A_138, %cond3A_139 : i32
      scf.if %cond3A_140 {
        %add3A_142 = arith.constant 2 : i32
        %add3A_143 = arith.addi %add3A_127, %add3A_142 : i32
        %dma_start3A_144 = arith.constant 0 : i32
        %dma_start3A_145 = tpu.memref_slice %arg6[%add3A_143, %dma_start3A_144] : memref<80x64xi32, #tpu.memory_space<vmem>> -> memref<1x64xi32, #tpu.memory_space<vmem>>
        %dma_start3A_146 = tpu.memref_squeeze %dma_start3A_145 : memref<1x64xi32, #tpu.memory_space<vmem>> -> memref<64xi32, #tpu.memory_space<vmem>>
        %dma_start3A_147 = arith.constant 0 : i32
        %dma_start3A_148 = arith.constant 0 : i32
        %dma_start3A_149 = tpu.memref_slice %arg2[%dma_start3A_147, %dma_start3A_148] : memref<20480x128xf32, #tpu.memory_space<hbm>> -> memref<20480x128xf32, #tpu.memory_space<hbm>>
        tpu.enqueue_indirect_dma source(%dma_start3A_149 : memref<20480x128xf32, #tpu.memory_space<hbm>>) target(%arg9 : memref<64x128xf32, #tpu.memory_space<vmem>>) offsets(%dma_start3A_146 : memref<64xi32, #tpu.memory_space<vmem>>) semaphore(%arg12 : memref<!tpu.dma_semaphore, #tpu.memory_space<semaphore_mem>>)
      } else {
      }
      %scan3A_141 = arith.constant 0 : i32
      scf.yield %scan3A_141 : i32
    }
    %scan3A_73 = arith.constant 40 : i32
    %run_scoped3A_74 = arith.constant 1 : i32
    "tpu.region"() ({
      %run_scoped3A_109 = tpu.sem_alloc : memref<!tpu.dma_semaphore, #tpu.memory_space<semaphore_mem>>
      %dma_start3A_110 = arith.constant 0 : i32
      %dma_start3A_111 = arith.constant 0 : i32
      %dma_start3A_112 = tpu.memref_slice %arg3[%arg1, %run_scoped3A_74, %dma_start3A_110, %dma_start3A_111] : memref<16x2x80x64xi32, #tpu.memory_space<hbm>> -> memref<1x1x80x64xi32, #tpu.memory_space<hbm>>
      %dma_start3A_113 = tpu.memref_squeeze %dma_start3A_112 : memref<1x1x80x64xi32, #tpu.memory_space<hbm>> -> memref<80x64xi32, #tpu.memory_space<hbm>>
      %dma_start3A_114 = arith.constant 0 : i32
      %dma_start3A_115 = arith.constant 0 : i32
      %dma_start3A_116 = tpu.memref_slice %arg3[%arg1, %run_scoped3A_74, %dma_start3A_114, %dma_start3A_115] : memref<16x2x80x64xi32, #tpu.memory_space<hbm>> -> memref<1x1x80x64xi32, #tpu.memory_space<hbm>>
      %dma_start3A_117 = tpu.memref_squeeze %dma_start3A_116 : memref<1x1x80x64xi32, #tpu.memory_space<hbm>> -> memref<80x64xi32, #tpu.memory_space<hbm>>
      tpu.enqueue_dma source(%dma_start3A_117 : memref<80x64xi32, #tpu.memory_space<hbm>>) target(%arg6 : memref<80x64xi32, #tpu.memory_space<vmem>>) target_semaphore(%run_scoped3A_109 : memref<!tpu.dma_semaphore, #tpu.memory_space<semaphore_mem>>)
      %dma_wait3A = arith.constant 0 : i32
      %dma_wait3A_118 = arith.constant 0 : i32
      %dma_wait3A_119 = tpu.memref_slice %arg3[%arg1, %run_scoped3A_74, %dma_wait3A, %dma_wait3A_118] : memref<16x2x80x64xi32, #tpu.memory_space<hbm>> -> memref<1x1x80x64xi32, #tpu.memory_space<hbm>>
      %dma_wait3A_120 = tpu.memref_squeeze %dma_wait3A_119 : memref<1x1x80x64xi32, #tpu.memory_space<hbm>> -> memref<80x64xi32, #tpu.memory_space<hbm>>
      %dma_wait3A_121 = arith.constant 0 : i32
      %dma_wait3A_122 = arith.constant 0 : i32
      %dma_wait3A_123 = tpu.memref_slice %arg3[%arg1, %run_scoped3A_74, %dma_wait3A_121, %dma_wait3A_122] : memref<16x2x80x64xi32, #tpu.memory_space<hbm>> -> memref<1x1x80x64xi32, #tpu.memory_space<hbm>>
      %dma_wait3A_124 = tpu.memref_squeeze %dma_wait3A_123 : memref<1x1x80x64xi32, #tpu.memory_space<hbm>> -> memref<80x64xi32, #tpu.memory_space<hbm>>
      tpu.wait_dma2 semaphore(%run_scoped3A_109 : memref<!tpu.dma_semaphore, #tpu.memory_space<semaphore_mem>>) src(%dma_wait3A_124 : memref<80x64xi32, #tpu.memory_space<hbm>>) dst(%arg6 : memref<80x64xi32, #tpu.memory_space<vmem>>)
      tpu.yield
    }) : () -> ()
    %run_scoped3A_75 = arith.constant 1 : i32
    "tpu.region"() ({
      %run_scoped3A_109 = tpu.sem_alloc : memref<!tpu.dma_semaphore, #tpu.memory_space<semaphore_mem>>
      %dma_start3A_110 = arith.constant 0 : i32
      %dma_start3A_111 = arith.constant 0 : i32
      %dma_start3A_112 = tpu.memref_slice %arg4[%arg1, %run_scoped3A_75, %dma_start3A_110, %dma_start3A_111] : memref<16x2x80x64xi32, #tpu.memory_space<hbm>> -> memref<1x1x80x64xi32, #tpu.memory_space<hbm>>
      %dma_start3A_113 = tpu.memref_squeeze %dma_start3A_112 : memref<1x1x80x64xi32, #tpu.memory_space<hbm>> -> memref<80x64xi32, #tpu.memory_space<hbm>>
      %dma_start3A_114 = arith.constant 0 : i32
      %dma_start3A_115 = arith.constant 0 : i32
      %dma_start3A_116 = tpu.memref_slice %arg4[%arg1, %run_scoped3A_75, %dma_start3A_114, %dma_start3A_115] : memref<16x2x80x64xi32, #tpu.memory_space<hbm>> -> memref<1x1x80x64xi32, #tpu.memory_space<hbm>>
      %dma_start3A_117 = tpu.memref_squeeze %dma_start3A_116 : memref<1x1x80x64xi32, #tpu.memory_space<hbm>> -> memref<80x64xi32, #tpu.memory_space<hbm>>
      tpu.enqueue_dma source(%dma_start3A_117 : memref<80x64xi32, #tpu.memory_space<hbm>>) target(%arg7 : memref<80x64xi32, #tpu.memory_space<vmem>>) target_semaphore(%run_scoped3A_109 : memref<!tpu.dma_semaphore, #tpu.memory_space<semaphore_mem>>)
      %dma_wait3A = arith.constant 0 : i32
      %dma_wait3A_118 = arith.constant 0 : i32
      %dma_wait3A_119 = tpu.memref_slice %arg4[%arg1, %run_scoped3A_75, %dma_wait3A, %dma_wait3A_118] : memref<16x2x80x64xi32, #tpu.memory_space<hbm>> -> memref<1x1x80x64xi32, #tpu.memory_space<hbm>>
      %dma_wait3A_120 = tpu.memref_squeeze %dma_wait3A_119 : memref<1x1x80x64xi32, #tpu.memory_space<hbm>> -> memref<80x64xi32, #tpu.memory_space<hbm>>
      %dma_wait3A_121 = arith.constant 0 : i32
      %dma_wait3A_122 = arith.constant 0 : i32
      %dma_wait3A_123 = tpu.memref_slice %arg4[%arg1, %run_scoped3A_75, %dma_wait3A_121, %dma_wait3A_122] : memref<16x2x80x64xi32, #tpu.memory_space<hbm>> -> memref<1x1x80x64xi32, #tpu.memory_space<hbm>>
      %dma_wait3A_124 = tpu.memref_squeeze %dma_wait3A_123 : memref<1x1x80x64xi32, #tpu.memory_space<hbm>> -> memref<80x64xi32, #tpu.memory_space<hbm>>
      tpu.wait_dma2 semaphore(%run_scoped3A_109 : memref<!tpu.dma_semaphore, #tpu.memory_space<semaphore_mem>>) src(%dma_wait3A_124 : memref<80x64xi32, #tpu.memory_space<hbm>>) dst(%arg7 : memref<80x64xi32, #tpu.memory_space<vmem>>)
      tpu.yield
    }) : () -> ()
    %scan3A_76 = arith.constant 0 : i32
    %scan3A_77 = arith.constant 0 : i32
    %scan3A_78 = arith.constant 80 : i32
    %scan3A_79 = arith.addi %scan3A_77, %scan3A_78 : i32
    %scan3A_80 = arith.constant 1 : i32
    %scan3A_81 = scf.for %scan3A_109 = %scan3A_77 to %scan3A_79 step %scan3A_80 iter_args(%scan3A_110 = %scan3A_76) -> (i32)  : i32 {
      %get3A = arith.index_cast %scan3A_109 : i32 to index
      %get3A_111 = arith.constant 0 : index
      %get3A_112 = tpu.vector_load %arg6[%get3A, %get3A_111] {strides = array<i32>} : memref<80x64xi32, #tpu.memory_space<vmem>>, vector<1x16xi32>,
      %get3A_113 = vector.shape_cast %get3A_112 : vector<1x16xi32> to vector<16xi32>
      %add3A_114 = vector.broadcast %mul3A_45 : i32 to vector<16xi32>
      %add3A_115 = arith.addi %get3A_113, %add3A_114 : vector<16xi32>
      %swap3A = arith.index_cast %scan3A_109 : i32 to index
      %swap3A_116 = arith.constant 0 : index
      %swap3A_117 = tpu.vector_load %arg6[%swap3A, %swap3A_116] {strides = array<i32>} : memref<80x64xi32, #tpu.memory_space<vmem>>, vector<1x16xi32>,
      %swap3A_118 = vector.shape_cast %swap3A_117 : vector<1x16xi32> to vector<16xi32>
      %swap3A_119 = vector.shape_cast %add3A_115 : vector<16xi32> to vector<1x16xi32>
      tpu.vector_store %arg6[%swap3A, %swap3A_116], %swap3A_119 {strides = array<i32>} : memref<80x64xi32, #tpu.memory_space<vmem>>, vector<1x16xi32>,
      %get3A_120 = arith.index_cast %scan3A_109 : i32 to index
      %get3A_121 = arith.constant 16 : index
      %get3A_122 = tpu.vector_load %arg6[%get3A_120, %get3A_121] {strides = array<i32>} : memref<80x64xi32, #tpu.memory_space<vmem>>, vector<1x16xi32>,
      %get3A_123 = vector.shape_cast %get3A_122 : vector<1x16xi32> to vector<16xi32>
      %add3A_124 = vector.broadcast %mul3A_45 : i32 to vector<16xi32>
      %add3A_125 = arith.addi %get3A_123, %add3A_124 : vector<16xi32>
      %swap3A_126 = arith.index_cast %scan3A_109 : i32 to index
      %swap3A_127 = arith.constant 16 : index
      %swap3A_128 = tpu.vector_load %arg6[%swap3A_126, %swap3A_127] {strides = array<i32>} : memref<80x64xi32, #tpu.memory_space<vmem>>, vector<1x16xi32>,
      %swap3A_129 = vector.shape_cast %swap3A_128 : vector<1x16xi32> to vector<16xi32>
      %swap3A_130 = vector.shape_cast %add3A_125 : vector<16xi32> to vector<1x16xi32>
      tpu.vector_store %arg6[%swap3A_126, %swap3A_127], %swap3A_130 {strides = array<i32>} : memref<80x64xi32, #tpu.memory_space<vmem>>, vector<1x16xi32>,
      %get3A_131 = arith.index_cast %scan3A_109 : i32 to index
      %get3A_132 = arith.constant 32 : index
      %get3A_133 = tpu.vector_load %arg6[%get3A_131, %get3A_132] {strides = array<i32>} : memref<80x64xi32, #tpu.memory_space<vmem>>, vector<1x16xi32>,
      %get3A_134 = vector.shape_cast %get3A_133 : vector<1x16xi32> to vector<16xi32>
      %add3A_135 = vector.broadcast %mul3A_45 : i32 to vector<16xi32>
      %add3A_136 = arith.addi %get3A_134, %add3A_135 : vector<16xi32>
      %swap3A_137 = arith.index_cast %scan3A_109 : i32 to index
      %swap3A_138 = arith.constant 32 : index
      %swap3A_139 = tpu.vector_load %arg6[%swap3A_137, %swap3A_138] {strides = array<i32>} : memref<80x64xi32, #tpu.memory_space<vmem>>, vector<1x16xi32>,
      %swap3A_140 = vector.shape_cast %swap3A_139 : vector<1x16xi32> to vector<16xi32>
      %swap3A_141 = vector.shape_cast %add3A_136 : vector<16xi32> to vector<1x16xi32>
      tpu.vector_store %arg6[%swap3A_137, %swap3A_138], %swap3A_141 {strides = array<i32>} : memref<80x64xi32, #tpu.memory_space<vmem>>, vector<1x16xi32>,
      %get3A_142 = arith.index_cast %scan3A_109 : i32 to index
      %get3A_143 = arith.constant 48 : index
      %get3A_144 = tpu.vector_load %arg6[%get3A_142, %get3A_143] {strides = array<i32>} : memref<80x64xi32, #tpu.memory_space<vmem>>, vector<1x16xi32>,
      %get3A_145 = vector.shape_cast %get3A_144 : vector<1x16xi32> to vector<16xi32>
      %add3A_146 = vector.broadcast %mul3A_45 : i32 to vector<16xi32>
      %add3A_147 = arith.addi %get3A_145, %add3A_146 : vector<16xi32>
      %swap3A_148 = arith.index_cast %scan3A_109 : i32 to index
      %swap3A_149 = arith.constant 48 : index
      %swap3A_150 = tpu.vector_load %arg6[%swap3A_148, %swap3A_149] {strides = array<i32>} : memref<80x64xi32, #tpu.memory_space<vmem>>, vector<1x16xi32>,
      %swap3A_151 = vector.shape_cast %swap3A_150 : vector<1x16xi32> to vector<16xi32>
      %swap3A_152 = vector.shape_cast %add3A_147 : vector<16xi32> to vector<1x16xi32>
      tpu.vector_store %arg6[%swap3A_148, %swap3A_149], %swap3A_152 {strides = array<i32>} : memref<80x64xi32, #tpu.memory_space<vmem>>, vector<1x16xi32>,
      %scan3A_153 = arith.constant 0 : i32
      scf.yield %scan3A_153 : i32
    }
    %scan3A_82 = arith.constant 80 : i32
    %dma_start3A_83 = arith.constant 0 : i32
    %dma_start3A_84 = arith.constant 0 : i32
    %dma_start3A_85 = tpu.memref_slice %arg6[%dma_start3A_83, %dma_start3A_84] : memref<80x64xi32, #tpu.memory_space<vmem>> -> memref<1x64xi32, #tpu.memory_space<vmem>>
    %dma_start3A_86 = tpu.memref_squeeze %dma_start3A_85 : memref<1x64xi32, #tpu.memory_space<vmem>> -> memref<64xi32, #tpu.memory_space<vmem>>
    %dma_start3A_87 = arith.constant 0 : i32
    %dma_start3A_88 = arith.constant 0 : i32
    %dma_start3A_89 = tpu.memref_slice %arg2[%dma_start3A_87, %dma_start3A_88] : memref<20480x128xf32, #tpu.memory_space<hbm>> -> memref<20480x128xf32, #tpu.memory_space<hbm>>
    tpu.enqueue_indirect_dma source(%dma_start3A_89 : memref<20480x128xf32, #tpu.memory_space<hbm>>) target(%arg8 : memref<64x128xf32, #tpu.memory_space<vmem>>) offsets(%dma_start3A_86 : memref<64xi32, #tpu.memory_space<vmem>>) semaphore(%arg11 : memref<!tpu.dma_semaphore, #tpu.memory_space<semaphore_mem>>)
    %dma_start3A_90 = arith.constant 1 : i32
    %dma_start3A_91 = arith.constant 0 : i32
    %dma_start3A_92 = tpu.memref_slice %arg6[%dma_start3A_90, %dma_start3A_91] : memref<80x64xi32, #tpu.memory_space<vmem>> -> memref<1x64xi32, #tpu.memory_space<vmem>>
    %dma_start3A_93 = tpu.memref_squeeze %dma_start3A_92 : memref<1x64xi32, #tpu.memory_space<vmem>> -> memref<64xi32, #tpu.memory_space<vmem>>
    %dma_start3A_94 = arith.constant 0 : i32
    %dma_start3A_95 = arith.constant 0 : i32
    %dma_start3A_96 = tpu.memref_slice %arg2[%dma_start3A_94, %dma_start3A_95] : memref<20480x128xf32, #tpu.memory_space<hbm>> -> memref<20480x128xf32, #tpu.memory_space<hbm>>
    tpu.enqueue_indirect_dma source(%dma_start3A_96 : memref<20480x128xf32, #tpu.memory_space<hbm>>) target(%arg9 : memref<64x128xf32, #tpu.memory_space<vmem>>) offsets(%dma_start3A_93 : memref<64xi32, #tpu.memory_space<vmem>>) semaphore(%arg12 : memref<!tpu.dma_semaphore, #tpu.memory_space<semaphore_mem>>)
    %scan3A_97 = arith.constant 0 : i32
    %scan3A_98 = arith.constant 0 : i32
    %scan3A_99 = arith.constant 40 : i32
    %scan3A_100 = arith.addi %scan3A_98, %scan3A_99 : i32
    %scan3A_101 = arith.constant 1 : i32
    %scan3A_102 = scf.for %scan3A_109 = %scan3A_98 to %scan3A_100 step %scan3A_101 iter_args(%scan3A_110 = %scan3A_97) -> (i32)  : i32 {
      %mul3A_111 = arith.constant 2 : i32
      %mul3A_112 = arith.muli %mul3A_111, %scan3A_109 : i32
      %add3A_113 = arith.constant 0 : i32
      %add3A_114 = arith.addi %mul3A_112, %add3A_113 : i32
      %dma_wait3A = arith.constant 0 : i32
      %dma_wait3A_115 = tpu.memref_slice %arg6[%add3A_114, %dma_wait3A] : memref<80x64xi32, #tpu.memory_space<vmem>> -> memref<1x64xi32, #tpu.memory_space<vmem>>
      %dma_wait3A_116 = tpu.memref_squeeze %dma_wait3A_115 : memref<1x64xi32, #tpu.memory_space<vmem>> -> memref<64xi32, #tpu.memory_space<vmem>>
      %dma_wait3A_117 = arith.constant 0 : i32
      %dma_wait3A_118 = arith.constant 0 : i32
      %dma_wait3A_119 = tpu.memref_slice %arg2[%dma_wait3A_117, %dma_wait3A_118] : memref<20480x128xf32, #tpu.memory_space<hbm>> -> memref<20480x128xf32, #tpu.memory_space<hbm>>
      tpu.wait_indirect_dma semaphore(%arg11 : memref<!tpu.dma_semaphore, #tpu.memory_space<semaphore_mem>>) src(%dma_wait3A_119 : memref<20480x128xf32, #tpu.memory_space<hbm>>) dst(%arg8 : memref<64x128xf32, #tpu.memory_space<vmem>>)
      "tpu.region"() ({
        %run_scoped3A_142 = tpu.sem_alloc : memref<!tpu.dma_semaphore, #tpu.memory_space<semaphore_mem>>
        %dma_start3A_143 = arith.constant 0 : i32
        %dma_start3A_144 = tpu.memref_slice %arg7[%add3A_114, %dma_start3A_143] : memref<80x64xi32, #tpu.memory_space<vmem>> -> memref<1x64xi32, #tpu.memory_space<vmem>>
        %dma_start3A_145 = tpu.memref_squeeze %dma_start3A_144 : memref<1x64xi32, #tpu.memory_space<vmem>> -> memref<64xi32, #tpu.memory_space<vmem>>
        %dma_start3A_146 = arith.constant 0 : i32
        %dma_start3A_147 = arith.constant 0 : i32
        %dma_start3A_148 = tpu.memref_slice %arg10[%dma_start3A_146, %dma_start3A_147] : memref<10240x128xf32, #tpu.memory_space<vmem_shared>> -> memref<10240x128xf32, #tpu.memory_space<vmem_shared>>
        tpu.enqueue_indirect_dma source(%arg8 : memref<64x128xf32, #tpu.memory_space<vmem>>) target(%dma_start3A_148 : memref<10240x128xf32, #tpu.memory_space<vmem_shared>>) offsets(%dma_start3A_145 : memref<64xi32, #tpu.memory_space<vmem>>) semaphore(%run_scoped3A_142 : memref<!tpu.dma_semaphore, #tpu.memory_space<semaphore_mem>>) {add = true}
        %dma_wait3A_149 = arith.constant 0 : i32
        %dma_wait3A_150 = tpu.memref_slice %arg7[%add3A_114, %dma_wait3A_149] : memref<80x64xi32, #tpu.memory_space<vmem>> -> memref<1x64xi32, #tpu.memory_space<vmem>>
        %dma_wait3A_151 = tpu.memref_squeeze %dma_wait3A_150 : memref<1x64xi32, #tpu.memory_space<vmem>> -> memref<64xi32, #tpu.memory_space<vmem>>
        %dma_wait3A_152 = arith.constant 0 : i32
        %dma_wait3A_153 = arith.constant 0 : i32
        %dma_wait3A_154 = tpu.memref_slice %arg10[%dma_wait3A_152, %dma_wait3A_153] : memref<10240x128xf32, #tpu.memory_space<vmem_shared>> -> memref<10240x128xf32, #tpu.memory_space<vmem_shared>>
        tpu.wait_indirect_dma semaphore(%run_scoped3A_142 : memref<!tpu.dma_semaphore, #tpu.memory_space<semaphore_mem>>) src(%arg8 : memref<64x128xf32, #tpu.memory_space<vmem>>) dst(%dma_wait3A_154 : memref<10240x128xf32, #tpu.memory_space<vmem_shared>>)
        tpu.yield
      }) : () -> ()
      %add3A_120 = arith.constant 2 : i32
      %add3A_121 = arith.addi %add3A_114, %add3A_120 : i32
      %lt3A = arith.constant 80 : i32
      %lt3A_122 = arith.cmpi slt, %add3A_121, %lt3A : i32
      %convert_element_type3A = arith.extui %lt3A_122 : i1 to i32
      %cond3A = arith.constant 0 : i32
      %cond3A_123 = arith.cmpi ne, %convert_element_type3A, %cond3A : i32
      scf.if %cond3A_123 {
        %add3A_142 = arith.constant 2 : i32
        %add3A_143 = arith.addi %add3A_114, %add3A_142 : i32
        %dma_start3A_144 = arith.constant 0 : i32
        %dma_start3A_145 = tpu.memref_slice %arg6[%add3A_143, %dma_start3A_144] : memref<80x64xi32, #tpu.memory_space<vmem>> -> memref<1x64xi32, #tpu.memory_space<vmem>>
        %dma_start3A_146 = tpu.memref_squeeze %dma_start3A_145 : memref<1x64xi32, #tpu.memory_space<vmem>> -> memref<64xi32, #tpu.memory_space<vmem>>
        %dma_start3A_147 = arith.constant 0 : i32
        %dma_start3A_148 = arith.constant 0 : i32
        %dma_start3A_149 = tpu.memref_slice %arg2[%dma_start3A_147, %dma_start3A_148] : memref<20480x128xf32, #tpu.memory_space<hbm>> -> memref<20480x128xf32, #tpu.memory_space<hbm>>
        tpu.enqueue_indirect_dma source(%dma_start3A_149 : memref<20480x128xf32, #tpu.memory_space<hbm>>) target(%arg8 : memref<64x128xf32, #tpu.memory_space<vmem>>) offsets(%dma_start3A_146 : memref<64xi32, #tpu.memory_space<vmem>>) semaphore(%arg11 : memref<!tpu.dma_semaphore, #tpu.memory_space<semaphore_mem>>)
      } else {
      }
      %mul3A_124 = arith.constant 2 : i32
      %mul3A_125 = arith.muli %mul3A_124, %scan3A_109 : i32
      %add3A_126 = arith.constant 1 : i32
      %add3A_127 = arith.addi %mul3A_125, %add3A_126 : i32
      %dma_wait3A_128 = arith.constant 0 : i32
      %dma_wait3A_129 = tpu.memref_slice %arg6[%add3A_127, %dma_wait3A_128] : memref<80x64xi32, #tpu.memory_space<vmem>> -> memref<1x64xi32, #tpu.memory_space<vmem>>
      %dma_wait3A_130 = tpu.memref_squeeze %dma_wait3A_129 : memref<1x64xi32, #tpu.memory_space<vmem>> -> memref<64xi32, #tpu.memory_space<vmem>>
      %dma_wait3A_131 = arith.constant 0 : i32
      %dma_wait3A_132 = arith.constant 0 : i32
      %dma_wait3A_133 = tpu.memref_slice %arg2[%dma_wait3A_131, %dma_wait3A_132] : memref<20480x128xf32, #tpu.memory_space<hbm>> -> memref<20480x128xf32, #tpu.memory_space<hbm>>
      tpu.wait_indirect_dma semaphore(%arg12 : memref<!tpu.dma_semaphore, #tpu.memory_space<semaphore_mem>>) src(%dma_wait3A_133 : memref<20480x128xf32, #tpu.memory_space<hbm>>) dst(%arg9 : memref<64x128xf32, #tpu.memory_space<vmem>>)
      "tpu.region"() ({
        %run_scoped3A_142 = tpu.sem_alloc : memref<!tpu.dma_semaphore, #tpu.memory_space<semaphore_mem>>
        %dma_start3A_143 = arith.constant 0 : i32
        %dma_start3A_144 = tpu.memref_slice %arg7[%add3A_127, %dma_start3A_143] : memref<80x64xi32, #tpu.memory_space<vmem>> -> memref<1x64xi32, #tpu.memory_space<vmem>>
        %dma_start3A_145 = tpu.memref_squeeze %dma_start3A_144 : memref<1x64xi32, #tpu.memory_space<vmem>> -> memref<64xi32, #tpu.memory_space<vmem>>
        %dma_start3A_146 = arith.constant 0 : i32
        %dma_start3A_147 = arith.constant 0 : i32
        %dma_start3A_148 = tpu.memref_slice %arg10[%dma_start3A_146, %dma_start3A_147] : memref<10240x128xf32, #tpu.memory_space<vmem_shared>> -> memref<10240x128xf32, #tpu.memory_space<vmem_shared>>
        tpu.enqueue_indirect_dma source(%arg9 : memref<64x128xf32, #tpu.memory_space<vmem>>) target(%dma_start3A_148 : memref<10240x128xf32, #tpu.memory_space<vmem_shared>>) offsets(%dma_start3A_145 : memref<64xi32, #tpu.memory_space<vmem>>) semaphore(%run_scoped3A_142 : memref<!tpu.dma_semaphore, #tpu.memory_space<semaphore_mem>>) {add = true}
        %dma_wait3A_149 = arith.constant 0 : i32
        %dma_wait3A_150 = tpu.memref_slice %arg7[%add3A_127, %dma_wait3A_149] : memref<80x64xi32, #tpu.memory_space<vmem>> -> memref<1x64xi32, #tpu.memory_space<vmem>>
        %dma_wait3A_151 = tpu.memref_squeeze %dma_wait3A_150 : memref<1x64xi32, #tpu.memory_space<vmem>> -> memref<64xi32, #tpu.memory_space<vmem>>
        %dma_wait3A_152 = arith.constant 0 : i32
        %dma_wait3A_153 = arith.constant 0 : i32
        %dma_wait3A_154 = tpu.memref_slice %arg10[%dma_wait3A_152, %dma_wait3A_153] : memref<10240x128xf32, #tpu.memory_space<vmem_shared>> -> memref<10240x128xf32, #tpu.memory_space<vmem_shared>>
        tpu.wait_indirect_dma semaphore(%run_scoped3A_142 : memref<!tpu.dma_semaphore, #tpu.memory_space<semaphore_mem>>) src(%arg9 : memref<64x128xf32, #tpu.memory_space<vmem>>) dst(%dma_wait3A_154 : memref<10240x128xf32, #tpu.memory_space<vmem_shared>>)
        tpu.yield
      }) : () -> ()
      %add3A_134 = arith.constant 2 : i32
      %add3A_135 = arith.addi %add3A_127, %add3A_134 : i32
      %lt3A_136 = arith.constant 80 : i32
      %lt3A_137 = arith.cmpi slt, %add3A_135, %lt3A_136 : i32
      %convert_element_type3A_138 = arith.extui %lt3A_137 : i1 to i32
      %cond3A_139 = arith.constant 0 : i32
      %cond3A_140 = arith.cmpi ne, %convert_element_type3A_138, %cond3A_139 : i32
      scf.if %cond3A_140 {
        %add3A_142 = arith.constant 2 : i32
        %add3A_143 = arith.addi %add3A_127, %add3A_142 : i32
        %dma_start3A_144 = arith.constant 0 : i32
        %dma_start3A_145 = tpu.memref_slice %arg6[%add3A_143, %dma_start3A_144] : memref<80x64xi32, #tpu.memory_space<vmem>> -> memref<1x64xi32, #tpu.memory_space<vmem>>
        %dma_start3A_146 = tpu.memref_squeeze %dma_start3A_145 : memref<1x64xi32, #tpu.memory_space<vmem>> -> memref<64xi32, #tpu.memory_space<vmem>>
        %dma_start3A_147 = arith.constant 0 : i32
        %dma_start3A_148 = arith.constant 0 : i32
        %dma_start3A_149 = tpu.memref_slice %arg2[%dma_start3A_147, %dma_start3A_148] : memref<20480x128xf32, #tpu.memory_space<hbm>> -> memref<20480x128xf32, #tpu.memory_space<hbm>>
        tpu.enqueue_indirect_dma source(%dma_start3A_149 : memref<20480x128xf32, #tpu.memory_space<hbm>>) target(%arg9 : memref<64x128xf32, #tpu.memory_space<vmem>>) offsets(%dma_start3A_146 : memref<64xi32, #tpu.memory_space<vmem>>) semaphore(%arg12 : memref<!tpu.dma_semaphore, #tpu.memory_space<semaphore_mem>>)
      } else {
      }
      %scan3A_141 = arith.constant 0 : i32
      scf.yield %scan3A_141 : i32
    }
    %scan3A_103 = arith.constant 40 : i32
    %barrier3A_104 = arith.constant 0 : index
    tpu.barrier barrier_id(%barrier3A_104)
    %mul3A_105 = arith.constant 640 : i32
    %mul3A_106 = arith.muli %arg1, %mul3A_105 : i32
    %mul3A_107 = arith.constant 640 : i32
    %mul3A_108 = arith.muli %arg1, %mul3A_107 : i32
    "tpu.region"() ({
      %run_scoped3A_109 = tpu.sem_alloc : memref<!tpu.dma_semaphore, #tpu.memory_space<semaphore_mem>>
      %dma_start3A_110 = arith.constant 0 : i32
      %dma_start3A_111 = tpu.memref_slice %arg5[%arg0, %mul3A_108, %dma_start3A_110] : memref<2x10240x128xf32, #tpu.memory_space<hbm>> -> memref<1x640x128xf32, #tpu.memory_space<hbm>>
      %dma_start3A_112 = tpu.memref_squeeze %dma_start3A_111 : memref<1x640x128xf32, #tpu.memory_space<hbm>> -> memref<640x128xf32, #tpu.memory_space<hbm>>
      %dma_start3A_113 = arith.constant 0 : i32
      %dma_start3A_114 = tpu.memref_slice %arg10[%mul3A_106, %dma_start3A_113] : memref<10240x128xf32, #tpu.memory_space<vmem_shared>> -> memref<640x128xf32, #tpu.memory_space<vmem_shared>>
      tpu.enqueue_dma source(%dma_start3A_114 : memref<640x128xf32, #tpu.memory_space<vmem_shared>>) target(%dma_start3A_112 : memref<640x128xf32, #tpu.memory_space<hbm>>) target_semaphore(%run_scoped3A_109 : memref<!tpu.dma_semaphore, #tpu.memory_space<semaphore_mem>>)
      %dma_wait3A = arith.constant 0 : i32
      %dma_wait3A_115 = tpu.memref_slice %arg5[%arg0, %mul3A_108, %dma_wait3A] : memref<2x10240x128xf32, #tpu.memory_space<hbm>> -> memref<1x640x128xf32, #tpu.memory_space<hbm>>
      %dma_wait3A_116 = tpu.memref_squeeze %dma_wait3A_115 : memref<1x640x128xf32, #tpu.memory_space<hbm>> -> memref<640x128xf32, #tpu.memory_space<hbm>>
      %dma_wait3A_117 = arith.constant 0 : i32
      %dma_wait3A_118 = tpu.memref_slice %arg10[%mul3A_106, %dma_wait3A_117] : memref<10240x128xf32, #tpu.memory_space<vmem_shared>> -> memref<640x128xf32, #tpu.memory_space<vmem_shared>>
      tpu.wait_dma2 semaphore(%run_scoped3A_109 : memref<!tpu.dma_semaphore, #tpu.memory_space<semaphore_mem>>) src(%dma_wait3A_118 : memref<640x128xf32, #tpu.memory_space<vmem_shared>>) dst(%dma_wait3A_116 : memref<640x128xf32, #tpu.memory_space<hbm>>)
      tpu.yield
    }) : () -> ()
    return
  }
}

#map = affine_map<(d0, d1) -> (0, 0)>
#map1 = affine_map<(d0, d1) -> (0, 0, 0)>
module attributes {stable_mosaic.version = 14 : i64} {
  func.func @deg_kernel(%arg0: i32, %arg1: i32, %arg2: memref<128x128xf32, #tpu.memory_space<hbm>>, %arg3: memref<32x80x64xi32, #tpu.memory_space<hbm>>, %arg4: memref<2x80x128xf32, #tpu.memory_space<hbm>>, %arg5: memref<80x64xi32, #tpu.memory_space<vmem>>, %arg6: memref<80x64xi32, #tpu.memory_space<vmem>>, %arg7: memref<64x128xf32, #tpu.memory_space<vmem>>, %arg8: memref<64x128xf32, #tpu.memory_space<vmem>>, %arg9: memref<128x128xf32, #tpu.memory_space<vmem_shared>>, %arg10: memref<80x128xf32, #tpu.memory_space<vmem_shared>>, %arg11: memref<!tpu.dma_semaphore, #tpu.memory_space<semaphore_mem>>, %arg12: memref<!tpu.dma_semaphore, #tpu.memory_space<semaphore_mem>>) attributes {dimension_semantics = [#tpu.dimension_semantics<core_parallel>, #tpu.dimension_semantics<subcore_parallel>], iteration_bounds = array<i64: 2, 16>, scalar_prefetch = 0 : i64, scratch_operands = 8 : i64, tpu.core_type = #tpu.core_type<sc_vector_subcore>, window_params = [{transform_indices = #map}, {transform_indices = #map1}, {transform_indices = #map1}]} {
    %mul3A = arith.constant 16 : i32
    %mul3A_0 = arith.muli %arg0, %mul3A : i32
    %add3A = arith.addi %mul3A_0, %arg1 : i32
    %eq3A = arith.constant 0 : i32
    %eq3A_1 = arith.cmpi eq, %arg1, %eq3A : i32
    %convert_element_type3A = arith.extui %eq3A_1 : i1 to i32
    %cond3A = arith.constant 0 : i32
    %cond3A_2 = arith.cmpi ne, %convert_element_type3A, %cond3A : i32
    scf.if %cond3A_2 {
      "tpu.region"() ({
        %run_scoped3A = tpu.sem_alloc : memref<!tpu.dma_semaphore, #tpu.memory_space<semaphore_mem>>
        tpu.enqueue_dma source(%arg2 : memref<128x128xf32, #tpu.memory_space<hbm>>) target(%arg9 : memref<128x128xf32, #tpu.memory_space<vmem_shared>>) target_semaphore(%run_scoped3A : memref<!tpu.dma_semaphore, #tpu.memory_space<semaphore_mem>>)
        tpu.wait_dma2 semaphore(%run_scoped3A : memref<!tpu.dma_semaphore, #tpu.memory_space<semaphore_mem>>) src(%arg2 : memref<128x128xf32, #tpu.memory_space<hbm>>) dst(%arg9 : memref<128x128xf32, #tpu.memory_space<vmem_shared>>)
        tpu.yield
      }) : () -> ()
      %scan3A_35 = arith.constant 0 : i32
      %scan3A_36 = arith.constant 0 : i32
      %scan3A_37 = arith.constant 16 : i32
      %scan3A_38 = arith.addi %scan3A_36, %scan3A_37 : i32
      %scan3A_39 = arith.constant 1 : i32
      %scan3A_40 = scf.for %scan3A_42 = %scan3A_36 to %scan3A_38 step %scan3A_39 iter_args(%scan3A_43 = %scan3A_35) -> (i32)  : i32 {
        %broadcast_in_dim3A = arith.constant 0.000000e+00 : f32
        %broadcast_in_dim3A_44 = vector.broadcast %broadcast_in_dim3A : f32 to vector<16xf32>
        %swap3A = arith.index_cast %scan3A_42 : i32 to index
        %swap3A_45 = arith.constant 0 : index
        %swap3A_46 = tpu.vector_load %arg7[%swap3A, %swap3A_45] {strides = array<i32>} : memref<64x128xf32, #tpu.memory_space<vmem>>, vector<1x16xf32>,
        %swap3A_47 = vector.shape_cast %swap3A_46 : vector<1x16xf32> to vector<16xf32>
        %swap3A_48 = vector.shape_cast %broadcast_in_dim3A_44 : vector<16xf32> to vector<1x16xf32>
        tpu.vector_store %arg7[%swap3A, %swap3A_45], %swap3A_48 {strides = array<i32>} : memref<64x128xf32, #tpu.memory_space<vmem>>, vector<1x16xf32>,
        %broadcast_in_dim3A_49 = arith.constant 0.000000e+00 : f32
        %broadcast_in_dim3A_50 = vector.broadcast %broadcast_in_dim3A_49 : f32 to vector<16xf32>
        %swap3A_51 = arith.index_cast %scan3A_42 : i32 to index
        %swap3A_52 = arith.constant 16 : index
        %swap3A_53 = tpu.vector_load %arg7[%swap3A_51, %swap3A_52] {strides = array<i32>} : memref<64x128xf32, #tpu.memory_space<vmem>>, vector<1x16xf32>,
        %swap3A_54 = vector.shape_cast %swap3A_53 : vector<1x16xf32> to vector<16xf32>
        %swap3A_55 = vector.shape_cast %broadcast_in_dim3A_50 : vector<16xf32> to vector<1x16xf32>
        tpu.vector_store %arg7[%swap3A_51, %swap3A_52], %swap3A_55 {strides = array<i32>} : memref<64x128xf32, #tpu.memory_space<vmem>>, vector<1x16xf32>,
        %broadcast_in_dim3A_56 = arith.constant 0.000000e+00 : f32
        %broadcast_in_dim3A_57 = vector.broadcast %broadcast_in_dim3A_56 : f32 to vector<16xf32>
        %swap3A_58 = arith.index_cast %scan3A_42 : i32 to index
        %swap3A_59 = arith.constant 32 : index
        %swap3A_60 = tpu.vector_load %arg7[%swap3A_58, %swap3A_59] {strides = array<i32>} : memref<64x128xf32, #tpu.memory_space<vmem>>, vector<1x16xf32>,
        %swap3A_61 = vector.shape_cast %swap3A_60 : vector<1x16xf32> to vector<16xf32>
        %swap3A_62 = vector.shape_cast %broadcast_in_dim3A_57 : vector<16xf32> to vector<1x16xf32>
        tpu.vector_store %arg7[%swap3A_58, %swap3A_59], %swap3A_62 {strides = array<i32>} : memref<64x128xf32, #tpu.memory_space<vmem>>, vector<1x16xf32>,
        %broadcast_in_dim3A_63 = arith.constant 0.000000e+00 : f32
        %broadcast_in_dim3A_64 = vector.broadcast %broadcast_in_dim3A_63 : f32 to vector<16xf32>
        %swap3A_65 = arith.index_cast %scan3A_42 : i32 to index
        %swap3A_66 = arith.constant 48 : index
        %swap3A_67 = tpu.vector_load %arg7[%swap3A_65, %swap3A_66] {strides = array<i32>} : memref<64x128xf32, #tpu.memory_space<vmem>>, vector<1x16xf32>,
        %swap3A_68 = vector.shape_cast %swap3A_67 : vector<1x16xf32> to vector<16xf32>
        %swap3A_69 = vector.shape_cast %broadcast_in_dim3A_64 : vector<16xf32> to vector<1x16xf32>
        tpu.vector_store %arg7[%swap3A_65, %swap3A_66], %swap3A_69 {strides = array<i32>} : memref<64x128xf32, #tpu.memory_space<vmem>>, vector<1x16xf32>,
        %broadcast_in_dim3A_70 = arith.constant 0.000000e+00 : f32
        %broadcast_in_dim3A_71 = vector.broadcast %broadcast_in_dim3A_70 : f32 to vector<16xf32>
        %swap3A_72 = arith.index_cast %scan3A_42 : i32 to index
        %swap3A_73 = arith.constant 64 : index
        %swap3A_74 = tpu.vector_load %arg7[%swap3A_72, %swap3A_73] {strides = array<i32>} : memref<64x128xf32, #tpu.memory_space<vmem>>, vector<1x16xf32>,
        %swap3A_75 = vector.shape_cast %swap3A_74 : vector<1x16xf32> to vector<16xf32>
        %swap3A_76 = vector.shape_cast %broadcast_in_dim3A_71 : vector<16xf32> to vector<1x16xf32>
        tpu.vector_store %arg7[%swap3A_72, %swap3A_73], %swap3A_76 {strides = array<i32>} : memref<64x128xf32, #tpu.memory_space<vmem>>, vector<1x16xf32>,
        %broadcast_in_dim3A_77 = arith.constant 0.000000e+00 : f32
        %broadcast_in_dim3A_78 = vector.broadcast %broadcast_in_dim3A_77 : f32 to vector<16xf32>
        %swap3A_79 = arith.index_cast %scan3A_42 : i32 to index
        %swap3A_80 = arith.constant 80 : index
        %swap3A_81 = tpu.vector_load %arg7[%swap3A_79, %swap3A_80] {strides = array<i32>} : memref<64x128xf32, #tpu.memory_space<vmem>>, vector<1x16xf32>,
        %swap3A_82 = vector.shape_cast %swap3A_81 : vector<1x16xf32> to vector<16xf32>
        %swap3A_83 = vector.shape_cast %broadcast_in_dim3A_78 : vector<16xf32> to vector<1x16xf32>
        tpu.vector_store %arg7[%swap3A_79, %swap3A_80], %swap3A_83 {strides = array<i32>} : memref<64x128xf32, #tpu.memory_space<vmem>>, vector<1x16xf32>,
        %broadcast_in_dim3A_84 = arith.constant 0.000000e+00 : f32
        %broadcast_in_dim3A_85 = vector.broadcast %broadcast_in_dim3A_84 : f32 to vector<16xf32>
        %swap3A_86 = arith.index_cast %scan3A_42 : i32 to index
        %swap3A_87 = arith.constant 96 : index
        %swap3A_88 = tpu.vector_load %arg7[%swap3A_86, %swap3A_87] {strides = array<i32>} : memref<64x128xf32, #tpu.memory_space<vmem>>, vector<1x16xf32>,
        %swap3A_89 = vector.shape_cast %swap3A_88 : vector<1x16xf32> to vector<16xf32>
        %swap3A_90 = vector.shape_cast %broadcast_in_dim3A_85 : vector<16xf32> to vector<1x16xf32>
        tpu.vector_store %arg7[%swap3A_86, %swap3A_87], %swap3A_90 {strides = array<i32>} : memref<64x128xf32, #tpu.memory_space<vmem>>, vector<1x16xf32>,
        %broadcast_in_dim3A_91 = arith.constant 0.000000e+00 : f32
        %broadcast_in_dim3A_92 = vector.broadcast %broadcast_in_dim3A_91 : f32 to vector<16xf32>
        %swap3A_93 = arith.index_cast %scan3A_42 : i32 to index
        %swap3A_94 = arith.constant 112 : index
        %swap3A_95 = tpu.vector_load %arg7[%swap3A_93, %swap3A_94] {strides = array<i32>} : memref<64x128xf32, #tpu.memory_space<vmem>>, vector<1x16xf32>,
        %swap3A_96 = vector.shape_cast %swap3A_95 : vector<1x16xf32> to vector<16xf32>
        %swap3A_97 = vector.shape_cast %broadcast_in_dim3A_92 : vector<16xf32> to vector<1x16xf32>
        tpu.vector_store %arg7[%swap3A_93, %swap3A_94], %swap3A_97 {strides = array<i32>} : memref<64x128xf32, #tpu.memory_space<vmem>>, vector<1x16xf32>,
        %scan3A_98 = arith.constant 0 : i32
        scf.yield %scan3A_98 : i32
      }
      %scan3A_41 = arith.constant 16 : i32
      "tpu.region"() ({
        %run_scoped3A = tpu.sem_alloc : memref<!tpu.dma_semaphore, #tpu.memory_space<semaphore_mem>>
        %dma_start3A_42 = arith.constant 0 : i32
        %dma_start3A_43 = arith.constant 0 : i32
        %dma_start3A_44 = tpu.memref_slice %arg7[%dma_start3A_42, %dma_start3A_43] : memref<64x128xf32, #tpu.memory_space<vmem>> -> memref<16x128xf32, #tpu.memory_space<vmem>>
        %dma_start3A_45 = arith.constant 0 : i32
        %dma_start3A_46 = arith.constant 0 : i32
        %dma_start3A_47 = tpu.memref_slice %arg10[%dma_start3A_45, %dma_start3A_46] : memref<80x128xf32, #tpu.memory_space<vmem_shared>> -> memref<16x128xf32, #tpu.memory_space<vmem_shared>>
        %dma_start3A_48 = arith.constant 0 : i32
        %dma_start3A_49 = arith.constant 0 : i32
        %dma_start3A_50 = tpu.memref_slice %arg10[%dma_start3A_48, %dma_start3A_49] : memref<80x128xf32, #tpu.memory_space<vmem_shared>> -> memref<16x128xf32, #tpu.memory_space<vmem_shared>>
        %dma_start3A_51 = arith.constant 0 : i32
        %dma_start3A_52 = arith.constant 0 : i32
        %dma_start3A_53 = tpu.memref_slice %arg7[%dma_start3A_51, %dma_start3A_52] : memref<64x128xf32, #tpu.memory_space<vmem>> -> memref<16x128xf32, #tpu.memory_space<vmem>>
        tpu.enqueue_dma source(%dma_start3A_53 : memref<16x128xf32, #tpu.memory_space<vmem>>) target(%dma_start3A_50 : memref<16x128xf32, #tpu.memory_space<vmem_shared>>) target_semaphore(%run_scoped3A : memref<!tpu.dma_semaphore, #tpu.memory_space<semaphore_mem>>)
        %dma_wait3A = arith.constant 0 : i32
        %dma_wait3A_54 = arith.constant 0 : i32
        %dma_wait3A_55 = tpu.memref_slice %arg7[%dma_wait3A, %dma_wait3A_54] : memref<64x128xf32, #tpu.memory_space<vmem>> -> memref<16x128xf32, #tpu.memory_space<vmem>>
        %dma_wait3A_56 = arith.constant 0 : i32
        %dma_wait3A_57 = arith.constant 0 : i32
        %dma_wait3A_58 = tpu.memref_slice %arg10[%dma_wait3A_56, %dma_wait3A_57] : memref<80x128xf32, #tpu.memory_space<vmem_shared>> -> memref<16x128xf32, #tpu.memory_space<vmem_shared>>
        %dma_wait3A_59 = arith.constant 0 : i32
        %dma_wait3A_60 = arith.constant 0 : i32
        %dma_wait3A_61 = tpu.memref_slice %arg10[%dma_wait3A_59, %dma_wait3A_60] : memref<80x128xf32, #tpu.memory_space<vmem_shared>> -> memref<16x128xf32, #tpu.memory_space<vmem_shared>>
        %dma_wait3A_62 = arith.constant 0 : i32
        %dma_wait3A_63 = arith.constant 0 : i32
        %dma_wait3A_64 = tpu.memref_slice %arg7[%dma_wait3A_62, %dma_wait3A_63] : memref<64x128xf32, #tpu.memory_space<vmem>> -> memref<16x128xf32, #tpu.memory_space<vmem>>
        tpu.wait_dma2 semaphore(%run_scoped3A : memref<!tpu.dma_semaphore, #tpu.memory_space<semaphore_mem>>) src(%dma_wait3A_64 : memref<16x128xf32, #tpu.memory_space<vmem>>) dst(%dma_wait3A_61 : memref<16x128xf32, #tpu.memory_space<vmem_shared>>)
        tpu.yield
      }) : () -> ()
      "tpu.region"() ({
        %run_scoped3A = tpu.sem_alloc : memref<!tpu.dma_semaphore, #tpu.memory_space<semaphore_mem>>
        %dma_start3A_42 = arith.constant 0 : i32
        %dma_start3A_43 = arith.constant 0 : i32
        %dma_start3A_44 = tpu.memref_slice %arg7[%dma_start3A_42, %dma_start3A_43] : memref<64x128xf32, #tpu.memory_space<vmem>> -> memref<16x128xf32, #tpu.memory_space<vmem>>
        %dma_start3A_45 = arith.constant 16 : i32
        %dma_start3A_46 = arith.constant 0 : i32
        %dma_start3A_47 = tpu.memref_slice %arg10[%dma_start3A_45, %dma_start3A_46] : memref<80x128xf32, #tpu.memory_space<vmem_shared>> -> memref<16x128xf32, #tpu.memory_space<vmem_shared>>
        %dma_start3A_48 = arith.constant 16 : i32
        %dma_start3A_49 = arith.constant 0 : i32
        %dma_start3A_50 = tpu.memref_slice %arg10[%dma_start3A_48, %dma_start3A_49] : memref<80x128xf32, #tpu.memory_space<vmem_shared>> -> memref<16x128xf32, #tpu.memory_space<vmem_shared>>
        %dma_start3A_51 = arith.constant 0 : i32
        %dma_start3A_52 = arith.constant 0 : i32
        %dma_start3A_53 = tpu.memref_slice %arg7[%dma_start3A_51, %dma_start3A_52] : memref<64x128xf32, #tpu.memory_space<vmem>> -> memref<16x128xf32, #tpu.memory_space<vmem>>
        tpu.enqueue_dma source(%dma_start3A_53 : memref<16x128xf32, #tpu.memory_space<vmem>>) target(%dma_start3A_50 : memref<16x128xf32, #tpu.memory_space<vmem_shared>>) target_semaphore(%run_scoped3A : memref<!tpu.dma_semaphore, #tpu.memory_space<semaphore_mem>>)
        %dma_wait3A = arith.constant 0 : i32
        %dma_wait3A_54 = arith.constant 0 : i32
        %dma_wait3A_55 = tpu.memref_slice %arg7[%dma_wait3A, %dma_wait3A_54] : memref<64x128xf32, #tpu.memory_space<vmem>> -> memref<16x128xf32, #tpu.memory_space<vmem>>
        %dma_wait3A_56 = arith.constant 16 : i32
        %dma_wait3A_57 = arith.constant 0 : i32
        %dma_wait3A_58 = tpu.memref_slice %arg10[%dma_wait3A_56, %dma_wait3A_57] : memref<80x128xf32, #tpu.memory_space<vmem_shared>> -> memref<16x128xf32, #tpu.memory_space<vmem_shared>>
        %dma_wait3A_59 = arith.constant 16 : i32
        %dma_wait3A_60 = arith.constant 0 : i32
        %dma_wait3A_61 = tpu.memref_slice %arg10[%dma_wait3A_59, %dma_wait3A_60] : memref<80x128xf32, #tpu.memory_space<vmem_shared>> -> memref<16x128xf32, #tpu.memory_space<vmem_shared>>
        %dma_wait3A_62 = arith.constant 0 : i32
        %dma_wait3A_63 = arith.constant 0 : i32
        %dma_wait3A_64 = tpu.memref_slice %arg7[%dma_wait3A_62, %dma_wait3A_63] : memref<64x128xf32, #tpu.memory_space<vmem>> -> memref<16x128xf32, #tpu.memory_space<vmem>>
        tpu.wait_dma2 semaphore(%run_scoped3A : memref<!tpu.dma_semaphore, #tpu.memory_space<semaphore_mem>>) src(%dma_wait3A_64 : memref<16x128xf32, #tpu.memory_space<vmem>>) dst(%dma_wait3A_61 : memref<16x128xf32, #tpu.memory_space<vmem_shared>>)
        tpu.yield
      }) : () -> ()
      "tpu.region"() ({
        %run_scoped3A = tpu.sem_alloc : memref<!tpu.dma_semaphore, #tpu.memory_space<semaphore_mem>>
        %dma_start3A_42 = arith.constant 0 : i32
        %dma_start3A_43 = arith.constant 0 : i32
        %dma_start3A_44 = tpu.memref_slice %arg7[%dma_start3A_42, %dma_start3A_43] : memref<64x128xf32, #tpu.memory_space<vmem>> -> memref<16x128xf32, #tpu.memory_space<vmem>>
        %dma_start3A_45 = arith.constant 32 : i32
        %dma_start3A_46 = arith.constant 0 : i32
        %dma_start3A_47 = tpu.memref_slice %arg10[%dma_start3A_45, %dma_start3A_46] : memref<80x128xf32, #tpu.memory_space<vmem_shared>> -> memref<16x128xf32, #tpu.memory_space<vmem_shared>>
        %dma_start3A_48 = arith.constant 32 : i32
        %dma_start3A_49 = arith.constant 0 : i32
        %dma_start3A_50 = tpu.memref_slice %arg10[%dma_start3A_48, %dma_start3A_49] : memref<80x128xf32, #tpu.memory_space<vmem_shared>> -> memref<16x128xf32, #tpu.memory_space<vmem_shared>>
        %dma_start3A_51 = arith.constant 0 : i32
        %dma_start3A_52 = arith.constant 0 : i32
        %dma_start3A_53 = tpu.memref_slice %arg7[%dma_start3A_51, %dma_start3A_52] : memref<64x128xf32, #tpu.memory_space<vmem>> -> memref<16x128xf32, #tpu.memory_space<vmem>>
        tpu.enqueue_dma source(%dma_start3A_53 : memref<16x128xf32, #tpu.memory_space<vmem>>) target(%dma_start3A_50 : memref<16x128xf32, #tpu.memory_space<vmem_shared>>) target_semaphore(%run_scoped3A : memref<!tpu.dma_semaphore, #tpu.memory_space<semaphore_mem>>)
        %dma_wait3A = arith.constant 0 : i32
        %dma_wait3A_54 = arith.constant 0 : i32
        %dma_wait3A_55 = tpu.memref_slice %arg7[%dma_wait3A, %dma_wait3A_54] : memref<64x128xf32, #tpu.memory_space<vmem>> -> memref<16x128xf32, #tpu.memory_space<vmem>>
        %dma_wait3A_56 = arith.constant 32 : i32
        %dma_wait3A_57 = arith.constant 0 : i32
        %dma_wait3A_58 = tpu.memref_slice %arg10[%dma_wait3A_56, %dma_wait3A_57] : memref<80x128xf32, #tpu.memory_space<vmem_shared>> -> memref<16x128xf32, #tpu.memory_space<vmem_shared>>
        %dma_wait3A_59 = arith.constant 32 : i32
        %dma_wait3A_60 = arith.constant 0 : i32
        %dma_wait3A_61 = tpu.memref_slice %arg10[%dma_wait3A_59, %dma_wait3A_60] : memref<80x128xf32, #tpu.memory_space<vmem_shared>> -> memref<16x128xf32, #tpu.memory_space<vmem_shared>>
        %dma_wait3A_62 = arith.constant 0 : i32
        %dma_wait3A_63 = arith.constant 0 : i32
        %dma_wait3A_64 = tpu.memref_slice %arg7[%dma_wait3A_62, %dma_wait3A_63] : memref<64x128xf32, #tpu.memory_space<vmem>> -> memref<16x128xf32, #tpu.memory_space<vmem>>
        tpu.wait_dma2 semaphore(%run_scoped3A : memref<!tpu.dma_semaphore, #tpu.memory_space<semaphore_mem>>) src(%dma_wait3A_64 : memref<16x128xf32, #tpu.memory_space<vmem>>) dst(%dma_wait3A_61 : memref<16x128xf32, #tpu.memory_space<vmem_shared>>)
        tpu.yield
      }) : () -> ()
      "tpu.region"() ({
        %run_scoped3A = tpu.sem_alloc : memref<!tpu.dma_semaphore, #tpu.memory_space<semaphore_mem>>
        %dma_start3A_42 = arith.constant 0 : i32
        %dma_start3A_43 = arith.constant 0 : i32
        %dma_start3A_44 = tpu.memref_slice %arg7[%dma_start3A_42, %dma_start3A_43] : memref<64x128xf32, #tpu.memory_space<vmem>> -> memref<16x128xf32, #tpu.memory_space<vmem>>
        %dma_start3A_45 = arith.constant 48 : i32
        %dma_start3A_46 = arith.constant 0 : i32
        %dma_start3A_47 = tpu.memref_slice %arg10[%dma_start3A_45, %dma_start3A_46] : memref<80x128xf32, #tpu.memory_space<vmem_shared>> -> memref<16x128xf32, #tpu.memory_space<vmem_shared>>
        %dma_start3A_48 = arith.constant 48 : i32
        %dma_start3A_49 = arith.constant 0 : i32
        %dma_start3A_50 = tpu.memref_slice %arg10[%dma_start3A_48, %dma_start3A_49] : memref<80x128xf32, #tpu.memory_space<vmem_shared>> -> memref<16x128xf32, #tpu.memory_space<vmem_shared>>
        %dma_start3A_51 = arith.constant 0 : i32
        %dma_start3A_52 = arith.constant 0 : i32
        %dma_start3A_53 = tpu.memref_slice %arg7[%dma_start3A_51, %dma_start3A_52] : memref<64x128xf32, #tpu.memory_space<vmem>> -> memref<16x128xf32, #tpu.memory_space<vmem>>
        tpu.enqueue_dma source(%dma_start3A_53 : memref<16x128xf32, #tpu.memory_space<vmem>>) target(%dma_start3A_50 : memref<16x128xf32, #tpu.memory_space<vmem_shared>>) target_semaphore(%run_scoped3A : memref<!tpu.dma_semaphore, #tpu.memory_space<semaphore_mem>>)
        %dma_wait3A = arith.constant 0 : i32
        %dma_wait3A_54 = arith.constant 0 : i32
        %dma_wait3A_55 = tpu.memref_slice %arg7[%dma_wait3A, %dma_wait3A_54] : memref<64x128xf32, #tpu.memory_space<vmem>> -> memref<16x128xf32, #tpu.memory_space<vmem>>
        %dma_wait3A_56 = arith.constant 48 : i32
        %dma_wait3A_57 = arith.constant 0 : i32
        %dma_wait3A_58 = tpu.memref_slice %arg10[%dma_wait3A_56, %dma_wait3A_57] : memref<80x128xf32, #tpu.memory_space<vmem_shared>> -> memref<16x128xf32, #tpu.memory_space<vmem_shared>>
        %dma_wait3A_59 = arith.constant 48 : i32
        %dma_wait3A_60 = arith.constant 0 : i32
        %dma_wait3A_61 = tpu.memref_slice %arg10[%dma_wait3A_59, %dma_wait3A_60] : memref<80x128xf32, #tpu.memory_space<vmem_shared>> -> memref<16x128xf32, #tpu.memory_space<vmem_shared>>
        %dma_wait3A_62 = arith.constant 0 : i32
        %dma_wait3A_63 = arith.constant 0 : i32
        %dma_wait3A_64 = tpu.memref_slice %arg7[%dma_wait3A_62, %dma_wait3A_63] : memref<64x128xf32, #tpu.memory_space<vmem>> -> memref<16x128xf32, #tpu.memory_space<vmem>>
        tpu.wait_dma2 semaphore(%run_scoped3A : memref<!tpu.dma_semaphore, #tpu.memory_space<semaphore_mem>>) src(%dma_wait3A_64 : memref<16x128xf32, #tpu.memory_space<vmem>>) dst(%dma_wait3A_61 : memref<16x128xf32, #tpu.memory_space<vmem_shared>>)
        tpu.yield
      }) : () -> ()
      "tpu.region"() ({
        %run_scoped3A = tpu.sem_alloc : memref<!tpu.dma_semaphore, #tpu.memory_space<semaphore_mem>>
        %dma_start3A_42 = arith.constant 0 : i32
        %dma_start3A_43 = arith.constant 0 : i32
        %dma_start3A_44 = tpu.memref_slice %arg7[%dma_start3A_42, %dma_start3A_43] : memref<64x128xf32, #tpu.memory_space<vmem>> -> memref<16x128xf32, #tpu.memory_space<vmem>>
        %dma_start3A_45 = arith.constant 64 : i32
        %dma_start3A_46 = arith.constant 0 : i32
        %dma_start3A_47 = tpu.memref_slice %arg10[%dma_start3A_45, %dma_start3A_46] : memref<80x128xf32, #tpu.memory_space<vmem_shared>> -> memref<16x128xf32, #tpu.memory_space<vmem_shared>>
        %dma_start3A_48 = arith.constant 64 : i32
        %dma_start3A_49 = arith.constant 0 : i32
        %dma_start3A_50 = tpu.memref_slice %arg10[%dma_start3A_48, %dma_start3A_49] : memref<80x128xf32, #tpu.memory_space<vmem_shared>> -> memref<16x128xf32, #tpu.memory_space<vmem_shared>>
        %dma_start3A_51 = arith.constant 0 : i32
        %dma_start3A_52 = arith.constant 0 : i32
        %dma_start3A_53 = tpu.memref_slice %arg7[%dma_start3A_51, %dma_start3A_52] : memref<64x128xf32, #tpu.memory_space<vmem>> -> memref<16x128xf32, #tpu.memory_space<vmem>>
        tpu.enqueue_dma source(%dma_start3A_53 : memref<16x128xf32, #tpu.memory_space<vmem>>) target(%dma_start3A_50 : memref<16x128xf32, #tpu.memory_space<vmem_shared>>) target_semaphore(%run_scoped3A : memref<!tpu.dma_semaphore, #tpu.memory_space<semaphore_mem>>)
        %dma_wait3A = arith.constant 0 : i32
        %dma_wait3A_54 = arith.constant 0 : i32
        %dma_wait3A_55 = tpu.memref_slice %arg7[%dma_wait3A, %dma_wait3A_54] : memref<64x128xf32, #tpu.memory_space<vmem>> -> memref<16x128xf32, #tpu.memory_space<vmem>>
        %dma_wait3A_56 = arith.constant 64 : i32
        %dma_wait3A_57 = arith.constant 0 : i32
        %dma_wait3A_58 = tpu.memref_slice %arg10[%dma_wait3A_56, %dma_wait3A_57] : memref<80x128xf32, #tpu.memory_space<vmem_shared>> -> memref<16x128xf32, #tpu.memory_space<vmem_shared>>
        %dma_wait3A_59 = arith.constant 64 : i32
        %dma_wait3A_60 = arith.constant 0 : i32
        %dma_wait3A_61 = tpu.memref_slice %arg10[%dma_wait3A_59, %dma_wait3A_60] : memref<80x128xf32, #tpu.memory_space<vmem_shared>> -> memref<16x128xf32, #tpu.memory_space<vmem_shared>>
        %dma_wait3A_62 = arith.constant 0 : i32
        %dma_wait3A_63 = arith.constant 0 : i32
        %dma_wait3A_64 = tpu.memref_slice %arg7[%dma_wait3A_62, %dma_wait3A_63] : memref<64x128xf32, #tpu.memory_space<vmem>> -> memref<16x128xf32, #tpu.memory_space<vmem>>
        tpu.wait_dma2 semaphore(%run_scoped3A : memref<!tpu.dma_semaphore, #tpu.memory_space<semaphore_mem>>) src(%dma_wait3A_64 : memref<16x128xf32, #tpu.memory_space<vmem>>) dst(%dma_wait3A_61 : memref<16x128xf32, #tpu.memory_space<vmem_shared>>)
        tpu.yield
      }) : () -> ()
    } else {
    }
    %barrier3A = arith.constant 0 : index
    tpu.barrier barrier_id(%barrier3A)
    "tpu.region"() ({
      %run_scoped3A = tpu.sem_alloc : memref<!tpu.dma_semaphore, #tpu.memory_space<semaphore_mem>>
      %dma_start3A_35 = arith.constant 0 : i32
      %dma_start3A_36 = arith.constant 0 : i32
      %dma_start3A_37 = tpu.memref_slice %arg3[%add3A, %dma_start3A_35, %dma_start3A_36] : memref<32x80x64xi32, #tpu.memory_space<hbm>> -> memref<1x80x64xi32, #tpu.memory_space<hbm>>
      %dma_start3A_38 = tpu.memref_squeeze %dma_start3A_37 : memref<1x80x64xi32, #tpu.memory_space<hbm>> -> memref<80x64xi32, #tpu.memory_space<hbm>>
      %dma_start3A_39 = arith.constant 0 : i32
      %dma_start3A_40 = arith.constant 0 : i32
      %dma_start3A_41 = tpu.memref_slice %arg3[%add3A, %dma_start3A_39, %dma_start3A_40] : memref<32x80x64xi32, #tpu.memory_space<hbm>> -> memref<1x80x64xi32, #tpu.memory_space<hbm>>
      %dma_start3A_42 = tpu.memref_squeeze %dma_start3A_41 : memref<1x80x64xi32, #tpu.memory_space<hbm>> -> memref<80x64xi32, #tpu.memory_space<hbm>>
      tpu.enqueue_dma source(%dma_start3A_42 : memref<80x64xi32, #tpu.memory_space<hbm>>) target(%arg5 : memref<80x64xi32, #tpu.memory_space<vmem>>) target_semaphore(%run_scoped3A : memref<!tpu.dma_semaphore, #tpu.memory_space<semaphore_mem>>)
      %dma_wait3A = arith.constant 0 : i32
      %dma_wait3A_43 = arith.constant 0 : i32
      %dma_wait3A_44 = tpu.memref_slice %arg3[%add3A, %dma_wait3A, %dma_wait3A_43] : memref<32x80x64xi32, #tpu.memory_space<hbm>> -> memref<1x80x64xi32, #tpu.memory_space<hbm>>
      %dma_wait3A_45 = tpu.memref_squeeze %dma_wait3A_44 : memref<1x80x64xi32, #tpu.memory_space<hbm>> -> memref<80x64xi32, #tpu.memory_space<hbm>>
      %dma_wait3A_46 = arith.constant 0 : i32
      %dma_wait3A_47 = arith.constant 0 : i32
      %dma_wait3A_48 = tpu.memref_slice %arg3[%add3A, %dma_wait3A_46, %dma_wait3A_47] : memref<32x80x64xi32, #tpu.memory_space<hbm>> -> memref<1x80x64xi32, #tpu.memory_space<hbm>>
      %dma_wait3A_49 = tpu.memref_squeeze %dma_wait3A_48 : memref<1x80x64xi32, #tpu.memory_space<hbm>> -> memref<80x64xi32, #tpu.memory_space<hbm>>
      tpu.wait_dma2 semaphore(%run_scoped3A : memref<!tpu.dma_semaphore, #tpu.memory_space<semaphore_mem>>) src(%dma_wait3A_49 : memref<80x64xi32, #tpu.memory_space<hbm>>) dst(%arg5 : memref<80x64xi32, #tpu.memory_space<vmem>>)
      tpu.yield
    }) : () -> ()
    "tpu.region"() ({
      %run_scoped3A = tpu.sem_alloc : memref<!tpu.dma_semaphore, #tpu.memory_space<semaphore_mem>>
      %dma_start3A_35 = arith.constant 0 : i32
      %dma_start3A_36 = arith.constant 0 : i32
      %dma_start3A_37 = tpu.memref_slice %arg3[%add3A, %dma_start3A_35, %dma_start3A_36] : memref<32x80x64xi32, #tpu.memory_space<hbm>> -> memref<1x80x64xi32, #tpu.memory_space<hbm>>
      %dma_start3A_38 = tpu.memref_squeeze %dma_start3A_37 : memref<1x80x64xi32, #tpu.memory_space<hbm>> -> memref<80x64xi32, #tpu.memory_space<hbm>>
      %dma_start3A_39 = arith.constant 0 : i32
      %dma_start3A_40 = arith.constant 0 : i32
      %dma_start3A_41 = tpu.memref_slice %arg3[%add3A, %dma_start3A_39, %dma_start3A_40] : memref<32x80x64xi32, #tpu.memory_space<hbm>> -> memref<1x80x64xi32, #tpu.memory_space<hbm>>
      %dma_start3A_42 = tpu.memref_squeeze %dma_start3A_41 : memref<1x80x64xi32, #tpu.memory_space<hbm>> -> memref<80x64xi32, #tpu.memory_space<hbm>>
      tpu.enqueue_dma source(%dma_start3A_42 : memref<80x64xi32, #tpu.memory_space<hbm>>) target(%arg6 : memref<80x64xi32, #tpu.memory_space<vmem>>) target_semaphore(%run_scoped3A : memref<!tpu.dma_semaphore, #tpu.memory_space<semaphore_mem>>)
      %dma_wait3A = arith.constant 0 : i32
      %dma_wait3A_43 = arith.constant 0 : i32
      %dma_wait3A_44 = tpu.memref_slice %arg3[%add3A, %dma_wait3A, %dma_wait3A_43] : memref<32x80x64xi32, #tpu.memory_space<hbm>> -> memref<1x80x64xi32, #tpu.memory_space<hbm>>
      %dma_wait3A_45 = tpu.memref_squeeze %dma_wait3A_44 : memref<1x80x64xi32, #tpu.memory_space<hbm>> -> memref<80x64xi32, #tpu.memory_space<hbm>>
      %dma_wait3A_46 = arith.constant 0 : i32
      %dma_wait3A_47 = arith.constant 0 : i32
      %dma_wait3A_48 = tpu.memref_slice %arg3[%add3A, %dma_wait3A_46, %dma_wait3A_47] : memref<32x80x64xi32, #tpu.memory_space<hbm>> -> memref<1x80x64xi32, #tpu.memory_space<hbm>>
      %dma_wait3A_49 = tpu.memref_squeeze %dma_wait3A_48 : memref<1x80x64xi32, #tpu.memory_space<hbm>> -> memref<80x64xi32, #tpu.memory_space<hbm>>
      tpu.wait_dma2 semaphore(%run_scoped3A : memref<!tpu.dma_semaphore, #tpu.memory_space<semaphore_mem>>) src(%dma_wait3A_49 : memref<80x64xi32, #tpu.memory_space<hbm>>) dst(%arg6 : memref<80x64xi32, #tpu.memory_space<vmem>>)
      tpu.yield
    }) : () -> ()
    %scan3A = arith.constant 0 : i32
    %scan3A_3 = arith.constant 0 : i32
    %scan3A_4 = arith.constant 80 : i32
    %scan3A_5 = arith.addi %scan3A_3, %scan3A_4 : i32
    %scan3A_6 = arith.constant 1 : i32
    %scan3A_7 = scf.for %scan3A_35 = %scan3A_3 to %scan3A_5 step %scan3A_6 iter_args(%scan3A_36 = %scan3A) -> (i32)  : i32 {
      %get3A = arith.index_cast %scan3A_35 : i32 to index
      %get3A_37 = arith.constant 0 : index
      %get3A_38 = tpu.vector_load %arg6[%get3A, %get3A_37] {strides = array<i32>} : memref<80x64xi32, #tpu.memory_space<vmem>>, vector<1x16xi32>,
      %get3A_39 = vector.shape_cast %get3A_38 : vector<1x16xi32> to vector<16xi32>
      %and3A = arith.constant 127 : i32
      %and3A_40 = vector.broadcast %and3A : i32 to vector<16xi32>
      %and3A_41 = arith.andi %get3A_39, %and3A_40 : vector<16xi32>
      %swap3A = arith.index_cast %scan3A_35 : i32 to index
      %swap3A_42 = arith.constant 0 : index
      %swap3A_43 = tpu.vector_load %arg6[%swap3A, %swap3A_42] {strides = array<i32>} : memref<80x64xi32, #tpu.memory_space<vmem>>, vector<1x16xi32>,
      %swap3A_44 = vector.shape_cast %swap3A_43 : vector<1x16xi32> to vector<16xi32>
      %swap3A_45 = vector.shape_cast %and3A_41 : vector<16xi32> to vector<1x16xi32>
      tpu.vector_store %arg6[%swap3A, %swap3A_42], %swap3A_45 {strides = array<i32>} : memref<80x64xi32, #tpu.memory_space<vmem>>, vector<1x16xi32>,
      %get3A_46 = arith.index_cast %scan3A_35 : i32 to index
      %get3A_47 = arith.constant 0 : index
      %get3A_48 = tpu.vector_load %arg5[%get3A_46, %get3A_47] {strides = array<i32>} : memref<80x64xi32, #tpu.memory_space<vmem>>, vector<1x16xi32>,
      %get3A_49 = vector.shape_cast %get3A_48 : vector<1x16xi32> to vector<16xi32>
      %shift_right_logical3A = arith.constant 7 : i32
      %shift_right_logical3A_50 = vector.broadcast %shift_right_logical3A : i32 to vector<16xi32>
      %shift_right_logical3A_51 = arith.shrui %get3A_49, %shift_right_logical3A_50 : vector<16xi32>
      %swap3A_52 = arith.index_cast %scan3A_35 : i32 to index
      %swap3A_53 = arith.constant 0 : index
      %swap3A_54 = tpu.vector_load %arg5[%swap3A_52, %swap3A_53] {strides = array<i32>} : memref<80x64xi32, #tpu.memory_space<vmem>>, vector<1x16xi32>,
      %swap3A_55 = vector.shape_cast %swap3A_54 : vector<1x16xi32> to vector<16xi32>
      %swap3A_56 = vector.shape_cast %shift_right_logical3A_51 : vector<16xi32> to vector<1x16xi32>
      tpu.vector_store %arg5[%swap3A_52, %swap3A_53], %swap3A_56 {strides = array<i32>} : memref<80x64xi32, #tpu.memory_space<vmem>>, vector<1x16xi32>,
      %get3A_57 = arith.index_cast %scan3A_35 : i32 to index
      %get3A_58 = arith.constant 16 : index
      %get3A_59 = tpu.vector_load %arg6[%get3A_57, %get3A_58] {strides = array<i32>} : memref<80x64xi32, #tpu.memory_space<vmem>>, vector<1x16xi32>,
      %get3A_60 = vector.shape_cast %get3A_59 : vector<1x16xi32> to vector<16xi32>
      %and3A_61 = arith.constant 127 : i32
      %and3A_62 = vector.broadcast %and3A_61 : i32 to vector<16xi32>
      %and3A_63 = arith.andi %get3A_60, %and3A_62 : vector<16xi32>
      %swap3A_64 = arith.index_cast %scan3A_35 : i32 to index
      %swap3A_65 = arith.constant 16 : index
      %swap3A_66 = tpu.vector_load %arg6[%swap3A_64, %swap3A_65] {strides = array<i32>} : memref<80x64xi32, #tpu.memory_space<vmem>>, vector<1x16xi32>,
      %swap3A_67 = vector.shape_cast %swap3A_66 : vector<1x16xi32> to vector<16xi32>
      %swap3A_68 = vector.shape_cast %and3A_63 : vector<16xi32> to vector<1x16xi32>
      tpu.vector_store %arg6[%swap3A_64, %swap3A_65], %swap3A_68 {strides = array<i32>} : memref<80x64xi32, #tpu.memory_space<vmem>>, vector<1x16xi32>,
      %get3A_69 = arith.index_cast %scan3A_35 : i32 to index
      %get3A_70 = arith.constant 16 : index
      %get3A_71 = tpu.vector_load %arg5[%get3A_69, %get3A_70] {strides = array<i32>} : memref<80x64xi32, #tpu.memory_space<vmem>>, vector<1x16xi32>,
      %get3A_72 = vector.shape_cast %get3A_71 : vector<1x16xi32> to vector<16xi32>
      %shift_right_logical3A_73 = arith.constant 7 : i32
      %shift_right_logical3A_74 = vector.broadcast %shift_right_logical3A_73 : i32 to vector<16xi32>
      %shift_right_logical3A_75 = arith.shrui %get3A_72, %shift_right_logical3A_74 : vector<16xi32>
      %swap3A_76 = arith.index_cast %scan3A_35 : i32 to index
      %swap3A_77 = arith.constant 16 : index
      %swap3A_78 = tpu.vector_load %arg5[%swap3A_76, %swap3A_77] {strides = array<i32>} : memref<80x64xi32, #tpu.memory_space<vmem>>, vector<1x16xi32>,
      %swap3A_79 = vector.shape_cast %swap3A_78 : vector<1x16xi32> to vector<16xi32>
      %swap3A_80 = vector.shape_cast %shift_right_logical3A_75 : vector<16xi32> to vector<1x16xi32>
      tpu.vector_store %arg5[%swap3A_76, %swap3A_77], %swap3A_80 {strides = array<i32>} : memref<80x64xi32, #tpu.memory_space<vmem>>, vector<1x16xi32>,
      %get3A_81 = arith.index_cast %scan3A_35 : i32 to index
      %get3A_82 = arith.constant 32 : index
      %get3A_83 = tpu.vector_load %arg6[%get3A_81, %get3A_82] {strides = array<i32>} : memref<80x64xi32, #tpu.memory_space<vmem>>, vector<1x16xi32>,
      %get3A_84 = vector.shape_cast %get3A_83 : vector<1x16xi32> to vector<16xi32>
      %and3A_85 = arith.constant 127 : i32
      %and3A_86 = vector.broadcast %and3A_85 : i32 to vector<16xi32>
      %and3A_87 = arith.andi %get3A_84, %and3A_86 : vector<16xi32>
      %swap3A_88 = arith.index_cast %scan3A_35 : i32 to index
      %swap3A_89 = arith.constant 32 : index
      %swap3A_90 = tpu.vector_load %arg6[%swap3A_88, %swap3A_89] {strides = array<i32>} : memref<80x64xi32, #tpu.memory_space<vmem>>, vector<1x16xi32>,
      %swap3A_91 = vector.shape_cast %swap3A_90 : vector<1x16xi32> to vector<16xi32>
      %swap3A_92 = vector.shape_cast %and3A_87 : vector<16xi32> to vector<1x16xi32>
      tpu.vector_store %arg6[%swap3A_88, %swap3A_89], %swap3A_92 {strides = array<i32>} : memref<80x64xi32, #tpu.memory_space<vmem>>, vector<1x16xi32>,
      %get3A_93 = arith.index_cast %scan3A_35 : i32 to index
      %get3A_94 = arith.constant 32 : index
      %get3A_95 = tpu.vector_load %arg5[%get3A_93, %get3A_94] {strides = array<i32>} : memref<80x64xi32, #tpu.memory_space<vmem>>, vector<1x16xi32>,
      %get3A_96 = vector.shape_cast %get3A_95 : vector<1x16xi32> to vector<16xi32>
      %shift_right_logical3A_97 = arith.constant 7 : i32
      %shift_right_logical3A_98 = vector.broadcast %shift_right_logical3A_97 : i32 to vector<16xi32>
      %shift_right_logical3A_99 = arith.shrui %get3A_96, %shift_right_logical3A_98 : vector<16xi32>
      %swap3A_100 = arith.index_cast %scan3A_35 : i32 to index
      %swap3A_101 = arith.constant 32 : index
      %swap3A_102 = tpu.vector_load %arg5[%swap3A_100, %swap3A_101] {strides = array<i32>} : memref<80x64xi32, #tpu.memory_space<vmem>>, vector<1x16xi32>,
      %swap3A_103 = vector.shape_cast %swap3A_102 : vector<1x16xi32> to vector<16xi32>
      %swap3A_104 = vector.shape_cast %shift_right_logical3A_99 : vector<16xi32> to vector<1x16xi32>
      tpu.vector_store %arg5[%swap3A_100, %swap3A_101], %swap3A_104 {strides = array<i32>} : memref<80x64xi32, #tpu.memory_space<vmem>>, vector<1x16xi32>,
      %get3A_105 = arith.index_cast %scan3A_35 : i32 to index
      %get3A_106 = arith.constant 48 : index
      %get3A_107 = tpu.vector_load %arg6[%get3A_105, %get3A_106] {strides = array<i32>} : memref<80x64xi32, #tpu.memory_space<vmem>>, vector<1x16xi32>,
      %get3A_108 = vector.shape_cast %get3A_107 : vector<1x16xi32> to vector<16xi32>
      %and3A_109 = arith.constant 127 : i32
      %and3A_110 = vector.broadcast %and3A_109 : i32 to vector<16xi32>
      %and3A_111 = arith.andi %get3A_108, %and3A_110 : vector<16xi32>
      %swap3A_112 = arith.index_cast %scan3A_35 : i32 to index
      %swap3A_113 = arith.constant 48 : index
      %swap3A_114 = tpu.vector_load %arg6[%swap3A_112, %swap3A_113] {strides = array<i32>} : memref<80x64xi32, #tpu.memory_space<vmem>>, vector<1x16xi32>,
      %swap3A_115 = vector.shape_cast %swap3A_114 : vector<1x16xi32> to vector<16xi32>
      %swap3A_116 = vector.shape_cast %and3A_111 : vector<16xi32> to vector<1x16xi32>
      tpu.vector_store %arg6[%swap3A_112, %swap3A_113], %swap3A_116 {strides = array<i32>} : memref<80x64xi32, #tpu.memory_space<vmem>>, vector<1x16xi32>,
      %get3A_117 = arith.index_cast %scan3A_35 : i32 to index
      %get3A_118 = arith.constant 48 : index
      %get3A_119 = tpu.vector_load %arg5[%get3A_117, %get3A_118] {strides = array<i32>} : memref<80x64xi32, #tpu.memory_space<vmem>>, vector<1x16xi32>,
      %get3A_120 = vector.shape_cast %get3A_119 : vector<1x16xi32> to vector<16xi32>
      %shift_right_logical3A_121 = arith.constant 7 : i32
      %shift_right_logical3A_122 = vector.broadcast %shift_right_logical3A_121 : i32 to vector<16xi32>
      %shift_right_logical3A_123 = arith.shrui %get3A_120, %shift_right_logical3A_122 : vector<16xi32>
      %swap3A_124 = arith.index_cast %scan3A_35 : i32 to index
      %swap3A_125 = arith.constant 48 : index
      %swap3A_126 = tpu.vector_load %arg5[%swap3A_124, %swap3A_125] {strides = array<i32>} : memref<80x64xi32, #tpu.memory_space<vmem>>, vector<1x16xi32>,
      %swap3A_127 = vector.shape_cast %swap3A_126 : vector<1x16xi32> to vector<16xi32>
      %swap3A_128 = vector.shape_cast %shift_right_logical3A_123 : vector<16xi32> to vector<1x16xi32>
      tpu.vector_store %arg5[%swap3A_124, %swap3A_125], %swap3A_128 {strides = array<i32>} : memref<80x64xi32, #tpu.memory_space<vmem>>, vector<1x16xi32>,
      %scan3A_129 = arith.constant 0 : i32
      scf.yield %scan3A_129 : i32
    }
    %scan3A_8 = arith.constant 80 : i32
    %dma_start3A = arith.constant 0 : i32
    %dma_start3A_9 = arith.constant 0 : i32
    %dma_start3A_10 = tpu.memref_slice %arg6[%dma_start3A, %dma_start3A_9] : memref<80x64xi32, #tpu.memory_space<vmem>> -> memref<1x64xi32, #tpu.memory_space<vmem>>
    %dma_start3A_11 = tpu.memref_squeeze %dma_start3A_10 : memref<1x64xi32, #tpu.memory_space<vmem>> -> memref<64xi32, #tpu.memory_space<vmem>>
    %dma_start3A_12 = arith.constant 0 : i32
    %dma_start3A_13 = arith.constant 0 : i32
    %dma_start3A_14 = tpu.memref_slice %arg9[%dma_start3A_12, %dma_start3A_13] : memref<128x128xf32, #tpu.memory_space<vmem_shared>> -> memref<128x128xf32, #tpu.memory_space<vmem_shared>>
    tpu.enqueue_indirect_dma source(%dma_start3A_14 : memref<128x128xf32, #tpu.memory_space<vmem_shared>>) target(%arg7 : memref<64x128xf32, #tpu.memory_space<vmem>>) offsets(%dma_start3A_11 : memref<64xi32, #tpu.memory_space<vmem>>) semaphore(%arg11 : memref<!tpu.dma_semaphore, #tpu.memory_space<semaphore_mem>>)
    %dma_start3A_15 = arith.constant 1 : i32
    %dma_start3A_16 = arith.constant 0 : i32
    %dma_start3A_17 = tpu.memref_slice %arg6[%dma_start3A_15, %dma_start3A_16] : memref<80x64xi32, #tpu.memory_space<vmem>> -> memref<1x64xi32, #tpu.memory_space<vmem>>
    %dma_start3A_18 = tpu.memref_squeeze %dma_start3A_17 : memref<1x64xi32, #tpu.memory_space<vmem>> -> memref<64xi32, #tpu.memory_space<vmem>>
    %dma_start3A_19 = arith.constant 0 : i32
    %dma_start3A_20 = arith.constant 0 : i32
    %dma_start3A_21 = tpu.memref_slice %arg9[%dma_start3A_19, %dma_start3A_20] : memref<128x128xf32, #tpu.memory_space<vmem_shared>> -> memref<128x128xf32, #tpu.memory_space<vmem_shared>>
    tpu.enqueue_indirect_dma source(%dma_start3A_21 : memref<128x128xf32, #tpu.memory_space<vmem_shared>>) target(%arg8 : memref<64x128xf32, #tpu.memory_space<vmem>>) offsets(%dma_start3A_18 : memref<64xi32, #tpu.memory_space<vmem>>) semaphore(%arg12 : memref<!tpu.dma_semaphore, #tpu.memory_space<semaphore_mem>>)
    %scan3A_22 = arith.constant 0 : i32
    %scan3A_23 = arith.constant 0 : i32
    %scan3A_24 = arith.constant 40 : i32
    %scan3A_25 = arith.addi %scan3A_23, %scan3A_24 : i32
    %scan3A_26 = arith.constant 1 : i32
    %scan3A_27 = scf.for %scan3A_35 = %scan3A_23 to %scan3A_25 step %scan3A_26 iter_args(%scan3A_36 = %scan3A_22) -> (i32)  : i32 {
      %mul3A_37 = arith.constant 2 : i32
      %mul3A_38 = arith.muli %mul3A_37, %scan3A_35 : i32
      %add3A_39 = arith.constant 0 : i32
      %add3A_40 = arith.addi %mul3A_38, %add3A_39 : i32
      %dma_wait3A = arith.constant 0 : i32
      %dma_wait3A_41 = tpu.memref_slice %arg6[%add3A_40, %dma_wait3A] : memref<80x64xi32, #tpu.memory_space<vmem>> -> memref<1x64xi32, #tpu.memory_space<vmem>>
      %dma_wait3A_42 = tpu.memref_squeeze %dma_wait3A_41 : memref<1x64xi32, #tpu.memory_space<vmem>> -> memref<64xi32, #tpu.memory_space<vmem>>
      %dma_wait3A_43 = arith.constant 0 : i32
      %dma_wait3A_44 = arith.constant 0 : i32
      %dma_wait3A_45 = tpu.memref_slice %arg9[%dma_wait3A_43, %dma_wait3A_44] : memref<128x128xf32, #tpu.memory_space<vmem_shared>> -> memref<128x128xf32, #tpu.memory_space<vmem_shared>>
      tpu.wait_indirect_dma semaphore(%arg11 : memref<!tpu.dma_semaphore, #tpu.memory_space<semaphore_mem>>) src(%dma_wait3A_45 : memref<128x128xf32, #tpu.memory_space<vmem_shared>>) dst(%arg7 : memref<64x128xf32, #tpu.memory_space<vmem>>)
      "tpu.region"() ({
        %run_scoped3A = tpu.sem_alloc : memref<!tpu.dma_semaphore, #tpu.memory_space<semaphore_mem>>
        %dma_start3A_70 = arith.constant 0 : i32
        %dma_start3A_71 = tpu.memref_slice %arg5[%add3A_40, %dma_start3A_70] : memref<80x64xi32, #tpu.memory_space<vmem>> -> memref<1x64xi32, #tpu.memory_space<vmem>>
        %dma_start3A_72 = tpu.memref_squeeze %dma_start3A_71 : memref<1x64xi32, #tpu.memory_space<vmem>> -> memref<64xi32, #tpu.memory_space<vmem>>
        %dma_start3A_73 = arith.constant 0 : i32
        %dma_start3A_74 = arith.constant 0 : i32
        %dma_start3A_75 = tpu.memref_slice %arg10[%dma_start3A_73, %dma_start3A_74] : memref<80x128xf32, #tpu.memory_space<vmem_shared>> -> memref<80x128xf32, #tpu.memory_space<vmem_shared>>
        tpu.enqueue_indirect_dma source(%arg7 : memref<64x128xf32, #tpu.memory_space<vmem>>) target(%dma_start3A_75 : memref<80x128xf32, #tpu.memory_space<vmem_shared>>) offsets(%dma_start3A_72 : memref<64xi32, #tpu.memory_space<vmem>>) semaphore(%run_scoped3A : memref<!tpu.dma_semaphore, #tpu.memory_space<semaphore_mem>>) {add = true}
        %dma_wait3A_76 = arith.constant 0 : i32
        %dma_wait3A_77 = tpu.memref_slice %arg5[%add3A_40, %dma_wait3A_76] : memref<80x64xi32, #tpu.memory_space<vmem>> -> memref<1x64xi32, #tpu.memory_space<vmem>>
        %dma_wait3A_78 = tpu.memref_squeeze %dma_wait3A_77 : memref<1x64xi32, #tpu.memory_space<vmem>> -> memref<64xi32, #tpu.memory_space<vmem>>
        %dma_wait3A_79 = arith.constant 0 : i32
        %dma_wait3A_80 = arith.constant 0 : i32
        %dma_wait3A_81 = tpu.memref_slice %arg10[%dma_wait3A_79, %dma_wait3A_80] : memref<80x128xf32, #tpu.memory_space<vmem_shared>> -> memref<80x128xf32, #tpu.memory_space<vmem_shared>>
        tpu.wait_indirect_dma semaphore(%run_scoped3A : memref<!tpu.dma_semaphore, #tpu.memory_space<semaphore_mem>>) src(%arg7 : memref<64x128xf32, #tpu.memory_space<vmem>>) dst(%dma_wait3A_81 : memref<80x128xf32, #tpu.memory_space<vmem_shared>>)
        tpu.yield
      }) : () -> ()
      %add3A_46 = arith.constant 2 : i32
      %add3A_47 = arith.addi %add3A_40, %add3A_46 : i32
      %lt3A = arith.constant 80 : i32
      %lt3A_48 = arith.cmpi slt, %add3A_47, %lt3A : i32
      %convert_element_type3A_49 = arith.extui %lt3A_48 : i1 to i32
      %cond3A_50 = arith.constant 0 : i32
      %cond3A_51 = arith.cmpi ne, %convert_element_type3A_49, %cond3A_50 : i32
      scf.if %cond3A_51 {
        %add3A_70 = arith.constant 2 : i32
        %add3A_71 = arith.addi %add3A_40, %add3A_70 : i32
        %dma_start3A_72 = arith.constant 0 : i32
        %dma_start3A_73 = tpu.memref_slice %arg6[%add3A_71, %dma_start3A_72] : memref<80x64xi32, #tpu.memory_space<vmem>> -> memref<1x64xi32, #tpu.memory_space<vmem>>
        %dma_start3A_74 = tpu.memref_squeeze %dma_start3A_73 : memref<1x64xi32, #tpu.memory_space<vmem>> -> memref<64xi32, #tpu.memory_space<vmem>>
        %dma_start3A_75 = arith.constant 0 : i32
        %dma_start3A_76 = arith.constant 0 : i32
        %dma_start3A_77 = tpu.memref_slice %arg9[%dma_start3A_75, %dma_start3A_76] : memref<128x128xf32, #tpu.memory_space<vmem_shared>> -> memref<128x128xf32, #tpu.memory_space<vmem_shared>>
        tpu.enqueue_indirect_dma source(%dma_start3A_77 : memref<128x128xf32, #tpu.memory_space<vmem_shared>>) target(%arg7 : memref<64x128xf32, #tpu.memory_space<vmem>>) offsets(%dma_start3A_74 : memref<64xi32, #tpu.memory_space<vmem>>) semaphore(%arg11 : memref<!tpu.dma_semaphore, #tpu.memory_space<semaphore_mem>>)
      } else {
      }
      %mul3A_52 = arith.constant 2 : i32
      %mul3A_53 = arith.muli %mul3A_52, %scan3A_35 : i32
      %add3A_54 = arith.constant 1 : i32
      %add3A_55 = arith.addi %mul3A_53, %add3A_54 : i32
      %dma_wait3A_56 = arith.constant 0 : i32
      %dma_wait3A_57 = tpu.memref_slice %arg6[%add3A_55, %dma_wait3A_56] : memref<80x64xi32, #tpu.memory_space<vmem>> -> memref<1x64xi32, #tpu.memory_space<vmem>>
      %dma_wait3A_58 = tpu.memref_squeeze %dma_wait3A_57 : memref<1x64xi32, #tpu.memory_space<vmem>> -> memref<64xi32, #tpu.memory_space<vmem>>
      %dma_wait3A_59 = arith.constant 0 : i32
      %dma_wait3A_60 = arith.constant 0 : i32
      %dma_wait3A_61 = tpu.memref_slice %arg9[%dma_wait3A_59, %dma_wait3A_60] : memref<128x128xf32, #tpu.memory_space<vmem_shared>> -> memref<128x128xf32, #tpu.memory_space<vmem_shared>>
      tpu.wait_indirect_dma semaphore(%arg12 : memref<!tpu.dma_semaphore, #tpu.memory_space<semaphore_mem>>) src(%dma_wait3A_61 : memref<128x128xf32, #tpu.memory_space<vmem_shared>>) dst(%arg8 : memref<64x128xf32, #tpu.memory_space<vmem>>)
      "tpu.region"() ({
        %run_scoped3A = tpu.sem_alloc : memref<!tpu.dma_semaphore, #tpu.memory_space<semaphore_mem>>
        %dma_start3A_70 = arith.constant 0 : i32
        %dma_start3A_71 = tpu.memref_slice %arg5[%add3A_55, %dma_start3A_70] : memref<80x64xi32, #tpu.memory_space<vmem>> -> memref<1x64xi32, #tpu.memory_space<vmem>>
        %dma_start3A_72 = tpu.memref_squeeze %dma_start3A_71 : memref<1x64xi32, #tpu.memory_space<vmem>> -> memref<64xi32, #tpu.memory_space<vmem>>
        %dma_start3A_73 = arith.constant 0 : i32
        %dma_start3A_74 = arith.constant 0 : i32
        %dma_start3A_75 = tpu.memref_slice %arg10[%dma_start3A_73, %dma_start3A_74] : memref<80x128xf32, #tpu.memory_space<vmem_shared>> -> memref<80x128xf32, #tpu.memory_space<vmem_shared>>
        tpu.enqueue_indirect_dma source(%arg8 : memref<64x128xf32, #tpu.memory_space<vmem>>) target(%dma_start3A_75 : memref<80x128xf32, #tpu.memory_space<vmem_shared>>) offsets(%dma_start3A_72 : memref<64xi32, #tpu.memory_space<vmem>>) semaphore(%run_scoped3A : memref<!tpu.dma_semaphore, #tpu.memory_space<semaphore_mem>>) {add = true}
        %dma_wait3A_76 = arith.constant 0 : i32
        %dma_wait3A_77 = tpu.memref_slice %arg5[%add3A_55, %dma_wait3A_76] : memref<80x64xi32, #tpu.memory_space<vmem>> -> memref<1x64xi32, #tpu.memory_space<vmem>>
        %dma_wait3A_78 = tpu.memref_squeeze %dma_wait3A_77 : memref<1x64xi32, #tpu.memory_space<vmem>> -> memref<64xi32, #tpu.memory_space<vmem>>
        %dma_wait3A_79 = arith.constant 0 : i32
        %dma_wait3A_80 = arith.constant 0 : i32
        %dma_wait3A_81 = tpu.memref_slice %arg10[%dma_wait3A_79, %dma_wait3A_80] : memref<80x128xf32, #tpu.memory_space<vmem_shared>> -> memref<80x128xf32, #tpu.memory_space<vmem_shared>>
        tpu.wait_indirect_dma semaphore(%run_scoped3A : memref<!tpu.dma_semaphore, #tpu.memory_space<semaphore_mem>>) src(%arg8 : memref<64x128xf32, #tpu.memory_space<vmem>>) dst(%dma_wait3A_81 : memref<80x128xf32, #tpu.memory_space<vmem_shared>>)
        tpu.yield
      }) : () -> ()
      %add3A_62 = arith.constant 2 : i32
      %add3A_63 = arith.addi %add3A_55, %add3A_62 : i32
      %lt3A_64 = arith.constant 80 : i32
      %lt3A_65 = arith.cmpi slt, %add3A_63, %lt3A_64 : i32
      %convert_element_type3A_66 = arith.extui %lt3A_65 : i1 to i32
      %cond3A_67 = arith.constant 0 : i32
      %cond3A_68 = arith.cmpi ne, %convert_element_type3A_66, %cond3A_67 : i32
      scf.if %cond3A_68 {
        %add3A_70 = arith.constant 2 : i32
        %add3A_71 = arith.addi %add3A_55, %add3A_70 : i32
        %dma_start3A_72 = arith.constant 0 : i32
        %dma_start3A_73 = tpu.memref_slice %arg6[%add3A_71, %dma_start3A_72] : memref<80x64xi32, #tpu.memory_space<vmem>> -> memref<1x64xi32, #tpu.memory_space<vmem>>
        %dma_start3A_74 = tpu.memref_squeeze %dma_start3A_73 : memref<1x64xi32, #tpu.memory_space<vmem>> -> memref<64xi32, #tpu.memory_space<vmem>>
        %dma_start3A_75 = arith.constant 0 : i32
        %dma_start3A_76 = arith.constant 0 : i32
        %dma_start3A_77 = tpu.memref_slice %arg9[%dma_start3A_75, %dma_start3A_76] : memref<128x128xf32, #tpu.memory_space<vmem_shared>> -> memref<128x128xf32, #tpu.memory_space<vmem_shared>>
        tpu.enqueue_indirect_dma source(%dma_start3A_77 : memref<128x128xf32, #tpu.memory_space<vmem_shared>>) target(%arg8 : memref<64x128xf32, #tpu.memory_space<vmem>>) offsets(%dma_start3A_74 : memref<64xi32, #tpu.memory_space<vmem>>) semaphore(%arg12 : memref<!tpu.dma_semaphore, #tpu.memory_space<semaphore_mem>>)
      } else {
      }
      %scan3A_69 = arith.constant 0 : i32
      scf.yield %scan3A_69 : i32
    }
    %scan3A_28 = arith.constant 40 : i32
    %barrier3A_29 = arith.constant 0 : index
    tpu.barrier barrier_id(%barrier3A_29)
    %eq3A_30 = arith.constant 0 : i32
    %eq3A_31 = arith.cmpi eq, %arg1, %eq3A_30 : i32
    %convert_element_type3A_32 = arith.extui %eq3A_31 : i1 to i32
    %cond3A_33 = arith.constant 0 : i32
    %cond3A_34 = arith.cmpi ne, %convert_element_type3A_32, %cond3A_33 : i32
    scf.if %cond3A_34 {
      "tpu.region"() ({
        %run_scoped3A = tpu.sem_alloc : memref<!tpu.dma_semaphore, #tpu.memory_space<semaphore_mem>>
        %dma_start3A_35 = arith.constant 0 : i32
        %dma_start3A_36 = arith.constant 0 : i32
        %dma_start3A_37 = tpu.memref_slice %arg4[%arg0, %dma_start3A_35, %dma_start3A_36] : memref<2x80x128xf32, #tpu.memory_space<hbm>> -> memref<1x80x128xf32, #tpu.memory_space<hbm>>
        %dma_start3A_38 = tpu.memref_squeeze %dma_start3A_37 : memref<1x80x128xf32, #tpu.memory_space<hbm>> -> memref<80x128xf32, #tpu.memory_space<hbm>>
        tpu.enqueue_dma source(%arg10 : memref<80x128xf32, #tpu.memory_space<vmem_shared>>) target(%dma_start3A_38 : memref<80x128xf32, #tpu.memory_space<hbm>>) target_semaphore(%run_scoped3A : memref<!tpu.dma_semaphore, #tpu.memory_space<semaphore_mem>>)
        %dma_wait3A = arith.constant 0 : i32
        %dma_wait3A_39 = arith.constant 0 : i32
        %dma_wait3A_40 = tpu.memref_slice %arg4[%arg0, %dma_wait3A, %dma_wait3A_39] : memref<2x80x128xf32, #tpu.memory_space<hbm>> -> memref<1x80x128xf32, #tpu.memory_space<hbm>>
        %dma_wait3A_41 = tpu.memref_squeeze %dma_wait3A_40 : memref<1x80x128xf32, #tpu.memory_space<hbm>> -> memref<80x128xf32, #tpu.memory_space<hbm>>
        tpu.wait_dma2 semaphore(%run_scoped3A : memref<!tpu.dma_semaphore, #tpu.memory_space<semaphore_mem>>) src(%arg10 : memref<80x128xf32, #tpu.memory_space<vmem_shared>>) dst(%dma_wait3A_41 : memref<80x128xf32, #tpu.memory_space<hbm>>)
        tpu.yield
      }) : () -> ()
    } else {
    }
    return
  }
}

module attributes {stable_mosaic.version = 14 : i64} {
  func.func @_tc_prep_body(%arg0: i32, %arg1: memref<2000x256xf32, #tpu.memory_space<vmem>>, %arg2: memref<256x256xf32, #tpu.memory_space<vmem>>, %arg3: memref<256x256xf32, #tpu.memory_space<vmem>>, %arg4: memref<2000x1xf32, #tpu.memory_space<vmem>>, %arg5: memref<1x256xf32, #tpu.memory_space<vmem>>, %arg6: memref<768x256xf32, #tpu.memory_space<vmem>>, %arg7: memref<1x768xf32, #tpu.memory_space<vmem>>, %arg8: memref<2x2000x128xf32, #tpu.memory_space<vmem>>, %arg9: memref<1x768xf32, #tpu.memory_space<vmem>>) attributes {dimension_semantics = [#tpu.dimension_semantics<arbitrary>], iteration_bounds = array<i64: 5>, scalar_prefetch = 0 : i64, scratch_operands = 0 : i64, tpu.core_type = #tpu.core_type<tc>, window_params = [{transform_indices = @transform_0, window_bounds = array<i64: 2000, 256>}, {pipeline_mode = #tpu.pipeline_mode<synchronous>, transform_indices = @transform_1, window_bounds = array<i64: 256, 256>}, {pipeline_mode = #tpu.pipeline_mode<synchronous>, transform_indices = @transform_2, window_bounds = array<i64: 256, 256>}, {transform_indices = @transform_3, window_bounds = array<i64: 2000, 1>}, {pipeline_mode = #tpu.pipeline_mode<synchronous>, transform_indices = @transform_4, window_bounds = array<i64: 1, 256>}, {pipeline_mode = #tpu.pipeline_mode<synchronous>, transform_indices = @transform_5, window_bounds = array<i64: 768, 256>}, {pipeline_mode = #tpu.pipeline_mode<synchronous>, transform_indices = @transform_6, window_bounds = array<i64: 1, 768>}, {transform_indices = @transform_7, window_bounds = array<i64: 2, 2000, 128>}, {pipeline_mode = #tpu.pipeline_mode<synchronous>, transform_indices = @transform_8, window_bounds = array<i64: 1, 768>}]} {
    %get3A = arith.constant 0 : index
    %get3A_0 = arith.constant 0 : index
    %get3A_1 = vector.load %arg2[%get3A, %get3A_0] : memref<256x256xf32, #tpu.memory_space<vmem>>, vector<256x256xf32>
    %get3A_2 = arith.constant 0 : index
    %get3A_3 = arith.constant 0 : index
    %get3A_4 = vector.load %arg3[%get3A_2, %get3A_3] : memref<256x256xf32, #tpu.memory_space<vmem>>, vector<256x256xf32>
    %add3A = arith.addf %get3A_1, %get3A_4 : vector<256x256xf32>
    %get3A_5 = arith.constant 0 : index
    %get3A_6 = arith.constant 0 : index
    %get3A_7 = vector.load %arg1[%get3A_5, %get3A_6] : memref<2000x256xf32, #tpu.memory_space<vmem>>, vector<2000x256xf32>
    %dot_general3A = arith.constant dense<0.000000e+00> : vector<2000x256xf32>
    %dot_general3A_8 = tpu.matmul %get3A_7, %add3A, %dot_general3A {dimension_numbers = #tpu.dot_dimension_numbers<[1], [1], [0], [0], [0, 0, 1, 0], [], []>, transpose_lhs_hint = false} : vector<2000x256xf32>, vector<256x256xf32>, vector<2000x256xf32> -> vector<2000x256xf32>
    %get3A_9 = arith.constant 0 : index
    %get3A_10 = arith.constant 0 : index
    %get3A_11 = vector.load %arg4[%get3A_9, %get3A_10] : memref<2000x1xf32, #tpu.memory_space<vmem>>, vector<2000x1xf32>
    %add3A_12 = arith.constant 1.000000e+00 : f32
    %add3A_13 = vector.broadcast %add3A_12 : f32 to vector<2000x1xf32>
    %add3A_14 = arith.addf %get3A_11, %add3A_13 : vector<2000x1xf32>
    %rsqrt3A = math.rsqrt %add3A_14 : vector<2000x1xf32>
    %mul3A = vector.broadcast %rsqrt3A : vector<2000x1xf32> to vector<2000x256xf32>
    %mul3A_15 = arith.mulf %dot_general3A_8, %mul3A : vector<2000x256xf32>
    %slice3A = vector.extract_strided_slice %mul3A_15 {offsets = [0, 0], sizes = [2000, 128], strides = [1, 1]} : vector<2000x256xf32> to vector<2000x128xf32>
    %swap3A = arith.constant 0 : index
    %swap3A_16 = arith.constant 0 : index
    %swap3A_17 = arith.constant 0 : index
    %swap3A_18 = vector.load %arg8[%swap3A, %swap3A_16, %swap3A_17] : memref<2x2000x128xf32, #tpu.memory_space<vmem>>, vector<1x2000x128xf32>
    %swap3A_19 = vector.shape_cast %swap3A_18 : vector<1x2000x128xf32> to vector<2000x128xf32>
    %swap3A_20 = vector.shape_cast %slice3A : vector<2000x128xf32> to vector<1x2000x128xf32>
    tpu.vector_store %arg8[%swap3A, %swap3A_16, %swap3A_17], %swap3A_20 {strides = array<i32>} : memref<2x2000x128xf32, #tpu.memory_space<vmem>>, vector<1x2000x128xf32>,
    %slice3A_21 = vector.extract_strided_slice %mul3A_15 {offsets = [0, 128], sizes = [2000, 128], strides = [1, 1]} : vector<2000x256xf32> to vector<2000x128xf32>
    %swap3A_22 = arith.constant 1 : index
    %swap3A_23 = arith.constant 0 : index
    %swap3A_24 = arith.constant 0 : index
    %swap3A_25 = vector.load %arg8[%swap3A_22, %swap3A_23, %swap3A_24] : memref<2x2000x128xf32, #tpu.memory_space<vmem>>, vector<1x2000x128xf32>
    %swap3A_26 = vector.shape_cast %swap3A_25 : vector<1x2000x128xf32> to vector<2000x128xf32>
    %swap3A_27 = vector.shape_cast %slice3A_21 : vector<2000x128xf32> to vector<1x2000x128xf32>
    tpu.vector_store %arg8[%swap3A_22, %swap3A_23, %swap3A_24], %swap3A_27 {strides = array<i32>} : memref<2x2000x128xf32, #tpu.memory_space<vmem>>, vector<1x2000x128xf32>,
    %get3A_28 = arith.constant 0 : index
    %get3A_29 = arith.constant 0 : index
    %get3A_30 = vector.load %arg5[%get3A_28, %get3A_29] : memref<1x256xf32, #tpu.memory_space<vmem>>, vector<1x256xf32>
    %get3A_31 = arith.constant 0 : index
    %get3A_32 = arith.constant 0 : index
    %get3A_33 = vector.load %arg6[%get3A_31, %get3A_32] : memref<768x256xf32, #tpu.memory_space<vmem>>, vector<768x256xf32>
    %dot_general3A_34 = arith.constant dense<0.000000e+00> : vector<1x768xf32>
    %dot_general3A_35 = tpu.matmul %get3A_30, %get3A_33, %dot_general3A_34 {dimension_numbers = #tpu.dot_dimension_numbers<[1], [1], [0], [0], [0, 0, 1, 0], [], []>, transpose_lhs_hint = false} : vector<1x256xf32>, vector<768x256xf32>, vector<1x768xf32> -> vector<1x768xf32>
    %get3A_36 = arith.constant 0 : index
    %get3A_37 = arith.constant 0 : index
    %get3A_38 = vector.load %arg7[%get3A_36, %get3A_37] : memref<1x768xf32, #tpu.memory_space<vmem>>, vector<1x768xf32>
    %add3A_39 = arith.addf %dot_general3A_35, %get3A_38 : vector<1x768xf32>
    %swap3A_40 = arith.constant 0 : index
    %swap3A_41 = arith.constant 0 : index
    %swap3A_42 = vector.load %arg9[%swap3A_40, %swap3A_41] : memref<1x768xf32, #tpu.memory_space<vmem>>, vector<1x768xf32>
    tpu.vector_store %arg9[%swap3A_40, %swap3A_41], %add3A_39 {strides = array<i32>} : memref<1x768xf32, #tpu.memory_space<vmem>>, vector<1x768xf32>,
    return
  }
  func.func @transform_0(%arg0: i32) -> (i32, i32) {
    %c0_i32 = arith.constant 0 : i32
    %c0_i32_0 = arith.constant 0 : i32
    return %arg0, %c0_i32 : i32, i32
  }
  func.func @transform_1(%arg0: i32) -> (i32, i32) {
    %c0_i32 = arith.constant 0 : i32
    %c0_i32_0 = arith.constant 0 : i32
    %c0_i32_1 = arith.constant 0 : i32
    return %c0_i32, %c0_i32_0 : i32, i32
  }
  func.func @transform_2(%arg0: i32) -> (i32, i32) {
    %c0_i32 = arith.constant 0 : i32
    %c0_i32_0 = arith.constant 0 : i32
    %c0_i32_1 = arith.constant 0 : i32
    return %c0_i32, %c0_i32_0 : i32, i32
  }
  func.func @transform_3(%arg0: i32) -> (i32, i32) {
    %c0_i32 = arith.constant 0 : i32
    %c0_i32_0 = arith.constant 0 : i32
    return %arg0, %c0_i32 : i32, i32
  }
  func.func @transform_4(%arg0: i32) -> (i32, i32) {
    %c0_i32 = arith.constant 0 : i32
    %c0_i32_0 = arith.constant 0 : i32
    %c0_i32_1 = arith.constant 0 : i32
    return %c0_i32, %c0_i32_0 : i32, i32
  }
  func.func @transform_5(%arg0: i32) -> (i32, i32) {
    %c0_i32 = arith.constant 0 : i32
    %c0_i32_0 = arith.constant 0 : i32
    %c0_i32_1 = arith.constant 0 : i32
    return %c0_i32, %c0_i32_0 : i32, i32
  }
  func.func @transform_6(%arg0: i32) -> (i32, i32) {
    %c0_i32 = arith.constant 0 : i32
    %c0_i32_0 = arith.constant 0 : i32
    %c0_i32_1 = arith.constant 0 : i32
    return %c0_i32, %c0_i32_0 : i32, i32
  }
  func.func @transform_7(%arg0: i32) -> (i32, i32, i32) {
    %c0_i32 = arith.constant 0 : i32
    %c0_i32_0 = arith.constant 0 : i32
    %c0_i32_1 = arith.constant 0 : i32
    return %c0_i32, %arg0, %c0_i32_0 : i32, i32, i32
  }
  func.func @transform_8(%arg0: i32) -> (i32, i32) {
    %c0_i32 = arith.constant 0 : i32
    %c0_i32_0 = arith.constant 0 : i32
    %c0_i32_1 = arith.constant 0 : i32
    return %c0_i32, %c0_i32_0 : i32, i32
  }
}

module attributes {stable_mosaic.version = 14 : i64} {
  func.func @_tc_final_body(%arg0: i32, %arg1: memref<2x2000x128xf32, #tpu.memory_space<vmem>>, %arg2: memref<2x2000x128xf32, #tpu.memory_space<vmem>>, %arg3: memref<2000x1xf32, #tpu.memory_space<vmem>>, %arg4: memref<1x256xf32, #tpu.memory_space<vmem>>, %arg5: memref<1x256xf32, #tpu.memory_space<vmem>>, %arg6: memref<768x256xf32, #tpu.memory_space<vmem>>, %arg7: memref<1x768xf32, #tpu.memory_space<vmem>>, %arg8: memref<1x768xf32, #tpu.memory_space<vmem>>, %arg9: memref<1x256xf32, #tpu.memory_space<vmem>>, %arg10: memref<2000x256xf32, #tpu.memory_space<vmem>>, %arg11: memref<1x1x256xf32, #tpu.memory_space<vmem>>, %arg12: memref<1x1x256xf32, #tpu.memory_space<vmem>>) attributes {dimension_semantics = [#tpu.dimension_semantics<arbitrary>], iteration_bounds = array<i64: 5>, scalar_prefetch = 0 : i64, scratch_operands = 0 : i64, tpu.core_type = #tpu.core_type<tc>, window_params = [{transform_indices = @transform_0, window_bounds = array<i64: 2, 2000, 128>}, {transform_indices = @transform_1, window_bounds = array<i64: 2, 2000, 128>}, {transform_indices = @transform_2, window_bounds = array<i64: 2000, 1>}, {pipeline_mode = #tpu.pipeline_mode<synchronous>, transform_indices = @transform_3, window_bounds = array<i64: 1, 256>}, {pipeline_mode = #tpu.pipeline_mode<synchronous>, transform_indices = @transform_4, window_bounds = array<i64: 1, 256>}, {pipeline_mode = #tpu.pipeline_mode<synchronous>, transform_indices = @transform_5, window_bounds = array<i64: 768, 256>}, {pipeline_mode = #tpu.pipeline_mode<synchronous>, transform_indices = @transform_6, window_bounds = array<i64: 1, 768>}, {pipeline_mode = #tpu.pipeline_mode<synchronous>, transform_indices = @transform_7, window_bounds = array<i64: 1, 768>}, {pipeline_mode = #tpu.pipeline_mode<synchronous>, transform_indices = @transform_8, window_bounds = array<i64: 1, 256>}, {transform_indices = @transform_9, window_bounds = array<i64: 2000, 256>}, {transform_indices = @transform_10, window_bounds = array<i64: 1, 1, 256>}, {transform_indices = @transform_11, window_bounds = array<i64: 1, 1, 256>}]} {
    %get3A = arith.constant 0 : index
    %get3A_0 = arith.constant 0 : index
    %get3A_1 = vector.load %arg3[%get3A, %get3A_0] : memref<2000x1xf32, #tpu.memory_space<vmem>>, vector<2000x1xf32>
    %add3A = arith.constant 1.000000e+00 : f32
    %add3A_2 = vector.broadcast %add3A : f32 to vector<2000x1xf32>
    %add3A_3 = arith.addf %get3A_1, %add3A_2 : vector<2000x1xf32>
    %rsqrt3A = math.rsqrt %add3A_3 : vector<2000x1xf32>
    %get3A_4 = arith.constant 0 : index
    %get3A_5 = arith.constant 0 : index
    %get3A_6 = arith.constant 0 : index
    %get3A_7 = vector.load %arg1[%get3A_4, %get3A_5, %get3A_6] : memref<2x2000x128xf32, #tpu.memory_space<vmem>>, vector<1x2000x128xf32>
    %get3A_8 = vector.shape_cast %get3A_7 : vector<1x2000x128xf32> to vector<2000x128xf32>
    %get3A_9 = arith.constant 0 : index
    %get3A_10 = arith.constant 0 : index
    %get3A_11 = arith.constant 0 : index
    %get3A_12 = vector.load %arg2[%get3A_9, %get3A_10, %get3A_11] : memref<2x2000x128xf32, #tpu.memory_space<vmem>>, vector<1x2000x128xf32>
    %get3A_13 = vector.shape_cast %get3A_12 : vector<1x2000x128xf32> to vector<2000x128xf32>
    %add3A_14 = arith.addf %get3A_8, %get3A_13 : vector<2000x128xf32>
    %get3A_15 = arith.constant 1 : index
    %get3A_16 = arith.constant 0 : index
    %get3A_17 = arith.constant 0 : index
    %get3A_18 = vector.load %arg1[%get3A_15, %get3A_16, %get3A_17] : memref<2x2000x128xf32, #tpu.memory_space<vmem>>, vector<1x2000x128xf32>
    %get3A_19 = vector.shape_cast %get3A_18 : vector<1x2000x128xf32> to vector<2000x128xf32>
    %get3A_20 = arith.constant 1 : index
    %get3A_21 = arith.constant 0 : index
    %get3A_22 = arith.constant 0 : index
    %get3A_23 = vector.load %arg2[%get3A_20, %get3A_21, %get3A_22] : memref<2x2000x128xf32, #tpu.memory_space<vmem>>, vector<1x2000x128xf32>
    %get3A_24 = vector.shape_cast %get3A_23 : vector<1x2000x128xf32> to vector<2000x128xf32>
    %add3A_25 = arith.addf %get3A_19, %get3A_24 : vector<2000x128xf32>
    %concatenate3A = tpu.concatenate %add3A_14, %add3A_25 in 1 : vector<2000x128xf32>, vector<2000x128xf32> -> vector<2000x256xf32>
    %mul3A = vector.broadcast %rsqrt3A : vector<2000x1xf32> to vector<2000x256xf32>
    %mul3A_26 = arith.mulf %concatenate3A, %mul3A : vector<2000x256xf32>
    %get3A_27 = arith.constant 0 : index
    %get3A_28 = arith.constant 0 : index
    %get3A_29 = vector.load %arg4[%get3A_27, %get3A_28] : memref<1x256xf32, #tpu.memory_space<vmem>>, vector<1x256xf32>
    %get3A_30 = arith.constant 0 : index
    %get3A_31 = arith.constant 0 : index
    %get3A_32 = vector.load %arg5[%get3A_30, %get3A_31] : memref<1x256xf32, #tpu.memory_space<vmem>>, vector<1x256xf32>
    %add3A_33 = arith.addf %get3A_29, %get3A_32 : vector<1x256xf32>
    %add3A_34 = vector.broadcast %add3A_33 : vector<1x256xf32> to vector<2000x256xf32>
    %add3A_35 = arith.addf %mul3A_26, %add3A_34 : vector<2000x256xf32>
    %max3A = arith.constant 0.000000e+00 : f32
    %max3A_36 = vector.broadcast %max3A : f32 to vector<2000x256xf32>
    %max3A_37 = arith.maximumf %add3A_35, %max3A_36 : vector<2000x256xf32>
    %get3A_38 = arith.constant 0 : index
    %get3A_39 = arith.constant 0 : index
    %get3A_40 = vector.load %arg6[%get3A_38, %get3A_39] : memref<768x256xf32, #tpu.memory_space<vmem>>, vector<768x256xf32>
    %dot_general3A = arith.constant dense<0.000000e+00> : vector<2000x768xf32>
    %dot_general3A_41 = tpu.matmul %max3A_37, %get3A_40, %dot_general3A {dimension_numbers = #tpu.dot_dimension_numbers<[1], [1], [0], [0], [0, 0, 1, 0], [], []>, transpose_lhs_hint = false} : vector<2000x256xf32>, vector<768x256xf32>, vector<2000x768xf32> -> vector<2000x768xf32>
    %get3A_42 = arith.constant 0 : index
    %get3A_43 = arith.constant 0 : index
    %get3A_44 = vector.load %arg7[%get3A_42, %get3A_43] : memref<1x768xf32, #tpu.memory_space<vmem>>, vector<1x768xf32>
    %add3A_45 = vector.broadcast %get3A_44 : vector<1x768xf32> to vector<2000x768xf32>
    %add3A_46 = arith.addf %dot_general3A_41, %add3A_45 : vector<2000x768xf32>
    %get3A_47 = arith.constant 0 : index
    %get3A_48 = arith.constant 0 : index
    %get3A_49 = vector.load %arg8[%get3A_47, %get3A_48] : memref<1x768xf32, #tpu.memory_space<vmem>>, vector<1x768xf32>
    %slice3A = vector.extract_strided_slice %add3A_46 {offsets = [0, 0], sizes = [2000, 256], strides = [1, 1]} : vector<2000x768xf32> to vector<2000x256xf32>
    %slice3A_50 = vector.extract_strided_slice %get3A_49 {offsets = [0, 0], sizes = [1, 256], strides = [1, 1]} : vector<1x768xf32> to vector<1x256xf32>
    %add3A_51 = vector.broadcast %slice3A_50 : vector<1x256xf32> to vector<2000x256xf32>
    %add3A_52 = arith.addf %slice3A, %add3A_51 : vector<2000x256xf32>
    %logistic3A = arith.negf %add3A_52 : vector<2000x256xf32>
    %logistic3A_53 = math.exp %logistic3A : vector<2000x256xf32>
    %logistic3A_54 = arith.constant 1.000000e+00 : f32
    %logistic3A_55 = vector.broadcast %logistic3A_54 : f32 to vector<2000x256xf32>
    %logistic3A_56 = arith.addf %logistic3A_55, %logistic3A_53 : vector<2000x256xf32>
    %logistic3A_57 = arith.divf %logistic3A_55, %logistic3A_56 : vector<2000x256xf32>
    %slice3A_58 = vector.extract_strided_slice %add3A_46 {offsets = [0, 256], sizes = [2000, 256], strides = [1, 1]} : vector<2000x768xf32> to vector<2000x256xf32>
    %slice3A_59 = vector.extract_strided_slice %get3A_49 {offsets = [0, 256], sizes = [1, 256], strides = [1, 1]} : vector<1x768xf32> to vector<1x256xf32>
    %add3A_60 = vector.broadcast %slice3A_59 : vector<1x256xf32> to vector<2000x256xf32>
    %add3A_61 = arith.addf %slice3A_58, %add3A_60 : vector<2000x256xf32>
    %logistic3A_62 = arith.negf %add3A_61 : vector<2000x256xf32>
    %logistic3A_63 = math.exp %logistic3A_62 : vector<2000x256xf32>
    %logistic3A_64 = arith.constant 1.000000e+00 : f32
    %logistic3A_65 = vector.broadcast %logistic3A_64 : f32 to vector<2000x256xf32>
    %logistic3A_66 = arith.addf %logistic3A_65, %logistic3A_63 : vector<2000x256xf32>
    %logistic3A_67 = arith.divf %logistic3A_65, %logistic3A_66 : vector<2000x256xf32>
    %slice3A_68 = vector.extract_strided_slice %add3A_46 {offsets = [0, 512], sizes = [2000, 256], strides = [1, 1]} : vector<2000x768xf32> to vector<2000x256xf32>
    %slice3A_69 = vector.extract_strided_slice %get3A_49 {offsets = [0, 512], sizes = [1, 256], strides = [1, 1]} : vector<1x768xf32> to vector<1x256xf32>
    %mul3A_70 = vector.broadcast %slice3A_69 : vector<1x256xf32> to vector<2000x256xf32>
    %mul3A_71 = arith.mulf %logistic3A_57, %mul3A_70 : vector<2000x256xf32>
    %add3A_72 = arith.addf %slice3A_68, %mul3A_71 : vector<2000x256xf32>
    %tanh3A = math.tanh %add3A_72 : vector<2000x256xf32>
    %sub3A = arith.constant 1.000000e+00 : f32
    %sub3A_73 = vector.broadcast %sub3A : f32 to vector<2000x256xf32>
    %sub3A_74 = arith.subf %sub3A_73, %logistic3A_67 : vector<2000x256xf32>
    %mul3A_75 = arith.mulf %sub3A_74, %tanh3A : vector<2000x256xf32>
    %get3A_76 = arith.constant 0 : index
    %get3A_77 = arith.constant 0 : index
    %get3A_78 = vector.load %arg9[%get3A_76, %get3A_77] : memref<1x256xf32, #tpu.memory_space<vmem>>, vector<1x256xf32>
    %mul3A_79 = vector.broadcast %get3A_78 : vector<1x256xf32> to vector<2000x256xf32>
    %mul3A_80 = arith.mulf %logistic3A_67, %mul3A_79 : vector<2000x256xf32>
    %add3A_81 = arith.addf %mul3A_75, %mul3A_80 : vector<2000x256xf32>
    %swap3A = arith.constant 0 : index
    %swap3A_82 = arith.constant 0 : index
    %swap3A_83 = vector.load %arg10[%swap3A, %swap3A_82] : memref<2000x256xf32, #tpu.memory_space<vmem>>, vector<2000x256xf32>
    tpu.vector_store %arg10[%swap3A, %swap3A_82], %add3A_81 {strides = array<i32>} : memref<2000x256xf32, #tpu.memory_space<vmem>>, vector<2000x256xf32>,
    %reduce_sum3A = arith.constant dense<0.000000e+00> : vector<256xf32>
    %reduce_sum3A_84 = vector.multi_reduction <add>, %add3A_81, %reduce_sum3A [0] : vector<2000x256xf32> to vector<256xf32>
    %broadcast_in_dim3A = vector.shape_cast %reduce_sum3A_84 : vector<256xf32> to vector<1x256xf32>
    %broadcast_in_dim3A_85 = vector.shape_cast %broadcast_in_dim3A : vector<1x256xf32> to vector<1x1x256xf32>
    %swap3A_86 = arith.constant 0 : index
    %swap3A_87 = arith.constant 0 : index
    %swap3A_88 = arith.constant 0 : index
    %swap3A_89 = vector.load %arg11[%swap3A_86, %swap3A_87, %swap3A_88] : memref<1x1x256xf32, #tpu.memory_space<vmem>>, vector<1x1x256xf32>
    tpu.vector_store %arg11[%swap3A_86, %swap3A_87, %swap3A_88], %broadcast_in_dim3A_85 {strides = array<i32>} : memref<1x1x256xf32, #tpu.memory_space<vmem>>, vector<1x1x256xf32>,
    %mul3A_90 = arith.mulf %add3A_81, %add3A_81 : vector<2000x256xf32>
    %reduce_sum3A_91 = arith.constant dense<0.000000e+00> : vector<256xf32>
    %reduce_sum3A_92 = vector.multi_reduction <add>, %mul3A_90, %reduce_sum3A_91 [0] : vector<2000x256xf32> to vector<256xf32>
    %broadcast_in_dim3A_93 = vector.shape_cast %reduce_sum3A_92 : vector<256xf32> to vector<1x256xf32>
    %broadcast_in_dim3A_94 = vector.shape_cast %broadcast_in_dim3A_93 : vector<1x256xf32> to vector<1x1x256xf32>
    %swap3A_95 = arith.constant 0 : index
    %swap3A_96 = arith.constant 0 : index
    %swap3A_97 = arith.constant 0 : index
    %swap3A_98 = vector.load %arg12[%swap3A_95, %swap3A_96, %swap3A_97] : memref<1x1x256xf32, #tpu.memory_space<vmem>>, vector<1x1x256xf32>
    tpu.vector_store %arg12[%swap3A_95, %swap3A_96, %swap3A_97], %broadcast_in_dim3A_94 {strides = array<i32>} : memref<1x1x256xf32, #tpu.memory_space<vmem>>, vector<1x1x256xf32>,
    return
  }
  func.func @transform_0(%arg0: i32) -> (i32, i32, i32) {
    %c0_i32 = arith.constant 0 : i32
    %c0_i32_0 = arith.constant 0 : i32
    %c0_i32_1 = arith.constant 0 : i32
    return %c0_i32, %arg0, %c0_i32_0 : i32, i32, i32
  }
  func.func @transform_1(%arg0: i32) -> (i32, i32, i32) {
    %c0_i32 = arith.constant 0 : i32
    %c0_i32_0 = arith.constant 0 : i32
    %c0_i32_1 = arith.constant 0 : i32
    return %c0_i32, %arg0, %c0_i32_0 : i32, i32, i32
  }
  func.func @transform_2(%arg0: i32) -> (i32, i32) {
    %c0_i32 = arith.constant 0 : i32
    %c0_i32_0 = arith.constant 0 : i32
    return %arg0, %c0_i32 : i32, i32
  }
  func.func @transform_3(%arg0: i32) -> (i32, i32) {
    %c0_i32 = arith.constant 0 : i32
    %c0_i32_0 = arith.constant 0 : i32
    %c0_i32_1 = arith.constant 0 : i32
    return %c0_i32, %c0_i32_0 : i32, i32
  }
  func.func @transform_4(%arg0: i32) -> (i32, i32) {
    %c0_i32 = arith.constant 0 : i32
    %c0_i32_0 = arith.constant 0 : i32
    %c0_i32_1 = arith.constant 0 : i32
    return %c0_i32, %c0_i32_0 : i32, i32
  }
  func.func @transform_5(%arg0: i32) -> (i32, i32) {
    %c0_i32 = arith.constant 0 : i32
    %c0_i32_0 = arith.constant 0 : i32
    %c0_i32_1 = arith.constant 0 : i32
    return %c0_i32, %c0_i32_0 : i32, i32
  }
  func.func @transform_6(%arg0: i32) -> (i32, i32) {
    %c0_i32 = arith.constant 0 : i32
    %c0_i32_0 = arith.constant 0 : i32
    %c0_i32_1 = arith.constant 0 : i32
    return %c0_i32, %c0_i32_0 : i32, i32
  }
  func.func @transform_7(%arg0: i32) -> (i32, i32) {
    %c0_i32 = arith.constant 0 : i32
    %c0_i32_0 = arith.constant 0 : i32
    %c0_i32_1 = arith.constant 0 : i32
    return %c0_i32, %c0_i32_0 : i32, i32
  }
  func.func @transform_8(%arg0: i32) -> (i32, i32) {
    %c0_i32 = arith.constant 0 : i32
    %c0_i32_0 = arith.constant 0 : i32
    %c0_i32_1 = arith.constant 0 : i32
    return %c0_i32, %c0_i32_0 : i32, i32
  }
  func.func @transform_9(%arg0: i32) -> (i32, i32) {
    %c0_i32 = arith.constant 0 : i32
    %c0_i32_0 = arith.constant 0 : i32
    return %arg0, %c0_i32 : i32, i32
  }
  func.func @transform_10(%arg0: i32) -> (i32, i32, i32) {
    %c0_i32 = arith.constant 0 : i32
    %c0_i32_0 = arith.constant 0 : i32
    %c0_i32_1 = arith.constant 0 : i32
    return %arg0, %c0_i32, %c0_i32_0 : i32, i32, i32
  }
  func.func @transform_11(%arg0: i32) -> (i32, i32, i32) {
    %c0_i32 = arith.constant 0 : i32
    %c0_i32_0 = arith.constant 0 : i32
    %c0_i32_1 = arith.constant 0 : i32
    return %arg0, %c0_i32, %c0_i32_0 : i32, i32, i32
  }
}

module attributes {stable_mosaic.version = 14 : i64} {
  func.func @_tc_norm_body(%arg0: i32, %arg1: memref<2000x256xf32, #tpu.memory_space<vmem>>, %arg2: memref<5x1x256xf32, #tpu.memory_space<vmem>>, %arg3: memref<5x1x256xf32, #tpu.memory_space<vmem>>, %arg4: memref<1x256xf32, #tpu.memory_space<vmem>>, %arg5: memref<1x256xf32, #tpu.memory_space<vmem>>, %arg6: memref<2000x256xf32, #tpu.memory_space<vmem>>) attributes {dimension_semantics = [#tpu.dimension_semantics<arbitrary>], iteration_bounds = array<i64: 5>, scalar_prefetch = 0 : i64, scratch_operands = 0 : i64, tpu.core_type = #tpu.core_type<tc>, window_params = [{transform_indices = @transform_0, window_bounds = array<i64: 2000, 256>}, {pipeline_mode = #tpu.pipeline_mode<synchronous>, transform_indices = @transform_1, window_bounds = array<i64: 5, 1, 256>}, {pipeline_mode = #tpu.pipeline_mode<synchronous>, transform_indices = @transform_2, window_bounds = array<i64: 5, 1, 256>}, {pipeline_mode = #tpu.pipeline_mode<synchronous>, transform_indices = @transform_3, window_bounds = array<i64: 1, 256>}, {pipeline_mode = #tpu.pipeline_mode<synchronous>, transform_indices = @transform_4, window_bounds = array<i64: 1, 256>}, {transform_indices = @transform_5, window_bounds = array<i64: 2000, 256>}]} {
    %get3A = arith.constant 0 : index
    %get3A_0 = arith.constant 0 : index
    %get3A_1 = arith.constant 0 : index
    %get3A_2 = vector.load %arg2[%get3A, %get3A_0, %get3A_1] : memref<5x1x256xf32, #tpu.memory_space<vmem>>, vector<5x1x256xf32>
    %reduce_sum3A = arith.constant dense<0.000000e+00> : vector<1x256xf32>
    %reduce_sum3A_3 = vector.multi_reduction <add>, %get3A_2, %reduce_sum3A [0] : vector<5x1x256xf32> to vector<1x256xf32>
    %get3A_4 = arith.constant 0 : index
    %get3A_5 = arith.constant 0 : index
    %get3A_6 = arith.constant 0 : index
    %get3A_7 = vector.load %arg3[%get3A_4, %get3A_5, %get3A_6] : memref<5x1x256xf32, #tpu.memory_space<vmem>>, vector<5x1x256xf32>
    %reduce_sum3A_8 = arith.constant dense<0.000000e+00> : vector<1x256xf32>
    %reduce_sum3A_9 = vector.multi_reduction <add>, %get3A_7, %reduce_sum3A_8 [0] : vector<5x1x256xf32> to vector<1x256xf32>
    %mul3A = arith.constant 9.99999974E-5 : f32
    %mul3A_10 = vector.broadcast %mul3A : f32 to vector<1x256xf32>
    %mul3A_11 = arith.mulf %reduce_sum3A_3, %mul3A_10 : vector<1x256xf32>
    %mul3A_12 = arith.constant 9.99999974E-5 : f32
    %mul3A_13 = vector.broadcast %mul3A_12 : f32 to vector<1x256xf32>
    %mul3A_14 = arith.mulf %reduce_sum3A_9, %mul3A_13 : vector<1x256xf32>
    %mul3A_15 = arith.mulf %mul3A_11, %mul3A_11 : vector<1x256xf32>
    %sub3A = arith.subf %mul3A_14, %mul3A_15 : vector<1x256xf32>
    %get3A_16 = arith.constant 0 : index
    %get3A_17 = arith.constant 0 : index
    %get3A_18 = vector.load %arg4[%get3A_16, %get3A_17] : memref<1x256xf32, #tpu.memory_space<vmem>>, vector<1x256xf32>
    %add3A = arith.constant 9.99999974E-6 : f32
    %add3A_19 = vector.broadcast %add3A : f32 to vector<1x256xf32>
    %add3A_20 = arith.addf %sub3A, %add3A_19 : vector<1x256xf32>
    %rsqrt3A = math.rsqrt %add3A_20 : vector<1x256xf32>
    %mul3A_21 = arith.mulf %get3A_18, %rsqrt3A : vector<1x256xf32>
    %get3A_22 = arith.constant 0 : index
    %get3A_23 = arith.constant 0 : index
    %get3A_24 = vector.load %arg1[%get3A_22, %get3A_23] : memref<2000x256xf32, #tpu.memory_space<vmem>>, vector<2000x256xf32>
    %sub3A_25 = vector.broadcast %mul3A_11 : vector<1x256xf32> to vector<2000x256xf32>
    %sub3A_26 = arith.subf %get3A_24, %sub3A_25 : vector<2000x256xf32>
    %mul3A_27 = vector.broadcast %mul3A_21 : vector<1x256xf32> to vector<2000x256xf32>
    %mul3A_28 = arith.mulf %sub3A_26, %mul3A_27 : vector<2000x256xf32>
    %get3A_29 = arith.constant 0 : index
    %get3A_30 = arith.constant 0 : index
    %get3A_31 = vector.load %arg5[%get3A_29, %get3A_30] : memref<1x256xf32, #tpu.memory_space<vmem>>, vector<1x256xf32>
    %add3A_32 = vector.broadcast %get3A_31 : vector<1x256xf32> to vector<2000x256xf32>
    %add3A_33 = arith.addf %mul3A_28, %add3A_32 : vector<2000x256xf32>
    %swap3A = arith.constant 0 : index
    %swap3A_34 = arith.constant 0 : index
    %swap3A_35 = vector.load %arg6[%swap3A, %swap3A_34] : memref<2000x256xf32, #tpu.memory_space<vmem>>, vector<2000x256xf32>
    tpu.vector_store %arg6[%swap3A, %swap3A_34], %add3A_33 {strides = array<i32>} : memref<2000x256xf32, #tpu.memory_space<vmem>>, vector<2000x256xf32>,
    return
  }
  func.func @transform_0(%arg0: i32) -> (i32, i32) {
    %c0_i32 = arith.constant 0 : i32
    %c0_i32_0 = arith.constant 0 : i32
    return %arg0, %c0_i32 : i32, i32
  }
  func.func @transform_1(%arg0: i32) -> (i32, i32, i32) {
    %c0_i32 = arith.constant 0 : i32
    %c0_i32_0 = arith.constant 0 : i32
    %c0_i32_1 = arith.constant 0 : i32
    %c0_i32_2 = arith.constant 0 : i32
    return %c0_i32, %c0_i32_0, %c0_i32_1 : i32, i32, i32
  }
  func.func @transform_2(%arg0: i32) -> (i32, i32, i32) {
    %c0_i32 = arith.constant 0 : i32
    %c0_i32_0 = arith.constant 0 : i32
    %c0_i32_1 = arith.constant 0 : i32
    %c0_i32_2 = arith.constant 0 : i32
    return %c0_i32, %c0_i32_0, %c0_i32_1 : i32, i32, i32
  }
  func.func @transform_3(%arg0: i32) -> (i32, i32) {
    %c0_i32 = arith.constant 0 : i32
    %c0_i32_0 = arith.constant 0 : i32
    %c0_i32_1 = arith.constant 0 : i32
    return %c0_i32, %c0_i32_0 : i32, i32
  }
  func.func @transform_4(%arg0: i32) -> (i32, i32) {
    %c0_i32 = arith.constant 0 : i32
    %c0_i32_0 = arith.constant 0 : i32
    %c0_i32_1 = arith.constant 0 : i32
    return %c0_i32, %c0_i32_0 : i32, i32
  }
  func.func @transform_5(%arg0: i32) -> (i32, i32) {
    %c0_i32 = arith.constant 0 : i32
    %c0_i32_0 = arith.constant 0 : i32
    return %arg0, %c0_i32 : i32, i32
  }
}

</mosaic_0001>

<sc_bundles>
// kernel: kernel.10.cloned.1.call-start
scs
__scs_entry_jumppad:
0x0: {  	(pc) =	sbr.rel $0x88, $3  }
0x1: {  	(tag) =	ssettag $0x0;
	lr =	simm.s32 $0x1  }
0x2: {  	[smem:$0x3F94] =	sst lr;
	_ =	strace $0xD0000000  }
0x3: {  	_ = 	snop  }
0x4: {  	_ = 	snop  }
0x5: {  	_ = 	snop  }
0x6: {  	_ = 	snop  }
0x7: {  	_ = 	snop  }
__scs_overlays_trampoline_lowered:
0x8: {  	[smem:$0x3FA3] =	sst s0  }
0x9: {  	[smem:$0x3FA4] =	sst s1  }
0xa: {  	[smem:$0x3FA5] =	sst s2  }
0xb: {  	[smem:$0x3FA6] =	sst s3  }
0xc: {  	[smem:$0x3FA7] =	sst s4  }
0xd: {  	[smem:$0x3FA8] =	sst s5  }
0xe: {  	[smem:$0x3FA9] =	sst s6  }
0xf: {  	[smem:$0x3FAA] =	sst s7  }
0x10: {  	[smem:$0x3FAB] =	sst s8  }
0x11: {  	[smem:$0x3FAC] =	sst s9;
	s0 =	simm.s32 @!p0 $0x0  }
0x12: {  	s1 =	sld [smem:$0x3F92];
	s0 =	simm.s32 @p0 $0x1  }
0x13: {  	[smem:$0x3FAD] =	sst s0;
	s0 =	simm.s32 @!p1 $0x0  }
0x14: {  	s2 =	sld [smem:$0x3F91];
	s0 =	simm.s32 @p1 $0x1  }
0x15: {  	[smem:$0x3FAE] =	sst s0;
	s0 =	simm.s32 @!p2 $0x0  }
0x16: {  	s3 =	sld [smem:$0x3FDB];
	s0 =	simm.s32 @p2 $0x1  }
0x17: {  	s4 =	simm.s32 $0x1BF5;
	[smem:$0x3FB0] =	sst s0  }
0x18: {  	s0 =	sld [smem:$0x3F93];
	_ =	swait.ge [sflag:s4], $0x0  }
0x19: {  	s7 =	sld [smem:$0x3F94]  }
0x1a: {  	s8 =	sadd.s32 $0xFFFFE003, lr  }
0x1b: {  	s9 =	sadd.s32 $0xFFFFFEF7, lr;
	s5 =	simm.s32 $0xFFFFFFFF;
	p2 =	slt.u32 s8, $0xFFFFF086  }
0x1c: {  	p1 =	slt.u32 s9, $0xF7A;
	s5 =	simm.s32 @!p2 $0x0  }
0x1d: {  	s5 =	simm.s32 @p1 $0x1;
	p0 =	seq.s32 s7, s2  }
0x1e: {  	s7 =	smul.u32 @!p0 $0xF7A, s2;
	p2 =	seq.s32 @!p0 s5, $0x0  }
0x1f: {  	s9 =	smul.u32 $0xF7A, s1;
	s8 =	simm.s32 @!p0 $0x1BF5;
	p2 =	por !p2, p0  }
0x20: {  	[sflag:s8] =	ssyncset.s32 @!p0 $0xFFFFF086;
	s6 =	sadd.s32 @!p0 s3, s7;
	s7 =	simm.s32 @!p0 $0x108  }
0x21: {  	s3 =	sadd.s32 s3, s9;
	s6 =	sadd.s32 @!p0 $0x88, s6;
	s7 =	simm.s32 @p2 $0x1082  }
0x22: {  	[simem:s7], [sflag:s8] =	dma.local @!p0 [hbm:s6], $0xF7A  }
0x23: {  	s9 =	sor.u32 $0xD0000000, s2;
	s6 =	simm.s32 $0x108;
	_ =	swait.ge @!p0 [sflag:s8], $0x0  }
0x24: {  	s3 =	sadd.s32 $0x88, s3;
	s6 =	simm.s32 @!p1 $0x1082;
	[sflag:s4] =	ssyncset.s32 $0xFFFFF086  }
0x25: {  	[simem:s6], [sflag:s4] =	dma.local [hbm:s3], $0xF7A  }
0x26: {  	[smem:$0x3F94] =	sst s1;
	(tag) =	ssettag s2;
	_ =	strace s9  }
0x27: {  	s1 =	sld [smem:$0x3FA4]  }
0x28: {  	s2 =	sld [smem:$0x3FA5]  }
0x29: {  	s4 =	sld [smem:$0x3FA7]  }
0x2a: {  	p0 =	seq.s32 s5, $0x0;
	s5 =	sld [smem:$0x3FA8]  }
0x2b: {  	s6 =	sld [smem:$0x3FA9]  }
0x2c: {  	s7 =	sld [smem:$0x3FAA]  }
0x2d: {  	s3 =	simm.s32 $0x108;
	s8 =	sld [smem:$0x3FAB]  }
0x2e: {  	s3 =	simm.s32 @!p0 $0x1082;
	s9 =	sld [smem:$0x3FAC]  }
0x2f: {  	lr =	sadd.s32 s0, s3;
	s0 =	sld [smem:$0x3FA3]  }
0x30: {  	s3 =	sld [smem:$0x3FA6]  }
0x31: {  	[smem:$0x3FAF] =	sst s10  }
0x32: {  	s10 =	sld [smem:$0x3FAD];
	_ =	sdelay $0x3  }
0x33: {  	p0 =	seq.s32 s10, $0x1;
	s10 =	sld [smem:$0x3FAF];
	_ =	sdelay $0x3  }
0x34: {  	[smem:$0x3FAF] =	sst s10  }
0x35: {  	s10 =	sld [smem:$0x3FAE];
	_ =	sdelay $0x3  }
0x36: {  	p1 =	seq.s32 s10, $0x1;
	s10 =	sld [smem:$0x3FAF];
	_ =	sdelay $0x3  }
0x37: {  	[smem:$0x3FAF] =	sst s10  }
0x38: {  	s10 =	sld [smem:$0x3FB0]  }
0x39: {  	_ = 	snop;
	(pc) =	sbr.ind lr, $3  }
0x3a: {  	_ = 	snop  }
0x3b: {  	_ = 	snop  }
0x3c: {  	p2 =	seq.s32 s10, $0x1;
	s10 =	sld [smem:$0x3FAF]  }
0x3d: {  	_ =	shalt  }
0x3e: {  	_ =	shalt  }
0x3f: {  	_ =	shalt  }
0x40: {  	_ =	shalt  }
0x41: {  	_ =	shalt  }
0x42: {  	_ =	shalt  }
0x43: {  	_ =	shalt  }
0x44: {  	_ =	shalt  }
0x45: {  	_ =	shalt  }
0x46: {  	_ =	shalt  }
0x47: {  	_ =	shalt  }
0x48: {  	_ =	shalt  }
0x49: {  	_ =	shalt  }
0x4a: {  	_ =	shalt  }
0x4b: {  	_ =	shalt  }
0x4c: {  	_ =	shalt  }
0x4d: {  	_ =	shalt  }
0x4e: {  	_ =	shalt  }
0x4f: {  	_ =	shalt  }
0x50: {  	_ =	shalt  }
0x51: {  	_ =	shalt  }
0x52: {  	_ =	shalt  }
0x53: {  	_ =	shalt  }
0x54: {  	_ =	shalt  }
0x55: {  	_ =	shalt  }
0x56: {  	_ =	shalt  }
0x57: {  	_ =	shalt  }
0x58: {  	_ =	shalt  }
0x59: {  	_ =	shalt  }
0x5a: {  	_ =	shalt  }
0x5b: {  	_ =	shalt  }
0x5c: {  	_ =	shalt  }
0x5d: {  	_ =	shalt  }
0x5e: {  	_ =	shalt  }
0x5f: {  	_ =	shalt  }
0x60: {  	_ =	shalt  }
0x61: {  	_ =	shalt  }
0x62: {  	_ =	shalt  }
0x63: {  	_ =	shalt  }
0x64: {  	_ =	shalt  }
0x65: {  	_ =	shalt  }
0x66: {  	_ =	shalt  }
0x67: {  	_ =	shalt  }
0x68: {  	_ =	shalt  }
0x69: {  	_ =	shalt  }
0x6a: {  	_ =	shalt  }
0x6b: {  	_ =	shalt  }
0x6c: {  	_ =	shalt  }
0x6d: {  	_ =	shalt  }
0x6e: {  	_ =	shalt  }
0x6f: {  	_ =	shalt  }
0x70: {  	_ =	shalt  }
0x71: {  	_ =	shalt  }
0x72: {  	_ =	shalt  }
0x73: {  	_ =	shalt  }
0x74: {  	_ =	shalt  }
0x75: {  	_ =	shalt  }
0x76: {  	_ =	shalt  }
0x77: {  	_ =	shalt  }
0x78: {  	_ =	shalt  }
0x79: {  	_ =	shalt  }
0x7a: {  	_ =	shalt  }
0x7b: {  	_ =	shalt  }
0x7c: {  	_ =	shalt  }
0x7d: {  	_ =	shalt  }
0x7e: {  	_ =	shalt  }
0x7f: {  	_ =	shalt  }
0x80: {  	_ =	shalt  }
0x81: {  	_ =	shalt  }
0x82: {  	_ =	shalt  }
0x83: {  	_ =	shalt  }
0x84: {  	_ =	shalt  }
0x85: {  	_ =	shalt  }
0x86: {  	_ =	shalt  }
0x87: {  	_ =	shalt  }
.Lfunc_end0:
.L_simem_size_0:
called_computation.1_lowered:
.L_overlay_start_0:
0x88: {  	s2 =	sld [smem:$0x3FD9]  }
0x89: {  	s3 =	sld [smem:$0x3FFE];
	_ =	sdelay $0x1  }
0x8a: {  	s1 =	srdreg.scid  }
0x8b: {  	s0 =	sand.u32 $0x1, s1  }
0x8c: {  	s16 =	sshll.u32 s0, $0xA;
	s2 =	sadd.s32 s3, s2  }
0x8d: {  	s2 =	sadd.s32 s2, s16  }
0x8e: {  	[smem:$0x3FBB] =	sst s2  }
0x8f: {  	_ = 	snop  }
0x90: {  	(tm) =	ssettm $0x1  }
0x91: {  	s17 =	sld [smem:$0x3FFB];
	_ =	sdelay $0x3  }
0x92: {  	_ =	strace s17  }
0x93: {  	s2 =	sld [smem:$0x3FFC];
	_ =	sdelay $0x3  }
0x94: {  	_ =	strace s2  }
0x95: {  	s2 =	sld [smem:$0x3FFD];
	_ =	sdelay $0x3  }
0x96: {  	_ =	strace s2  }
0x97: {  	_ =	strace $0x8FFFFFFF  }
0x98: {  	s18 =	sld [smem:$0x3FDB];
	_ =	sdelay $0x1  }
0x99: {  	s19 =	simm.s32 $_scs_section_size  }
0x9a: {  	s4 =	simm.s32 $_size__tile_overlayer_lowered;
	s5 =	simm.s32 $_tile_overlayer_lowered  }
0x9b: {  	s22 =	simm.s32 $0x1BFF;
	s21 =	sshll.u32 s5, $0x1;
	s2 =	sadd.s32 s19, s18  }
0x9c: {  	s6 =	simm.s32 $0x0;
	s20 =	sshll.u32 s4, $0x1;
	s4 =	sadd.s32 s21, s2  }
0x9d: {  	[timem:s6], [sflag:s22] =	dma.local [hbm:s4], s20  }
0x9e: {  	_ =	swait.ge [sflag:s22], s20  }
0x9f: {  	s3 =	ssub.s32 $0x0, s20;
	[sflag:s22] =	ssyncset.done $0x0  }
0xa0: {  	[sflag:s22] =	ssyncadd.s32 s3;
	_ =	sdelay $0x1  }
0xa1: {  	s23 =	simm.s32 $0x1B8B  }
0xa2: {  	_ =	swait.ge [sflag:s23], $0x1  }
0xa3: {  	[sflag:s23] =	ssyncset.done $0x0  }
0xa4: {  	s25 =	simm.s32 $0x1B8E;
	s24 =	sld [smem:$0x3FFE];
	[sflag:s23] =	ssyncadd.s32 $0xFFFFFFFF  }
0xa5: {  	s26 =	simm.s32 $execute0_lowered;
	[smem:$0x3FD2] =	sst s25  }
0xa6: {  	s4 =	sshll.u32 s26, $0x1;
	_ =	strace $0x80000049;
	[dreg:$0x1] =	wrdreg $0xFFFFFFFF  }
0xa7: {  	s28 =	simm.s32 $_size_execute0_lowered;
	s2 =	sadd.s32 s2, s4;
	[dreg:$0x0] =	wrdreg $0x0  }
0xa8: {  	s4 =	sshll.u32 s28, $0x1;
	[dreg:$0x2] =	wrdreg s2  }
0xa9: {  	[dreg:$0x3] =	wrdreg s4  }
0xaa: {  	[dreg:$0x4] =	wrdreg $0xC0  }
0xab: {  	_ =	task [dreg:s6], $0x5FFFF  }
0xac: {  	[dreg:$0x1] =	wrdreg $0xFFFFFFFF  }
0xad: {  	[dreg:$0x0] =	wrdreg $0x60  }
0xae: {  	[dreg:$0x2] =	wrdreg s24  }
0xaf: {  	[dreg:$0x3] =	wrdreg $0x90000  }
0xb0: {  	[dreg:$0x4] =	wrdreg $0x9  }
0xb1: {  	_ =	task.clear_ibuf [dreg:s6], $0x5FFFF;
	_ =	strace $0x90000049  }
0xb2: {  	s29 =	simm.s32 $0x9;
	_ =	strace $0x8000004B  }
0xb3: {  	_ =	swait.ge [sflag:s29], $0x1  }
0xb4: {  	[sflag:s29] =	ssyncadd.s32 $0xFFFFFFFF  }
0xb5: {  	_ =	strace $0x9000004B  }
0xb6: {  	_ =	sfence  }
0xb7: {  	s30 =	sld [smem:$0x0];
	_ =	sdelay $0x2  }
0xb8: {  	s31 =	sshll.u32 s1, $0xD;
	s1 =	sshrl.u32 s1, $0x2  }
0xb9: {  	s3 =	sand.u32 $0x4000, s31;
	s1 =	sadd.s32 s1, s30  }
0xba: {  	s0 =	sor.u32 s3, s0;
	s1 =	sshll.u32 s1, $0x11  }
0xbb: {  	s0 =	sor.u32 s1, s0  }
0xbc: {  	s0 =	sadd.s32 $0x8F2B, s0  }
0xbd: {  	[sflag:s0] =	ssyncadd.remote.s32 $0x1  }
0xbe: {  	_ =	sfence.sel $0xFFFF  }
0xbf: {  	[dreg:$0x0] =	wrdreg $0xFFFFFFFF;
	(pc) =	sbr.abs _section_cstart, $3  }
0xc0: {  	[dreg:$0x1] =	wrdreg $0xFFFFFFFF  }
0xc1: {  	_ =	task.clear_ibuf [dreg:s6], $0x2FFFF;
	_ =	strace $0x9FFFFFFF  }
0xc2: {  	(tm) =	ssettm $0x7FFFFFFF  }
0xc3: {  	_ =	shalt  }
tec
execute0_lowered:
.L_overlay_start_1:
0x0: {  	(tag) =	ssettag $0x1  }
0x1: {  	s0 =	rddreg [dreg:$0x0]  }
0x2: {  	s1 =	rddreg [dreg:$0x1];
	s2 =	srdreg.scid;
	s3 =	simm.s32 $0x0  }
0x3: {  	s10 =	stileid.u32;
	s21 =	simm.s32 $0x5000;
	s22 =	simm.s32 $0x3  }
0x4: {  	s23 =	simm.s32 $0x2800;
	s24 =	simm.s32 $0x40;
	s28 =	simm.s32 $0x1  }
0x5: {  	s29 =	simm.s32 $0x2;
	s30 =	simm.s32 $0x4F00;
	s6 =	smul.u32 $0x14000, s10  }
0x6: {  	s31 =	simm.s32 $0x4F80;
	s2 =	sand.u32 $0x1, s2;
	s7 =	smul.u32 $0x50000, s10  }
0x7: {  	[smem:$0x7FF] =	sst s3;
	s4 =	sadd.s32 $0x16E00, s0;
	s15 =	smul.u32 $0x5000, s10  }
0x8: {  	s17 =	sadd.s32 $0xCE00, s0;
	s18 =	sadd.s32 $0x2E00, s0;
	s5 =	smul.u32 $0x140000, s2  }
0x9: {  	_ =	strace $0x8000004A;
	s25 =	ssub.s32 $0x2, s2;
	s2 =	smul.u32 $0x2800, s2  }
0xa: {  	s7 =	sshrl.u32 s7, $0x2;
	s8 =	sshrl.u32 s25, $0x1;
	s16 =	sshrl.u32 s15, $0x3  }
0xb: {  	s5 =	sadd.s32 s6, s5;
	s20 =	ssub.s32 s25, s8;
	s15 =	sadd.s32 s17, s16  }
0xc: {  	s19 =	sadd.s32 $0x500, s16;
	s16 =	sadd.s32 s18, s16;
	s25 =	simm.s32 $0x80  }
0xd: {  	s5 =	sshrl.u32 s5, $0x3;
	s17 =	sadd.s32 s17, s19;
	s18 =	sadd.s32 s18, s19  }
0xe: {  	s20 =	smax.u32 s20, $0x1;
	s0 =	sadd.s32 s5, s0;
	s5 =	sadd.s32 s7, s1  }
0xf: {  	s26 =	sadd.s32 $0x2000, s5;
	s7 =	sadd.s32 $0x4000, s5;
	s8 =	sadd.s32 $0x6000, s5  }
0x10: {  	s9 =	sadd.s32 $0x8000, s5;
	s10 =	sadd.s32 $0xA000, s5;
	s11 =	sadd.s32 $0xC000, s5  }
0x11: {  	s12 =	sadd.s32 $0xE000, s5;
	s13 =	sadd.s32 $0x10000, s5;
	s14 =	sadd.s32 $0x12000, s5  }
0x12: {  	v1 =	vimm.f32 $0.0e+00;
	v0 =	vmov s2;
	s19 =	sadd.s32 $0x66E00, s0;
	[dreg:$0x3] =	wrdreg s26;
	s26 =	simm.s32 $0x7000  }
.LBB2_1:
0x13: {  	s0 =	simm.s32 $0x0;
	s2 =	simm.s32 $0x200  }
.LBB2_2:
0x14: {  	p0 =	sne.s32 s2, $0x7E00;
	[tilespmem:s0+$0x5070] =	vst v1  }
0x15: {  	[tilespmem:s0+$0x5000] =	vst v1  }
0x16: {  	[tilespmem:s0+$0x5010] =	vst v1  }
.Ltmp0:
0x17: {  	[tilespmem:s0+$0x5020] =	vst v1;
	(pc) =	sbr.rel @p0 .LBB2_2-.Ltmp0, $4  }
0x18: {  	[tilespmem:s0+$0x5030] =	vst v1  }
0x19: {  	[tilespmem:s0+$0x5040] =	vst v1  }
0x1a: {  	[tilespmem:s0+$0x5050] =	vst v1  }
0x1b: {  	[tilespmem:s0+$0x5060] =	vst v1;
	s0 =	sshra.s32 s2, $0x2;
	s2 =	sadd.s32 $0x200, s2  }
0x1c: {  	[tilespmem:s0+$0x5070] =	vst v1  }
0x1d: {  	[tilespmem:s0+$0x5000] =	vst v1  }
0x1e: {  	[tilespmem:s0+$0x5010] =	vst v1  }
0x1f: {  	[tilespmem:s0+$0x5020] =	vst v1  }
0x20: {  	[tilespmem:s0+$0x5030] =	vst v1  }
0x21: {  	[tilespmem:s0+$0x5040] =	vst v1  }
0x22: {  	[tilespmem:s0+$0x5050] =	vst v1  }
0x23: {  	[tilespmem:s0+$0x5060] =	vst v1  }
0x24: {  	[spmem:s5] =	stream.linear.scatter [tilespmem:s21], [sflag:$0x3], $0x2000, $0x38;
	[tilespmem:$0x1D000] =	vst v63  }
0x25: {  	_ =	swait.ge [sflag:s22], $0x2000  }
0x26: {  	[sflag:s22] =	ssyncset.done $0x0  }
0x27: {  	s2 =	rddreg [dreg:$0x3];
	[sflag:s22] =	ssyncadd.s32 $0xFFFFE000  }
0x28: {  	[spmem:s2] =	stream.linear.scatter [tilespmem:s21], [sflag:$0x3], $0x2000, $0x38;
	[tilespmem:$0x1D000] =	vst v63  }
0x29: {  	_ =	swait.ge [sflag:s22], $0x2000  }
0x2a: {  	[sflag:s22] =	ssyncset.done $0x0  }
0x2b: {  	[sflag:s22] =	ssyncadd.s32 $0xFFFFE000  }
0x2c: {  	[spmem:s7] =	stream.linear.scatter [tilespmem:s21], [sflag:$0x3], $0x2000, $0x38;
	[tilespmem:$0x1D000] =	vst v63  }
0x2d: {  	_ =	swait.ge [sflag:s22], $0x2000  }
0x2e: {  	[sflag:s22] =	ssyncset.done $0x0  }
0x2f: {  	[sflag:s22] =	ssyncadd.s32 $0xFFFFE000  }
0x30: {  	[spmem:s8] =	stream.linear.scatter [tilespmem:s21], [sflag:$0x3], $0x2000, $0x38;
	[tilespmem:$0x1D000] =	vst v63  }
0x31: {  	_ =	swait.ge [sflag:s22], $0x2000  }
0x32: {  	[sflag:s22] =	ssyncset.done $0x0  }
0x33: {  	[sflag:s22] =	ssyncadd.s32 $0xFFFFE000  }
0x34: {  	[spmem:s9] =	stream.linear.scatter [tilespmem:s21], [sflag:$0x3], $0x2000, $0x38;
	[tilespmem:$0x1D000] =	vst v63  }
0x35: {  	_ =	swait.ge [sflag:s22], $0x2000  }
0x36: {  	[sflag:s22] =	ssyncset.done $0x0  }
0x37: {  	[sflag:s22] =	ssyncadd.s32 $0xFFFFE000  }
0x38: {  	[spmem:s10] =	stream.linear.scatter [tilespmem:s21], [sflag:$0x3], $0x2000, $0x38;
	[tilespmem:$0x1D000] =	vst v63  }
0x39: {  	_ =	swait.ge [sflag:s22], $0x2000  }
0x3a: {  	[sflag:s22] =	ssyncset.done $0x0  }
0x3b: {  	[sflag:s22] =	ssyncadd.s32 $0xFFFFE000  }
0x3c: {  	[spmem:s11] =	stream.linear.scatter [tilespmem:s21], [sflag:$0x3], $0x2000, $0x38;
	[tilespmem:$0x1D000] =	vst v63  }
0x3d: {  	_ =	swait.ge [sflag:s22], $0x2000  }
0x3e: {  	[sflag:s22] =	ssyncset.done $0x0  }
0x3f: {  	[sflag:s22] =	ssyncadd.s32 $0xFFFFE000  }
0x40: {  	[spmem:s12] =	stream.linear.scatter [tilespmem:s21], [sflag:$0x3], $0x2000, $0x38;
	[tilespmem:$0x1D000] =	vst v63  }
0x41: {  	_ =	swait.ge [sflag:s22], $0x2000  }
0x42: {  	[sflag:s22] =	ssyncset.done $0x0  }
0x43: {  	[sflag:s22] =	ssyncadd.s32 $0xFFFFE000  }
0x44: {  	[spmem:s13] =	stream.linear.scatter [tilespmem:s21], [sflag:$0x3], $0x2000, $0x38;
	[tilespmem:$0x1D000] =	vst v63  }
0x45: {  	_ =	swait.ge [sflag:s22], $0x2000  }
0x46: {  	[sflag:s22] =	ssyncset.done $0x0  }
0x47: {  	[sflag:s22] =	ssyncadd.s32 $0xFFFFE000  }
0x48: {  	[spmem:s14] =	stream.linear.scatter [tilespmem:s21], [sflag:$0x3], $0x2000, $0x38;
	[tilespmem:$0x1D000] =	vst v63  }
0x49: {  	_ =	swait.ge [sflag:s22], $0x2000  }
0x4a: {  	[sflag:s22] =	ssyncset.done $0x0  }
0x4b: {  	[sflag:s22] =	ssyncadd.s32 $0xFFFFE000  }
0x4c: {  	s6 =	simm.s32 $0x0;
	[bflag:$0x0] =	sbarrier.arrive $0xFFFF  }
0x4d: {  	[tilespmem:s6], [sflag:$0x3] =	stream.linear.gather [hbm4b:s15+s6], $0x2800, $0x38;
	[tilespmem:$0x1D000] =	vst v63  }
0x4e: {  	_ =	swait.ge [sflag:s22], $0x2800  }
0x4f: {  	[sflag:s22] =	ssyncset.done $0x0  }
0x50: {  	[sflag:s22] =	ssyncadd.s32 $0xFFFFD800  }
0x51: {  	[tilespmem:s23], [sflag:$0x3] =	stream.linear.gather [hbm4b:s16+s6], $0x2800, $0x38;
	[tilespmem:$0x1D000] =	vst v63  }
0x52: {  	_ =	swait.ge [sflag:s22], $0x2800  }
0x53: {  	[sflag:s22] =	ssyncset.done $0x0  }
0x54: {  	s0 =	simm.s32 $0x0;
	[sflag:s22] =	ssyncadd.s32 $0xFFFFD800  }
0x55: {  	v4 =	vld [tilespmem:s0+$0x0]  }
0x56: {  	v3 =	vld [tilespmem:s0+$0x10]  }
0x57: {  	s2 =	simm.s32 $0x200;
	v2 =	vld [tilespmem:s0+$0x20]  }
.LBB2_4:
0x58: {  	p0 =	sne.s32 s2, $0x9E00;
	v5 =	vld [tilespmem:s0+$0x30];
	_ =	sdelay $0x1  }
.Ltmp1:
0x59: {  	v4 =	vadd.s32 v0, v4;
	(pc) =	sbr.rel @p0 .LBB2_4-.Ltmp1, $4  }
0x5a: {  	s6 =	sshra.s32 s2, $0x2;
	[tilespmem:s0+$0x0] =	vst v4;
	v3 =	vadd.s32 v0, v3  }
0x5b: {  	v4 =	vld [tilespmem:s6+$0x0];
	[tilespmem:s0+$0x10] =	vst v3;
	v2 =	vadd.s32 v0, v2  }
0x5c: {  	v3 =	vld [tilespmem:s6+$0x10];
	[tilespmem:s0+$0x20] =	vst v2;
	v5 =	vadd.s32 v0, v5  }
0x5d: {  	s2 =	sadd.s32 $0x200, s2;
	v2 =	vld [tilespmem:s6+$0x20];
	[tilespmem:s0+$0x30] =	vst v5;
	s0 =	smov.u32 s6  }
0x5e: {  	v5 =	vld [tilespmem:s0+$0x30];
	_ =	sdelay $0x1  }
0x5f: {  	v4 =	vadd.s32 v0, v4  }
0x60: {  	[tilespmem:s0+$0x0] =	vst v4;
	v3 =	vadd.s32 v0, v3  }
0x61: {  	[tilespmem:s0+$0x10] =	vst v3;
	v2 =	vadd.s32 v0, v2  }
0x62: {  	[tilespmem:s0+$0x20] =	vst v2;
	v2 =	vadd.s32 v0, v5  }
0x63: {  	s2 =	simm.s32 $0x0;
	[tilespmem:s0+$0x30] =	vst v2  }
0x64: {  	[tilespmem:s21], [sflag:$0x1] =	stream.indirect.gather [hbm4b:s4+s24], $0x80, s2, s24, $0xb8;
	[tilespmem:$0x1D000] =	vst v63  }
0x65: {  	_ = 	snop  }
0x66: {  	[tilespmem:s26], [sflag:$0x2] =	stream.indirect.gather [hbm4b:s4+s24], $0x80, s25, s24, $0xb8;
	[tilespmem:$0x1D000] =	vst v63  }
0x67: {  	_ =	swait.ge [sflag:s28], $0x2000  }
0x68: {  	[sflag:s28] =	ssyncset.done $0x0  }
0x69: {  	s6 =	simm.s32 $0x2800;
	[sflag:s28] =	ssyncadd.s32 $0xFFFFE000  }
0x6a: {  	[spmem:s1] =	stream.indirect.scatter.add.f32 [tilespmem:s21], [sflag:$0x3], $0x80, s6, s24, $0xb8;
	[tilespmem:$0x1D000] =	vst v63  }
0x6b: {  	_ =	swait.ge [sflag:s22], $0x2000  }
0x6c: {  	[sflag:s22] =	ssyncset.done $0x0  }
0x6d: {  	s2 =	simm.s32 $0x100;
	[sflag:s22] =	ssyncadd.s32 $0xFFFFE000  }
0x6e: {  	[tilespmem:s21], [sflag:$0x1] =	stream.indirect.gather [hbm4b:s4+s24], $0x80, s2, s24, $0xb8;
	[tilespmem:$0x1D000] =	vst v63  }
0x6f: {  	_ =	swait.ge [sflag:s29], $0x2000  }
0x70: {  	[sflag:s29] =	ssyncset.done $0x0  }
0x71: {  	s6 =	simm.s32 $0x2880;
	[sflag:s29] =	ssyncadd.s32 $0xFFFFE000  }
0x72: {  	[spmem:s1] =	stream.indirect.scatter.add.f32 [tilespmem:s26], [sflag:$0x3], $0x80, s6, s24, $0xb8;
	[tilespmem:$0x1D000] =	vst v63  }
0x73: {  	_ =	swait.ge [sflag:s22], $0x2000  }
0x74: {  	[sflag:s22] =	ssyncset.done $0x0  }
0x75: {  	s0 =	simm.s32 $0x400;
	s2 =	simm.s32 $0x180;
	[sflag:s22] =	ssyncadd.s32 $0xFFFFE000  }
.LBB2_6:
0x76: {  	[tilespmem:s26], [sflag:$0x2] =	stream.indirect.gather [hbm4b:s4+s24], $0x80, s2, s24, $0xb8;
	[tilespmem:$0x1D000] =	vst v63  }
0x77: {  	s2 =	smov.u32 s0  }
0x78: {  	p0 =	sne.s32 s0, $0x9800;
	s0 =	sadd.s32 $0x400, s0;
	_ =	swait.ge [sflag:s28], $0x2000  }
0x79: {  	s2 =	sshra.s32 s2, $0x2;
	[sflag:s28] =	ssyncset.done $0x0  }
0x7a: {  	s6 =	sadd.s32 $0x2800, s2;
	[sflag:s28] =	ssyncadd.s32 $0xFFFFE000  }
0x7b: {  	[spmem:s1] =	stream.indirect.scatter.add.f32 [tilespmem:s21], [sflag:$0x3], $0x80, s6, s24, $0xb8;
	[tilespmem:$0x1D000] =	vst v63  }
0x7c: {  	_ =	swait.ge [sflag:s22], $0x2000  }
0x7d: {  	[sflag:s22] =	ssyncset.done $0x0  }
0x7e: {  	s6 =	sadd.s32 $0x100, s2;
	[sflag:s22] =	ssyncadd.s32 $0xFFFFE000  }
0x7f: {  	[tilespmem:s21], [sflag:$0x1] =	stream.indirect.gather [hbm4b:s4+s24], $0x80, s6, s24, $0xb8;
	[tilespmem:$0x1D000] =	vst v63  }
0x80: {  	_ =	swait.ge [sflag:s29], $0x2000  }
0x81: {  	[sflag:s29] =	ssyncset.done $0x0  }
.Ltmp2:
0x82: {  	s6 =	sadd.s32 $0x2880, s2;
	[sflag:s29] =	ssyncadd.s32 $0xFFFFE000;
	(pc) =	sbr.rel @p0 .LBB2_6-.Ltmp2, $4  }
0x83: {  	[spmem:s1] =	stream.indirect.scatter.add.f32 [tilespmem:s26], [sflag:$0x3], $0x80, s6, s24, $0xb8;
	[tilespmem:$0x1D000] =	vst v63  }
0x84: {  	_ =	swait.ge [sflag:s22], $0x2000  }
0x85: {  	[sflag:s22] =	ssyncset.done $0x0  }
0x86: {  	s2 =	sadd.s32 $0x180, s2;
	[sflag:s22] =	ssyncadd.s32 $0xFFFFE000  }
0x87: {  	[tilespmem:s26], [sflag:$0x2] =	stream.indirect.gather [hbm4b:s4+s24], $0x80, s2, s24, $0xb8;
	[tilespmem:$0x1D000] =	vst v63  }
0x88: {  	_ =	swait.ge [sflag:s28], $0x2000  }
0x89: {  	[sflag:s28] =	ssyncset.done $0x0  }
0x8a: {  	[sflag:s28] =	ssyncadd.s32 $0xFFFFE000  }
0x8b: {  	[spmem:s1] =	stream.indirect.scatter.add.f32 [tilespmem:s21], [sflag:$0x3], $0x80, s30, s24, $0xb8;
	[tilespmem:$0x1D000] =	vst v63  }
0x8c: {  	_ =	swait.ge [sflag:s22], $0x2000  }
0x8d: {  	[sflag:s22] =	ssyncset.done $0x0  }
0x8e: {  	[sflag:s22] =	ssyncadd.s32 $0xFFFFE000  }
0x8f: {  	_ =	swait.ge [sflag:s29], $0x2000  }
0x90: {  	[sflag:s29] =	ssyncset.done $0x0  }
0x91: {  	[sflag:s29] =	ssyncadd.s32 $0xFFFFE000  }
0x92: {  	[spmem:s1] =	stream.indirect.scatter.add.f32 [tilespmem:s26], [sflag:$0x3], $0x80, s31, s24, $0xb8;
	[tilespmem:$0x1D000] =	vst v63  }
0x93: {  	_ =	swait.ge [sflag:s22], $0x2000  }
0x94: {  	[sflag:s22] =	ssyncset.done $0x0  }
0x95: {  	s0 =	simm.s32 $0x0;
	[sflag:s22] =	ssyncadd.s32 $0xFFFFE000  }
0x96: {  	[tilespmem:s0], [sflag:$0x3] =	stream.linear.gather [hbm4b:s17+s0], $0x2800, $0x38;
	[tilespmem:$0x1D000] =	vst v63  }
0x97: {  	_ =	swait.ge [sflag:s22], $0x2800  }
0x98: {  	[sflag:s22] =	ssyncset.done $0x0  }
0x99: {  	[sflag:s22] =	ssyncadd.s32 $0xFFFFD800  }
0x9a: {  	[tilespmem:s23], [sflag:$0x3] =	stream.linear.gather [hbm4b:s18+s0], $0x2800, $0x38;
	[tilespmem:$0x1D000] =	vst v63  }
0x9b: {  	_ =	swait.ge [sflag:s22], $0x2800  }
0x9c: {  	[sflag:s22] =	ssyncset.done $0x0  }
0x9d: {  	s0 =	simm.s32 $0x0;
	[sflag:s22] =	ssyncadd.s32 $0xFFFFD800  }
0x9e: {  	v4 =	vld [tilespmem:s0+$0x0]  }
0x9f: {  	v3 =	vld [tilespmem:s0+$0x10]  }
0xa0: {  	s2 =	simm.s32 $0x200;
	v2 =	vld [tilespmem:s0+$0x20]  }
.LBB2_8:
0xa1: {  	p0 =	sne.s32 s2, $0x9E00;
	v5 =	vld [tilespmem:s0+$0x30];
	_ =	sdelay $0x1  }
.Ltmp3:
0xa2: {  	v4 =	vadd.s32 v0, v4;
	(pc) =	sbr.rel @p0 .LBB2_8-.Ltmp3, $4  }
0xa3: {  	s6 =	sshra.s32 s2, $0x2;
	[tilespmem:s0+$0x0] =	vst v4;
	v3 =	vadd.s32 v0, v3  }
0xa4: {  	v4 =	vld [tilespmem:s6+$0x0];
	[tilespmem:s0+$0x10] =	vst v3;
	v2 =	vadd.s32 v0, v2  }
0xa5: {  	v3 =	vld [tilespmem:s6+$0x10];
	[tilespmem:s0+$0x20] =	vst v2;
	v5 =	vadd.s32 v0, v5  }
0xa6: {  	s2 =	sadd.s32 $0x200, s2;
	v2 =	vld [tilespmem:s6+$0x20];
	[tilespmem:s0+$0x30] =	vst v5;
	s0 =	smov.u32 s6  }
0xa7: {  	v5 =	vld [tilespmem:s0+$0x30];
	_ =	sdelay $0x1  }
0xa8: {  	v4 =	vadd.s32 v0, v4  }
0xa9: {  	[tilespmem:s0+$0x0] =	vst v4;
	v3 =	vadd.s32 v0, v3  }
0xaa: {  	[tilespmem:s0+$0x10] =	vst v3;
	v2 =	vadd.s32 v0, v2  }
0xab: {  	[tilespmem:s0+$0x20] =	vst v2;
	v2 =	vadd.s32 v0, v5  }
0xac: {  	s2 =	simm.s32 $0x0;
	[tilespmem:s0+$0x30] =	vst v2  }
0xad: {  	[tilespmem:s21], [sflag:$0x1] =	stream.indirect.gather [hbm4b:s4+s24], $0x80, s2, s24, $0xb8;
	[tilespmem:$0x1D000] =	vst v63  }
0xae: {  	_ = 	snop  }
0xaf: {  	[tilespmem:s26], [sflag:$0x2] =	stream.indirect.gather [hbm4b:s4+s24], $0x80, s25, s24, $0xb8;
	[tilespmem:$0x1D000] =	vst v63  }
0xb0: {  	_ =	swait.ge [sflag:s28], $0x2000  }
0xb1: {  	[sflag:s28] =	ssyncset.done $0x0  }
0xb2: {  	s6 =	simm.s32 $0x2800;
	[sflag:s28] =	ssyncadd.s32 $0xFFFFE000  }
0xb3: {  	[spmem:s1] =	stream.indirect.scatter.add.f32 [tilespmem:s21], [sflag:$0x3], $0x80, s6, s24, $0xb8;
	[tilespmem:$0x1D000] =	vst v63  }
0xb4: {  	_ =	swait.ge [sflag:s22], $0x2000  }
0xb5: {  	[sflag:s22] =	ssyncset.done $0x0  }
0xb6: {  	s2 =	simm.s32 $0x100;
	[sflag:s22] =	ssyncadd.s32 $0xFFFFE000  }
0xb7: {  	[tilespmem:s21], [sflag:$0x1] =	stream.indirect.gather [hbm4b:s4+s24], $0x80, s2, s24, $0xb8;
	[tilespmem:$0x1D000] =	vst v63  }
0xb8: {  	_ =	swait.ge [sflag:s29], $0x2000  }
0xb9: {  	[sflag:s29] =	ssyncset.done $0x0  }
0xba: {  	s6 =	simm.s32 $0x2880;
	[sflag:s29] =	ssyncadd.s32 $0xFFFFE000  }
0xbb: {  	[spmem:s1] =	stream.indirect.scatter.add.f32 [tilespmem:s26], [sflag:$0x3], $0x80, s6, s24, $0xb8;
	[tilespmem:$0x1D000] =	vst v63  }
0xbc: {  	_ =	swait.ge [sflag:s22], $0x2000  }
0xbd: {  	[sflag:s22] =	ssyncset.done $0x0  }
0xbe: {  	s0 =	simm.s32 $0x400;
	s2 =	simm.s32 $0x180;
	[sflag:s22] =	ssyncadd.s32 $0xFFFFE000  }
.LBB2_10:
0xbf: {  	[tilespmem:s26], [sflag:$0x2] =	stream.indirect.gather [hbm4b:s4+s24], $0x80, s2, s24, $0xb8;
	[tilespmem:$0x1D000] =	vst v63  }
0xc0: {  	s2 =	smov.u32 s0  }
0xc1: {  	p0 =	sne.s32 s0, $0x9800;
	s0 =	sadd.s32 $0x400, s0;
	_ =	swait.ge [sflag:s28], $0x2000  }
0xc2: {  	s2 =	sshra.s32 s2, $0x2;
	[sflag:s28] =	ssyncset.done $0x0  }
0xc3: {  	s6 =	sadd.s32 $0x2800, s2;
	[sflag:s28] =	ssyncadd.s32 $0xFFFFE000  }
0xc4: {  	[spmem:s1] =	stream.indirect.scatter.add.f32 [tilespmem:s21], [sflag:$0x3], $0x80, s6, s24, $0xb8;
	[tilespmem:$0x1D000] =	vst v63  }
0xc5: {  	_ =	swait.ge [sflag:s22], $0x2000  }
0xc6: {  	[sflag:s22] =	ssyncset.done $0x0  }
0xc7: {  	s6 =	sadd.s32 $0x100, s2;
	[sflag:s22] =	ssyncadd.s32 $0xFFFFE000  }
0xc8: {  	[tilespmem:s21], [sflag:$0x1] =	stream.indirect.gather [hbm4b:s4+s24], $0x80, s6, s24, $0xb8;
	[tilespmem:$0x1D000] =	vst v63  }
0xc9: {  	_ =	swait.ge [sflag:s29], $0x2000  }
0xca: {  	[sflag:s29] =	ssyncset.done $0x0  }
.Ltmp4:
0xcb: {  	s6 =	sadd.s32 $0x2880, s2;
	[sflag:s29] =	ssyncadd.s32 $0xFFFFE000;
	(pc) =	sbr.rel @p0 .LBB2_10-.Ltmp4, $4  }
0xcc: {  	[spmem:s1] =	stream.indirect.scatter.add.f32 [tilespmem:s26], [sflag:$0x3], $0x80, s6, s24, $0xb8;
	[tilespmem:$0x1D000] =	vst v63  }
0xcd: {  	_ =	swait.ge [sflag:s22], $0x2000  }
0xce: {  	[sflag:s22] =	ssyncset.done $0x0  }
0xcf: {  	s2 =	sadd.s32 $0x180, s2;
	[sflag:s22] =	ssyncadd.s32 $0xFFFFE000  }
0xd0: {  	[tilespmem:s26], [sflag:$0x2] =	stream.indirect.gather [hbm4b:s4+s24], $0x80, s2, s24, $0xb8;
	[tilespmem:$0x1D000] =	vst v63  }
0xd1: {  	_ =	swait.ge [sflag:s28], $0x2000  }
0xd2: {  	[sflag:s28] =	ssyncset.done $0x0  }
0xd3: {  	[sflag:s28] =	ssyncadd.s32 $0xFFFFE000  }
0xd4: {  	[spmem:s1] =	stream.indirect.scatter.add.f32 [tilespmem:s21], [sflag:$0x3], $0x80, s30, s24, $0xb8;
	[tilespmem:$0x1D000] =	vst v63  }
0xd5: {  	_ =	swait.ge [sflag:s22], $0x2000  }
0xd6: {  	[sflag:s22] =	ssyncset.done $0x0  }
0xd7: {  	[sflag:s22] =	ssyncadd.s32 $0xFFFFE000  }
0xd8: {  	_ =	swait.ge [sflag:s29], $0x2000  }
0xd9: {  	[sflag:s29] =	ssyncset.done $0x0  }
0xda: {  	[sflag:s29] =	ssyncadd.s32 $0xFFFFE000  }
0xdb: {  	[spmem:s1] =	stream.indirect.scatter.add.f32 [tilespmem:s26], [sflag:$0x3], $0x80, s31, s24, $0xb8;
	[tilespmem:$0x1D000] =	vst v63  }
0xdc: {  	s0 =	stileid.u32;
	_ =	swait.ge [sflag:s22], $0x2000  }
0xdd: {  	s6 =	sshrl.u32 s5, $0x3;
	s3 =	sadd.s32 $0x1, s3;
	[sflag:s22] =	ssyncset.done $0x0  }
0xde: {  	s0 =	sshll.u32 s0, $0x6;
	p0 =	sne.s32 s3, s20;
	[sflag:s22] =	ssyncadd.s32 $0xFFFFE000  }
.Ltmp5:
0xdf: {  	s0 =	sor.u32 $0x1C03, s0;
	[bflag:$0x0] =	sbarrier.arrive $0xFFFF;
	(pc) =	sbr.rel @p0 .LBB2_1-.Ltmp5, $4  }
0xe0: {  	[hbm:s19], [sflag:s0] =	dma.local [spmem:s6], $0x2800  }
0xe1: {  	_ =	swait.ge [sflag:s22], $0x2800  }
0xe2: {  	[sflag:s22] =	ssyncset.done $0x0  }
0xe3: {  	[sflag:s22] =	ssyncadd.s32 $0xFFFFD800  }
0xe4: {  	_ =	sfence.sel $0x180000  }
0xe5: {  	[bflag:$0x0] =	sbarrier.arrive $0xFFFF  }
0xe6: {  	_ =	strace $0x9000004A  }
0xe7: {  	s0 =	stileid.u32;
	[bflag:$0x2] =	sbarrier.arrive $0xFFFF  }
0xe8: {  	p0 =	sne.s32 s0, $0x0;
	s0 =	rddreg [dreg:$0x2]  }
0xe9: {  	s0 =	sadd.s32 @!p0 $0x100000, s0  }
0xea: {  	[sflag:s0] =	ssyncadd.tile.s32 @!p0 $0x1;
	_ =	shalt  }
.Lfunc_end2:
_tile_overlayer_lowered:
.L_overlay_start_2:
0xeb: {  	(tag) =	ssettag $0x2  }
0xec: {  	s0 =	rddreg [dreg:$0x0];
	s2 =	stileid.u32  }
0xed: {  	s1 =	rddreg [dreg:$0x1];
	p0 =	sne.s32 s2, $0x0  }
0xee: {  	s3 =	rddreg [dreg:$0x2];
	[bflag:$0x3] =	sbarrier.arrive $0xFFFF;
	s2 =	simm.s32 @!p0 $0x1C03  }
0xef: {  	[timem:s3], [sflag:s2] =	dma.local @!p0 [hbm:s0], s1  }
0xf0: {  	s0 =	simm.s32 @!p0 $0x3  }
0xf1: {  	_ =	swait.ge @!p0 [sflag:s0], s1  }
0xf2: {  	s1 =	ssub.s32 @!p0 $0x0, s1;
	[sflag:s0] =	ssyncset.done @!p0 $0x0  }
0xf3: {  	[sflag:s0] =	ssyncadd.s32 @!p0 s1  }
0xf4: {  	[bflag:$0x3] =	sbarrier.arrive $0xFFFF  }
0xf5: {  	_ =	shalt  }

// kernel: kernel.7.cloned.1.call-start
scs
__scs_entry_jumppad:
0x0: {  	(pc) =	sbr.rel $0x88, $3  }
0x1: {  	(tag) =	ssettag $0x0;
	lr =	simm.s32 $0x1  }
0x2: {  	[smem:$0x3F94] =	sst lr;
	_ =	strace $0xD0000000  }
0x3: {  	_ = 	snop  }
0x4: {  	_ = 	snop  }
0x5: {  	_ = 	snop  }
0x6: {  	_ = 	snop  }
0x7: {  	_ = 	snop  }
__scs_overlays_trampoline_lowered:
0x8: {  	[smem:$0x3FA3] =	sst s0  }
0x9: {  	[smem:$0x3FA4] =	sst s1  }
0xa: {  	[smem:$0x3FA5] =	sst s2  }
0xb: {  	[smem:$0x3FA6] =	sst s3  }
0xc: {  	[smem:$0x3FA7] =	sst s4  }
0xd: {  	[smem:$0x3FA8] =	sst s5  }
0xe: {  	[smem:$0x3FA9] =	sst s6  }
0xf: {  	[smem:$0x3FAA] =	sst s7  }
0x10: {  	[smem:$0x3FAB] =	sst s8  }
0x11: {  	[smem:$0x3FAC] =	sst s9;
	s0 =	simm.s32 @!p0 $0x0  }
0x12: {  	s1 =	sld [smem:$0x3F92];
	s0 =	simm.s32 @p0 $0x1  }
0x13: {  	[smem:$0x3FAD] =	sst s0;
	s0 =	simm.s32 @!p1 $0x0  }
0x14: {  	s2 =	sld [smem:$0x3F91];
	s0 =	simm.s32 @p1 $0x1  }
0x15: {  	[smem:$0x3FAE] =	sst s0;
	s0 =	simm.s32 @!p2 $0x0  }
0x16: {  	s3 =	sld [smem:$0x3FDB];
	s0 =	simm.s32 @p2 $0x1  }
0x17: {  	s4 =	simm.s32 $0x1BF5;
	[smem:$0x3FB0] =	sst s0  }
0x18: {  	s0 =	sld [smem:$0x3F93];
	_ =	swait.ge [sflag:s4], $0x0  }
0x19: {  	s7 =	sld [smem:$0x3F94]  }
0x1a: {  	s8 =	sadd.s32 $0xFFFFE003, lr  }
0x1b: {  	s9 =	sadd.s32 $0xFFFFFEF7, lr;
	s5 =	simm.s32 $0xFFFFFFFF;
	p2 =	slt.u32 s8, $0xFFFFF086  }
0x1c: {  	p1 =	slt.u32 s9, $0xF7A;
	s5 =	simm.s32 @!p2 $0x0  }
0x1d: {  	s5 =	simm.s32 @p1 $0x1;
	p0 =	seq.s32 s7, s2  }
0x1e: {  	s7 =	smul.u32 @!p0 $0xF7A, s2;
	p2 =	seq.s32 @!p0 s5, $0x0  }
0x1f: {  	s9 =	smul.u32 $0xF7A, s1;
	s8 =	simm.s32 @!p0 $0x1BF5;
	p2 =	por !p2, p0  }
0x20: {  	[sflag:s8] =	ssyncset.s32 @!p0 $0xFFFFF086;
	s6 =	sadd.s32 @!p0 s3, s7;
	s7 =	simm.s32 @!p0 $0x108  }
0x21: {  	s3 =	sadd.s32 s3, s9;
	s6 =	sadd.s32 @!p0 $0x88, s6;
	s7 =	simm.s32 @p2 $0x1082  }
0x22: {  	[simem:s7], [sflag:s8] =	dma.local @!p0 [hbm:s6], $0xF7A  }
0x23: {  	s9 =	sor.u32 $0xD0000000, s2;
	s6 =	simm.s32 $0x108;
	_ =	swait.ge @!p0 [sflag:s8], $0x0  }
0x24: {  	s3 =	sadd.s32 $0x88, s3;
	s6 =	simm.s32 @!p1 $0x1082;
	[sflag:s4] =	ssyncset.s32 $0xFFFFF086  }
0x25: {  	[simem:s6], [sflag:s4] =	dma.local [hbm:s3], $0xF7A  }
0x26: {  	[smem:$0x3F94] =	sst s1;
	(tag) =	ssettag s2;
	_ =	strace s9  }
0x27: {  	s1 =	sld [smem:$0x3FA4]  }
0x28: {  	s2 =	sld [smem:$0x3FA5]  }
0x29: {  	s4 =	sld [smem:$0x3FA7]  }
0x2a: {  	p0 =	seq.s32 s5, $0x0;
	s5 =	sld [smem:$0x3FA8]  }
0x2b: {  	s6 =	sld [smem:$0x3FA9]  }
0x2c: {  	s7 =	sld [smem:$0x3FAA]  }
0x2d: {  	s3 =	simm.s32 $0x108;
	s8 =	sld [smem:$0x3FAB]  }
0x2e: {  	s3 =	simm.s32 @!p0 $0x1082;
	s9 =	sld [smem:$0x3FAC]  }
0x2f: {  	lr =	sadd.s32 s0, s3;
	s0 =	sld [smem:$0x3FA3]  }
0x30: {  	s3 =	sld [smem:$0x3FA6]  }
0x31: {  	[smem:$0x3FAF] =	sst s10  }
0x32: {  	s10 =	sld [smem:$0x3FAD];
	_ =	sdelay $0x3  }
0x33: {  	p0 =	seq.s32 s10, $0x1;
	s10 =	sld [smem:$0x3FAF];
	_ =	sdelay $0x3  }
0x34: {  	[smem:$0x3FAF] =	sst s10  }
0x35: {  	s10 =	sld [smem:$0x3FAE];
	_ =	sdelay $0x3  }
0x36: {  	p1 =	seq.s32 s10, $0x1;
	s10 =	sld [smem:$0x3FAF];
	_ =	sdelay $0x3  }
0x37: {  	[smem:$0x3FAF] =	sst s10  }
0x38: {  	s10 =	sld [smem:$0x3FB0]  }
0x39: {  	_ = 	snop;
	(pc) =	sbr.ind lr, $3  }
0x3a: {  	_ = 	snop  }
0x3b: {  	_ = 	snop  }
0x3c: {  	p2 =	seq.s32 s10, $0x1;
	s10 =	sld [smem:$0x3FAF]  }
0x3d: {  	_ =	shalt  }
0x3e: {  	_ =	shalt  }
0x3f: {  	_ =	shalt  }
0x40: {  	_ =	shalt  }
0x41: {  	_ =	shalt  }
0x42: {  	_ =	shalt  }
0x43: {  	_ =	shalt  }
0x44: {  	_ =	shalt  }
0x45: {  	_ =	shalt  }
0x46: {  	_ =	shalt  }
0x47: {  	_ =	shalt  }
0x48: {  	_ =	shalt  }
0x49: {  	_ =	shalt  }
0x4a: {  	_ =	shalt  }
0x4b: {  	_ =	shalt  }
0x4c: {  	_ =	shalt  }
0x4d: {  	_ =	shalt  }
0x4e: {  	_ =	shalt  }
0x4f: {  	_ =	shalt  }
0x50: {  	_ =	shalt  }
0x51: {  	_ =	shalt  }
0x52: {  	_ =	shalt  }
0x53: {  	_ =	shalt  }
0x54: {  	_ =	shalt  }
0x55: {  	_ =	shalt  }
0x56: {  	_ =	shalt  }
0x57: {  	_ =	shalt  }
0x58: {  	_ =	shalt  }
0x59: {  	_ =	shalt  }
0x5a: {  	_ =	shalt  }
0x5b: {  	_ =	shalt  }
0x5c: {  	_ =	shalt  }
0x5d: {  	_ =	shalt  }
0x5e: {  	_ =	shalt  }
0x5f: {  	_ =	shalt  }
0x60: {  	_ =	shalt  }
0x61: {  	_ =	shalt  }
0x62: {  	_ =	shalt  }
0x63: {  	_ =	shalt  }
0x64: {  	_ =	shalt  }
0x65: {  	_ =	shalt  }
0x66: {  	_ =	shalt  }
0x67: {  	_ =	shalt  }
0x68: {  	_ =	shalt  }
0x69: {  	_ =	shalt  }
0x6a: {  	_ =	shalt  }
0x6b: {  	_ =	shalt  }
0x6c: {  	_ =	shalt  }
0x6d: {  	_ =	shalt  }
0x6e: {  	_ =	shalt  }
0x6f: {  	_ =	shalt  }
0x70: {  	_ =	shalt  }
0x71: {  	_ =	shalt  }
0x72: {  	_ =	shalt  }
0x73: {  	_ =	shalt  }
0x74: {  	_ =	shalt  }
0x75: {  	_ =	shalt  }
0x76: {  	_ =	shalt  }
0x77: {  	_ =	shalt  }
0x78: {  	_ =	shalt  }
0x79: {  	_ =	shalt  }
0x7a: {  	_ =	shalt  }
0x7b: {  	_ =	shalt  }
0x7c: {  	_ =	shalt  }
0x7d: {  	_ =	shalt  }
0x7e: {  	_ =	shalt  }
0x7f: {  	_ =	shalt  }
0x80: {  	_ =	shalt  }
0x81: {  	_ =	shalt  }
0x82: {  	_ =	shalt  }
0x83: {  	_ =	shalt  }
0x84: {  	_ =	shalt  }
0x85: {  	_ =	shalt  }
0x86: {  	_ =	shalt  }
0x87: {  	_ =	shalt  }
.Lfunc_end0:
.L_simem_size_0:
called_computation_lowered:
.L_overlay_start_0:
0x88: {  	s2 =	sld [smem:$0x3FD9]  }
0x89: {  	s3 =	sld [smem:$0x3FFE];
	_ =	sdelay $0x1  }
0x8a: {  	s1 =	srdreg.scid  }
0x8b: {  	s0 =	sand.u32 $0x1, s1  }
0x8c: {  	s17 =	sshll.u32 s0, $0xA;
	s2 =	sadd.s32 s3, s2  }
0x8d: {  	s2 =	sadd.s32 s2, s17  }
0x8e: {  	[smem:$0x3FBB] =	sst s2  }
0x8f: {  	_ = 	snop  }
0x90: {  	s2 =	sld [smem:$0x3FD0];
	(tm) =	ssettm $0x1  }
0x91: {  	s18 =	sld [smem:$0x3FFB];
	_ =	sdelay $0x3  }
0x92: {  	_ =	strace s18  }
0x93: {  	s3 =	sld [smem:$0x3FFC];
	_ =	sdelay $0x3  }
0x94: {  	_ =	strace s3  }
0x95: {  	s3 =	sld [smem:$0x3FFD];
	_ =	sdelay $0x3  }
0x96: {  	_ =	strace s3  }
0x97: {  	_ =	strace $0x8FFFFFFF  }
0x98: {  	s19 =	sld [smem:$0x3FDB];
	_ =	sdelay $0x1  }
0x99: {  	s4 =	simm.s32 $_scs_section_size  }
0x9a: {  	s5 =	simm.s32 $_size__tile_overlayer_lowered;
	s6 =	simm.s32 $_tile_overlayer_lowered  }
0x9b: {  	s22 =	simm.s32 $0x1BFF;
	s21 =	sshll.u32 s6, $0x1;
	s3 =	sadd.s32 s4, s19  }
0x9c: {  	s7 =	simm.s32 $0x0;
	s20 =	sshll.u32 s5, $0x1;
	s5 =	sadd.s32 s21, s3  }
0x9d: {  	[timem:s7], [sflag:s22] =	dma.local [hbm:s5], s20  }
0x9e: {  	_ =	swait.ge [sflag:s22], s20  }
0x9f: {  	s4 =	ssub.s32 $0x0, s20;
	[sflag:s22] =	ssyncset.done $0x0  }
0xa0: {  	[sflag:s22] =	ssyncadd.s32 s4;
	_ =	sdelay $0x1  }
0xa1: {  	s23 =	simm.s32 $0x1B8B  }
0xa2: {  	_ =	swait.ge [sflag:s23], $0x1  }
0xa3: {  	[sflag:s23] =	ssyncset.done $0x0  }
0xa4: {  	s25 =	simm.s32 $0x1B8E;
	s24 =	sld [smem:$0x3FFE];
	[sflag:s23] =	ssyncadd.s32 $0xFFFFFFFF  }
0xa5: {  	s26 =	simm.s32 $execute0_lowered;
	[smem:$0x3FD2] =	sst s25  }
0xa6: {  	s5 =	sshll.u32 s26, $0x1;
	_ =	strace $0x80000046;
	[dreg:$0x1] =	wrdreg $0xFFFFFFFF  }
0xa7: {  	s28 =	simm.s32 $_size_execute0_lowered;
	s3 =	sadd.s32 s3, s5;
	[dreg:$0x0] =	wrdreg $0x0  }
0xa8: {  	s5 =	sshll.u32 s28, $0x1;
	[dreg:$0x2] =	wrdreg s3  }
0xa9: {  	[dreg:$0x3] =	wrdreg s5  }
0xaa: {  	[dreg:$0x4] =	wrdreg $0xC0  }
0xab: {  	_ =	task [dreg:s7], $0x5FFFF  }
0xac: {  	[dreg:$0x1] =	wrdreg $0xFFFFFFFF  }
0xad: {  	[dreg:$0x0] =	wrdreg $0x60  }
0xae: {  	[dreg:$0x2] =	wrdreg s24  }
0xaf: {  	[dreg:$0x3] =	wrdreg s2  }
0xb0: {  	[dreg:$0x4] =	wrdreg $0x90000  }
0xb1: {  	[dreg:$0x5] =	wrdreg $0x94000  }
0xb2: {  	[dreg:$0x6] =	wrdreg $0x9  }
0xb3: {  	_ =	task.clear_ibuf [dreg:s7], $0x7FFFF;
	_ =	strace $0x90000046  }
0xb4: {  	s29 =	simm.s32 $0x9;
	_ =	strace $0x80000048  }
0xb5: {  	_ =	swait.ge [sflag:s29], $0x1  }
0xb6: {  	[sflag:s29] =	ssyncadd.s32 $0xFFFFFFFF  }
0xb7: {  	_ =	strace $0x90000048  }
0xb8: {  	_ =	sfence  }
0xb9: {  	s30 =	sld [smem:$0x0];
	_ =	sdelay $0x2  }
0xba: {  	s31 =	sshll.u32 s1, $0xD;
	s1 =	sshrl.u32 s1, $0x2  }
0xbb: {  	s3 =	sand.u32 $0x4000, s31;
	s1 =	sadd.s32 s1, s30  }
0xbc: {  	s0 =	sor.u32 s3, s0;
	s1 =	sshll.u32 s1, $0x11  }
0xbd: {  	s0 =	sor.u32 s1, s0  }
0xbe: {  	s0 =	sadd.s32 $0x8F2B, s0  }
0xbf: {  	[sflag:s0] =	ssyncadd.remote.s32 $0x1  }
0xc0: {  	_ =	sfence.sel $0xFFFF  }
0xc1: {  	[dreg:$0x0] =	wrdreg $0xFFFFFFFF;
	(pc) =	sbr.abs _section_cstart, $3  }
0xc2: {  	[dreg:$0x1] =	wrdreg $0xFFFFFFFF  }
0xc3: {  	_ =	task.clear_ibuf [dreg:s7], $0x2FFFF;
	_ =	strace $0x9FFFFFFF  }
0xc4: {  	(tm) =	ssettm $0x7FFFFFFF  }
0xc5: {  	_ =	shalt  }
tec
execute0_lowered:
.L_overlay_start_1:
0x0: {  	(tag) =	ssettag $0x1  }
0x1: {  	s5 =	rddreg [dreg:$0x0]  }
0x2: {  	s9 =	rddreg [dreg:$0x1]  }
0x3: {  	s1 =	rddreg [dreg:$0x2]  }
0x4: {  	s2 =	rddreg [dreg:$0x3]  }
0x5: {  	s0 =	rddreg [dreg:$0x4];
	s3 =	simm.s32 $0x0;
	s4 =	srdreg.scid  }
0x6: {  	s12 =	stileid.u32;
	s14 =	simm.s32 $0x3;
	s15 =	simm.s32 $0x5000  }
0x7: {  	s16 =	simm.s32 $0x2800;
	s17 =	simm.s32 $0x40;
	s18 =	simm.s32 $0x2880  }
0x8: {  	s19 =	simm.s32 $0x7000;
	s20 =	simm.s32 $0x1;
	s21 =	simm.s32 $0x2  }
0x9: {  	s22 =	simm.s32 $0x2700;
	s23 =	simm.s32 $0x2780;
	[smem:$0x7FF] =	sst s3  }
0xa: {  	s6 =	sand.u32 $0x1, s4;
	s4 =	sadd.s32 $0x1C00, s5;
	p0 =	sne.s32 s12, $0x0  }
0xb: {  	s7 =	smul.u32 $0x500, s6;
	s8 =	sshll.u32 s6, $0x4;
	s6 =	ssub.s32 $0x2, s6  }
0xc: {  	_ =	strace $0x80000047;
	s8 =	sor.u32 s12, s8;
	s31 =	sshrl.u32 s6, $0x1  }
0xd: {  	s12 =	sshrl.u32 s1, $0x3;
	s10 =	sadd.s32 s7, s5;
	s11 =	smul.u32 $0x500, s8  }
0xe: {  	s13 =	ssub.s32 s6, s31;
	s5 =	sadd.s32 $0x800, s2;
	s6 =	sadd.s32 $0x1000, s2  }
0xf: {  	s7 =	sadd.s32 $0x1800, s2;
	s8 =	sadd.s32 $0x2000, s2;
	s10 =	sadd.s32 $0x2400, s10  }
0x10: {  	v0 =	vimm.f32 $0.0e+00;
	s9 =	sadd.s32 s9, s11;
	s11 =	smax.u32 s13, $0x1;
	s13 =	simm.s32 $0x1C03  }
.LBB2_1:
.Ltmp0:
0x11: {  	(pc) =	sbr.rel @p0 .LBB2_5-.Ltmp0, $1  }
0x12: {  	_ =	sdelay $0x3  }
0x13: {  	[spmem:s12], [sflag:s13] =	dma.local [hbm:s4], $0x800  }
0x14: {  	_ =	swait.ge [sflag:s14], $0x800  }
0x15: {  	[sflag:s14] =	ssyncset.done $0x0  }
0x16: {  	s24 =	simm.s32 $0x0;
	s25 =	simm.s32 $0x200;
	[sflag:s14] =	ssyncadd.s32 $0xFFFFF800  }
.LBB2_3:
0x17: {  	p1 =	sne.s32 s25, $0x1E00;
	[tilespmem:s24+$0x5070] =	vst v0  }
0x18: {  	[tilespmem:s24+$0x5000] =	vst v0  }
0x19: {  	[tilespmem:s24+$0x5010] =	vst v0  }
.Ltmp1:
0x1a: {  	[tilespmem:s24+$0x5020] =	vst v0;
	(pc) =	sbr.rel @p1 .LBB2_3-.Ltmp1, $4  }
0x1b: {  	[tilespmem:s24+$0x5030] =	vst v0  }
0x1c: {  	[tilespmem:s24+$0x5040] =	vst v0  }
0x1d: {  	[tilespmem:s24+$0x5050] =	vst v0  }
0x1e: {  	[tilespmem:s24+$0x5060] =	vst v0;
	s24 =	sshra.s32 s25, $0x2;
	s25 =	sadd.s32 $0x200, s25  }
0x1f: {  	[tilespmem:s24+$0x5070] =	vst v0  }
0x20: {  	[tilespmem:s24+$0x5000] =	vst v0  }
0x21: {  	[tilespmem:s24+$0x5010] =	vst v0  }
0x22: {  	[tilespmem:s24+$0x5020] =	vst v0  }
0x23: {  	[tilespmem:s24+$0x5030] =	vst v0  }
0x24: {  	[tilespmem:s24+$0x5040] =	vst v0  }
0x25: {  	[tilespmem:s24+$0x5050] =	vst v0  }
0x26: {  	[tilespmem:s24+$0x5060] =	vst v0  }
0x27: {  	[spmem:s2] =	stream.linear.scatter [tilespmem:s15], [sflag:$0x3], $0x800, $0x38;
	[tilespmem:$0x9680] =	vst v63  }
0x28: {  	_ =	swait.ge [sflag:s14], $0x800  }
0x29: {  	[sflag:s14] =	ssyncset.done $0x0  }
0x2a: {  	[sflag:s14] =	ssyncadd.s32 $0xFFFFF800  }
0x2b: {  	[spmem:s5] =	stream.linear.scatter [tilespmem:s15], [sflag:$0x3], $0x800, $0x38;
	[tilespmem:$0x9680] =	vst v63  }
0x2c: {  	_ =	swait.ge [sflag:s14], $0x800  }
0x2d: {  	[sflag:s14] =	ssyncset.done $0x0  }
0x2e: {  	[sflag:s14] =	ssyncadd.s32 $0xFFFFF800  }
0x2f: {  	[spmem:s6] =	stream.linear.scatter [tilespmem:s15], [sflag:$0x3], $0x800, $0x38;
	[tilespmem:$0x9680] =	vst v63  }
0x30: {  	_ =	swait.ge [sflag:s14], $0x800  }
0x31: {  	[sflag:s14] =	ssyncset.done $0x0  }
0x32: {  	[sflag:s14] =	ssyncadd.s32 $0xFFFFF800  }
0x33: {  	[spmem:s7] =	stream.linear.scatter [tilespmem:s15], [sflag:$0x3], $0x800, $0x38;
	[tilespmem:$0x9680] =	vst v63  }
0x34: {  	_ =	swait.ge [sflag:s14], $0x800  }
0x35: {  	[sflag:s14] =	ssyncset.done $0x0  }
0x36: {  	[sflag:s14] =	ssyncadd.s32 $0xFFFFF800  }
0x37: {  	[spmem:s8] =	stream.linear.scatter [tilespmem:s15], [sflag:$0x3], $0x800, $0x38;
	[tilespmem:$0x9680] =	vst v63  }
0x38: {  	_ =	swait.ge [sflag:s14], $0x800  }
0x39: {  	[sflag:s14] =	ssyncset.done $0x0  }
0x3a: {  	[sflag:s14] =	ssyncadd.s32 $0xFFFFF800  }
.LBB2_5:
0x3b: {  	[bflag:$0x0] =	sbarrier.arrive $0xFFFF;
	s24 =	simm.s32 $0x0  }
0x3c: {  	[tilespmem:s24], [sflag:$0x3] =	stream.linear.gather [hbm4b:s9+s24], $0x2800, $0x38;
	[tilespmem:$0x9680] =	vst v63  }
0x3d: {  	_ =	swait.ge [sflag:s14], $0x2800  }
0x3e: {  	[sflag:s14] =	ssyncset.done $0x0  }
0x3f: {  	[sflag:s14] =	ssyncadd.s32 $0xFFFFD800  }
0x40: {  	[tilespmem:s16], [sflag:$0x3] =	stream.linear.gather [hbm4b:s9+s24], $0x2800, $0x38;
	[tilespmem:$0x9680] =	vst v63  }
0x41: {  	_ =	swait.ge [sflag:s14], $0x2800  }
0x42: {  	[sflag:s14] =	ssyncset.done $0x0  }
0x43: {  	s24 =	simm.s32 $0x0;
	[sflag:s14] =	ssyncadd.s32 $0xFFFFD800  }
0x44: {  	v3 =	vld [tilespmem:s24+$0x2800]  }
0x45: {  	v5 =	vld [tilespmem:s24+$0x0]  }
0x46: {  	v4 =	vld [tilespmem:s24+$0x2810]  }
0x47: {  	v2 =	vld [tilespmem:s24+$0x10]  }
0x48: {  	v1 =	vld [tilespmem:s24+$0x2820]  }
0x49: {  	v6 =	vand.u32 $0x7F, v3;
	v3 =	vld [tilespmem:s24+$0x20]  }
0x4a: {  	s25 =	simm.s32 $0x200;
	[tilespmem:s24+$0x2800] =	vst v6;
	v6 =	vshrl.u32 v5, $0x7;
	v5 =	vld [tilespmem:s24+$0x2830]  }
.LBB2_6:
0x4b: {  	s26 =	sshra.s32 s25, $0x2;
	p1 =	sne.s32 s25, $0x9E00;
	[tilespmem:s24+$0x0] =	vst v6;
	v4 =	vand.u32 $0x7F, v4;
	v6 =	vld [tilespmem:s24+$0x30]  }
0x4c: {  	v7 =	vld [tilespmem:s26+$0x2800];
	[tilespmem:s24+$0x2810] =	vst v4;
	v2 =	vshrl.u32 v2, $0x7  }
0x4d: {  	v8 =	vld [tilespmem:s26+$0x0];
	[tilespmem:s24+$0x10] =	vst v2;
	v1 =	vand.u32 $0x7F, v1  }
.Ltmp2:
0x4e: {  	v4 =	vld [tilespmem:s26+$0x2810];
	[tilespmem:s24+$0x2820] =	vst v1;
	v1 =	vshrl.u32 v3, $0x7;
	(pc) =	sbr.rel @p1 .LBB2_6-.Ltmp2, $4  }
0x4f: {  	v2 =	vld [tilespmem:s26+$0x10];
	[tilespmem:s24+$0x20] =	vst v1;
	v3 =	vand.u32 $0x7F, v5  }
0x50: {  	v1 =	vld [tilespmem:s26+$0x2820];
	[tilespmem:s24+$0x2830] =	vst v3;
	v5 =	vshrl.u32 v6, $0x7  }
0x51: {  	v6 =	vand.u32 $0x7F, v7;
	v3 =	vld [tilespmem:s26+$0x20];
	[tilespmem:s24+$0x30] =	vst v5;
	s24 =	smov.u32 s26  }
0x52: {  	s25 =	sadd.s32 $0x200, s25;
	[tilespmem:s24+$0x2800] =	vst v6;
	v6 =	vshrl.u32 v8, $0x7;
	v5 =	vld [tilespmem:s24+$0x2830]  }
0x53: {  	[tilespmem:s24+$0x0] =	vst v6;
	v4 =	vand.u32 $0x7F, v4;
	v63 =	vld [tilespmem:s24+$0x30]  }
0x54: {  	[tilespmem:s24+$0x2810] =	vst v4;
	v2 =	vshrl.u32 v2, $0x7  }
0x55: {  	[tilespmem:s24+$0x10] =	vst v2;
	v1 =	vand.u32 $0x7F, v1  }
0x56: {  	[tilespmem:s24+$0x2820] =	vst v1;
	v1 =	vshrl.u32 v3, $0x7  }
0x57: {  	[tilespmem:s24+$0x20] =	vst v1;
	v1 =	vand.u32 $0x7F, v5  }
0x58: {  	[tilespmem:s24+$0x2830] =	vst v1;
	v1 =	vshrl.u32 v63, $0x7  }
0x59: {  	[tilespmem:s24+$0x30] =	vst v1  }
0x5a: {  	[tilespmem:s15], [sflag:$0x1] =	stream.indirect.gather [spmem:s1], $0x80, s16, s17, $0xb8;
	[tilespmem:$0x9680] =	vst v63  }
0x5b: {  	_ = 	snop  }
0x5c: {  	[tilespmem:s19], [sflag:$0x2] =	stream.indirect.gather [spmem:s1], $0x80, s18, s17, $0xb8;
	[tilespmem:$0x9680] =	vst v63  }
0x5d: {  	_ =	swait.ge [sflag:s20], $0x2000  }
0x5e: {  	[sflag:s20] =	ssyncset.done $0x0  }
0x5f: {  	s29 =	simm.s32 $0x0;
	[sflag:s20] =	ssyncadd.s32 $0xFFFFE000  }
0x60: {  	[spmem:s2] =	stream.indirect.scatter.add.f32 [tilespmem:s15], [sflag:$0x3], $0x80, s29, s17, $0xb8;
	[tilespmem:$0x9680] =	vst v63  }
0x61: {  	_ =	swait.ge [sflag:s14], $0x2000  }
0x62: {  	[sflag:s14] =	ssyncset.done $0x0  }
0x63: {  	s30 =	simm.s32 $0x2900;
	[sflag:s14] =	ssyncadd.s32 $0xFFFFE000  }
0x64: {  	[tilespmem:s15], [sflag:$0x1] =	stream.indirect.gather [spmem:s1], $0x80, s30, s17, $0xb8;
	[tilespmem:$0x9680] =	vst v63  }
0x65: {  	_ =	swait.ge [sflag:s21], $0x2000  }
0x66: {  	[sflag:s21] =	ssyncset.done $0x0  }
0x67: {  	s31 =	simm.s32 $0x80;
	[sflag:s21] =	ssyncadd.s32 $0xFFFFE000  }
0x68: {  	[spmem:s2] =	stream.indirect.scatter.add.f32 [tilespmem:s19], [sflag:$0x3], $0x80, s31, s17, $0xb8;
	[tilespmem:$0x9680] =	vst v63  }
0x69: {  	_ =	swait.ge [sflag:s14], $0x2000  }
0x6a: {  	[sflag:s14] =	ssyncset.done $0x0  }
0x6b: {  	s25 =	simm.s32 $0x2980;
	s24 =	simm.s32 $0x400;
	[sflag:s14] =	ssyncadd.s32 $0xFFFFE000  }
.LBB2_8:
0x6c: {  	[tilespmem:s19], [sflag:$0x2] =	stream.indirect.gather [spmem:s1], $0x80, s25, s17, $0xb8;
	[tilespmem:$0x9680] =	vst v63  }
0x6d: {  	s25 =	smov.u32 s24  }
0x6e: {  	p1 =	sne.s32 s24, $0x9800;
	s24 =	sadd.s32 $0x400, s24;
	_ =	swait.ge [sflag:s20], $0x2000  }
0x6f: {  	[sflag:s20] =	ssyncset.done $0x0  }
0x70: {  	s25 =	sshra.s32 s25, $0x2;
	[sflag:s20] =	ssyncadd.s32 $0xFFFFE000  }
0x71: {  	[spmem:s2] =	stream.indirect.scatter.add.f32 [tilespmem:s15], [sflag:$0x3], $0x80, s25, s17, $0xb8;
	[tilespmem:$0x9680] =	vst v63  }
0x72: {  	_ =	swait.ge [sflag:s14], $0x2000  }
0x73: {  	[sflag:s14] =	ssyncset.done $0x0  }
0x74: {  	s26 =	sadd.s32 $0x2900, s25;
	[sflag:s14] =	ssyncadd.s32 $0xFFFFE000  }
0x75: {  	[tilespmem:s15], [sflag:$0x1] =	stream.indirect.gather [spmem:s1], $0x80, s26, s17, $0xb8;
	[tilespmem:$0x9680] =	vst v63  }
0x76: {  	_ =	swait.ge [sflag:s21], $0x2000  }
0x77: {  	[sflag:s21] =	ssyncset.done $0x0  }
.Ltmp3:
0x78: {  	s26 =	sadd.s32 $0x80, s25;
	[sflag:s21] =	ssyncadd.s32 $0xFFFFE000;
	(pc) =	sbr.rel @p1 .LBB2_8-.Ltmp3, $4  }
0x79: {  	[spmem:s2] =	stream.indirect.scatter.add.f32 [tilespmem:s19], [sflag:$0x3], $0x80, s26, s17, $0xb8;
	[tilespmem:$0x9680] =	vst v63  }
0x7a: {  	_ =	swait.ge [sflag:s14], $0x2000  }
0x7b: {  	[sflag:s14] =	ssyncset.done $0x0  }
0x7c: {  	s25 =	sadd.s32 $0x2980, s25;
	[sflag:s14] =	ssyncadd.s32 $0xFFFFE000  }
0x7d: {  	[tilespmem:s19], [sflag:$0x2] =	stream.indirect.gather [spmem:s1], $0x80, s25, s17, $0xb8;
	[tilespmem:$0x9680] =	vst v63  }
0x7e: {  	_ =	swait.ge [sflag:s20], $0x2000  }
0x7f: {  	[sflag:s20] =	ssyncset.done $0x0  }
0x80: {  	[sflag:s20] =	ssyncadd.s32 $0xFFFFE000  }
0x81: {  	[spmem:s2] =	stream.indirect.scatter.add.f32 [tilespmem:s15], [sflag:$0x3], $0x80, s22, s17, $0xb8;
	[tilespmem:$0x9680] =	vst v63  }
0x82: {  	_ =	swait.ge [sflag:s14], $0x2000  }
0x83: {  	[sflag:s14] =	ssyncset.done $0x0  }
0x84: {  	[sflag:s14] =	ssyncadd.s32 $0xFFFFE000  }
0x85: {  	_ =	swait.ge [sflag:s21], $0x2000  }
0x86: {  	[sflag:s21] =	ssyncset.done $0x0  }
0x87: {  	[sflag:s21] =	ssyncadd.s32 $0xFFFFE000  }
0x88: {  	[spmem:s2] =	stream.indirect.scatter.add.f32 [tilespmem:s19], [sflag:$0x3], $0x80, s23, s17, $0xb8;
	[tilespmem:$0x9680] =	vst v63  }
0x89: {  	_ =	swait.ge [sflag:s14], $0x2000  }
0x8a: {  	[sflag:s14] =	ssyncset.done $0x0  }
0x8b: {  	s24 =	sshrl.u32 @!p0 s2, $0x3;
	s3 =	sadd.s32 $0x1, s3;
	[sflag:s14] =	ssyncadd.s32 $0xFFFFE000  }
0x8c: {  	s25 =	simm.s32 @!p0 $0x1C03;
	p1 =	sne.s32 s3, s11;
	[bflag:$0x0] =	sbarrier.arrive $0xFFFF  }
0x8d: {  	[hbm:s10], [sflag:s25] =	dma.local @!p0 [spmem:s24], $0x500  }
.Ltmp4:
0x8e: {  	_ = 	snop;
	(pc) =	sbr.rel @p1 .LBB2_1-.Ltmp4, $4  }
0x8f: {  	s24 =	simm.s32 @!p0 $0x3  }
0x90: {  	_ =	swait.ge @!p0 [sflag:s24], $0x500  }
0x91: {  	[sflag:s24] =	ssyncset.done @!p0 $0x0  }
0x92: {  	[sflag:s24] =	ssyncadd.s32 @!p0 $0xFFFFFB00  }
0x93: {  	_ =	sfence.sel $0x180000  }
0x94: {  	[bflag:$0x0] =	sbarrier.arrive $0xFFFF  }
0x95: {  	_ =	strace $0x90000047  }
0x96: {  	s0 =	sadd.s32 @!p0 $0x100000, s0;
	[bflag:$0x2] =	sbarrier.arrive $0xFFFF  }
0x97: {  	[sflag:s0] =	ssyncadd.tile.s32 @!p0 $0x1;
	_ =	shalt  }
.Lfunc_end2:
_tile_overlayer_lowered:
.L_overlay_start_2:
0x98: {  	(tag) =	ssettag $0x2  }
0x99: {  	s0 =	rddreg [dreg:$0x0];
	s2 =	stileid.u32  }
0x9a: {  	s1 =	rddreg [dreg:$0x1];
	p0 =	sne.s32 s2, $0x0  }
0x9b: {  	s3 =	rddreg [dreg:$0x2];
	[bflag:$0x3] =	sbarrier.arrive $0xFFFF;
	s2 =	simm.s32 @!p0 $0x1C03  }
0x9c: {  	[timem:s3], [sflag:s2] =	dma.local @!p0 [hbm:s0], s1  }
0x9d: {  	s0 =	simm.s32 @!p0 $0x3  }
0x9e: {  	_ =	swait.ge @!p0 [sflag:s0], s1  }
0x9f: {  	s1 =	ssub.s32 @!p0 $0x0, s1;
	[sflag:s0] =	ssyncset.done @!p0 $0x0  }
0xa0: {  	[sflag:s0] =	ssyncadd.s32 @!p0 s1  }
0xa1: {  	[bflag:$0x3] =	sbarrier.arrive $0xFFFF  }
0xa2: {  	_ =	shalt  }

</sc_bundles>
